<compile_context>
chip_gen: v7x
topology: tpu7x:2x2x1
jax: 0.10.2.dev20260603
libtpu: 0.0.44.dev20260713+nightly
codegen_flags: <defaults>
</compile_context>

<pallas_src>
import functools

import jax
import jax.numpy as jnp
from jax import lax
from jax.experimental import pallas as pl
from jax.experimental.pallas import tpu as pltpu
from jax.experimental.pallas import tpu_sc as plsc

_VOCAB = 100000
_D = 64
_MAX_OFF = 128
_EPS = 1e-12
_B, _S = 4, 512

_TAB_ROWS = 1040
_KPAD = 264
_BANKS = 8
_BI = 64


def _layernorm_rows(x):
    u = jnp.mean(x, axis=-1, keepdims=True)
    s = jnp.mean((x - u) ** 2, axis=-1, keepdims=True)
    return (x - u) / jnp.sqrt(s + _EPS)


def _embd2_body(wrel_ref, types_smem, tcol_ref, out_ref, tab_s):
    b = pl.program_id(0)
    ib = pl.program_id(1)

    @pl.when((b == 0) & (ib == 0))
    def _build_table():
        rr = lax.broadcasted_iota(jnp.int32, (_BANKS, _TAB_ROWS, _KPAD), 0)
        kk = lax.broadcasted_iota(jnp.int32, (_BANKS, _TAB_ROWS, _KPAD), 1)
        vv = lax.broadcasted_iota(jnp.int32, (_BANKS, _TAB_ROWS, _KPAD), 2)
        karg = kk + rr
        d = karg - (_S - 1)
        toepval = jnp.where(d >= 0, jnp.minimum(d, _MAX_OFF - 1),
                            jnp.maximum(d, -_MAX_OFF + 1) + 2 * _MAX_OFF)
        g = jnp.where(karg < 2 * _S - 1, toepval, 0)
        g = jnp.where(karg == 1024, _MAX_OFF, g)
        g = jnp.where(karg == 1025, 2 * _MAX_OFF, g)
        g = jnp.where(karg == 1026, 2 * _MAX_OFF + 1, g)
        onehot = (g == vv).astype(jnp.float32)
        onehot = onehot.reshape(_BANKS * _TAB_ROWS, _KPAD)
        ln_rel = _layernorm_rows(wrel_ref[...])
        tab_s[...] = jnp.dot(onehot, ln_rel,
                             precision=lax.Precision.HIGHEST,
                             preferred_element_type=jnp.float32)

    r128 = tab_s[1024:1025, :]
    for c in range(_BI):
        i = ib * _BI + c
        ti = types_smem[b, i]
        mask = tcol_ref[0] == ti
        s = _S - 1 - i
        r = lax.rem(s, 8)
        start = pl.multiple_of(r * _TAB_ROWS + (s - r), 8)
        win = tab_s[pl.ds(start, _S), :]
        base = jnp.where(mask, win, r128)

        if c == 0:
            @pl.when(ib == 0)
            def _first_row():
                jcol = lax.broadcasted_iota(jnp.int32, (_S, 1), 0)
                out_ref[0, 0] = jnp.where(jcol >= 1, tab_s[1025:1026, :], base)

            @pl.when(ib > 0)
            def _other_first():
                out_ref[0, 0] = base
                out_ref[0, 0, 0:1, :] = tab_s[1026:1027, :]
        else:
            out_ref[0, c] = base
            out_ref[0, c, 0:1, :] = tab_s[1026:1027, :]


def _embd1_body(rows_ref, tcol_ref, wtype_ref, out_ref):
    mask = tcol_ref[0] == 0
    tw = jnp.where(mask, wtype_ref[0:1, :], wtype_ref[1:2, :])
    out_ref[0] = _layernorm_rows(rows_ref[0] + tw)


_SC_CORES = 2
_SC_SUBCORES = 16
_NW = _SC_CORES * _SC_SUBCORES
_ROWS_PER_W = (_B * _S) // _NW


def _sc_word_gather_body(table_hbm, idx_hbm, out_hbm, idx_v, rows_v, sem):
    wid = lax.axis_index("s") * _SC_CORES + lax.axis_index("c")
    base = wid * _ROWS_PER_W
    pltpu.sync_copy(idx_hbm.at[pl.ds(base, _ROWS_PER_W)], idx_v)
    pltpu.async_copy(table_hbm.at[idx_v], rows_v, sem).wait()
    pltpu.sync_copy(rows_v, out_hbm.at[pl.ds(base, _ROWS_PER_W)])


def _make_sc_word_gather():
    return pl.kernel(
        _sc_word_gather_body,
        mesh=plsc.VectorSubcoreMesh(core_axis_name="c", subcore_axis_name="s"),
        out_type=jax.ShapeDtypeStruct((_B * _S, _D), jnp.float32),
        scratch_types=[
            pltpu.VMEM((_ROWS_PER_W,), jnp.int32),
            pltpu.VMEM((_ROWS_PER_W, _D), jnp.float32),
            pltpu.SemaphoreType.DMA,
        ],
        compiler_params=pltpu.CompilerParams(use_tc_tiling_on_sc=False),
    )


def kernel(tok_seq, tok_type_ids, W_word, W_type, W_rel):
    types_col = tok_type_ids[:, :, None]
    wrel_pad = jnp.zeros((_KPAD, _D), jnp.float32).at[: 2 * _MAX_OFF + 2].set(W_rel)

    word_rows = _make_sc_word_gather()(W_word, tok_seq.reshape(-1))

    embd2 = pl.pallas_call(
        _embd2_body,
        grid=(_B, _S // _BI),
        in_specs=[
            pl.BlockSpec((_KPAD, _D), lambda b, i: (0, 0)),
            pl.BlockSpec(memory_space=pltpu.SMEM),
            pl.BlockSpec((1, _S, 1), lambda b, i: (b, 0, 0)),
        ],
        out_specs=pl.BlockSpec((1, _BI, _S, _D), lambda b, i: (b, i, 0, 0)),
        out_shape=jax.ShapeDtypeStruct((_B, _S, _S, _D), jnp.float32),
        scratch_shapes=[pltpu.VMEM((_BANKS * _TAB_ROWS, _D), jnp.float32)],
        compiler_params=pltpu.CompilerParams(
            dimension_semantics=("arbitrary", "arbitrary"),
            vmem_limit_bytes=60000 * 1024),
    )(wrel_pad, tok_type_ids, types_col)

    embd1 = pl.pallas_call(
        _embd1_body,
        grid=(_B,),
        in_specs=[
            pl.BlockSpec((1, _S, _D), lambda b: (b, 0, 0)),
            pl.BlockSpec((1, _S, 1), lambda b: (b, 0, 0)),
            pl.BlockSpec((2, _D), lambda b: (0, 0)),
        ],
        out_specs=pl.BlockSpec((1, _S, _D), lambda b: (b, 0, 0)),
        out_shape=jax.ShapeDtypeStruct((_B, _S, _D), jnp.float32),
    )(word_rows.reshape(_B, _S, _D), types_col, W_type)

    return (embd1, embd2)

# --- scband reference (transcript-rebuilt; emitter-appended) ---
"""Pipeline reference for scband-encoder-5531917878006 (READ-ONLY COPY).

The authoritative reference and input builder live on the scoring server;
editing this copy changes nothing except your own understanding.
"""

import jax, jax.numpy as jnp
import numpy as np

VOCAB = 100000
TYPE_VOCAB = 2
D1 = 64
D2 = 64
MAX_OFF = 128
EPS = 1e-12
B, S = 4, 512


def _rel_pos_ids(seq_length, max_off):
    r = np.arange(0, seq_length, 1)
    r = np.clip(r, None, max_off - 1)
    c = np.arange(0, -seq_length, -1)
    c = np.clip(c, -max_off + 1, None)
    c = c.copy()
    c[1:] += 2 * max_off
    i = np.arange(seq_length)[:, None]
    j = np.arange(seq_length)[None, :]
    d = j - i
    # scipy toeplitz(c, r): T[i,j] = c[i-j] if i>=j else r[j-i]
    out = np.where(d >= 0, r[np.clip(d, 0, None)], c[np.clip(-d, 0, None)])
    return out.astype(np.int32)


def _layernorm(x, eps=EPS):
    u = x.mean(-1, keepdims=True)
    s = ((x - u) ** 2).mean(-1, keepdims=True)
    return (x - u) / jnp.sqrt(s + eps)


def setup_inputs(seed: int = 0):
    key = jax.random.key(seed)
    k1, k2, k3, k4, k5 = jax.random.split(key, 5)
    tok_seq = jax.random.randint(k1, (B, S), 0, VOCAB, dtype=jnp.int32)
    tok_type_ids = jax.random.randint(k2, (B, S), 0, TYPE_VOCAB, dtype=jnp.int32)
    W_word = jax.random.normal(k3, (VOCAB, D1), dtype=jnp.float32) * 0.02
    W_type = jax.random.normal(k4, (TYPE_VOCAB, D1), dtype=jnp.float32) * 0.02
    W_rel = jax.random.normal(k5, (2 * MAX_OFF + 2, D2), dtype=jnp.float32) * 0.02
    return {"tok_seq": tok_seq, "tok_type_ids": tok_type_ids, "W_word": W_word, "W_type": W_type, "W_rel": W_rel}


def reference(tok_seq, tok_type_ids, W_word, W_type, W_rel):
    b, s = tok_seq.shape
    tok_embd = jnp.take(W_word, tok_seq, axis=0)
    type_embd = jnp.take(W_type, tok_type_ids, axis=0)
    embd1 = tok_embd + type_embd
    # relative position ids (toeplitz) + type-based masking
    rpe = jnp.asarray(_rel_pos_ids(s, MAX_OFF), dtype=tok_type_ids.dtype)
    rpe = jnp.broadcast_to(rpe[None, :, :], (b, s, s))
    mask = (tok_type_ids[:, :, None] == tok_type_ids[:, None, :]).astype(rpe.dtype)
    rpe = rpe * mask + (1 - mask) * MAX_OFF
    rpe = rpe.at[:, 0, 1:].set(2 * MAX_OFF)
    rpe = rpe.at[:, 1:, 0].set(2 * MAX_OFF + 1)
    embd2 = jnp.take(W_rel, rpe, axis=0)
    # mixer_ops[0] is empty -> embd0 is None (omitted from returned tuple)
    embd1 = _layernorm(embd1)
    embd2 = _layernorm(embd2)
    return (embd1, embd2)

if __name__ == "__main__":
    import jax
    _d = setup_inputs()
    print(jax.jit(kernel)(*tuple(_d.values())))

</pallas_src>

<mosaic_0001>
#map = affine_map<(d0, d1) -> (0, 0)>
#map1 = affine_map<(d0, d1) -> (0)>
module attributes {stable_mosaic.version = 14 : i64} {
  func.func @_sc_word_gather_body(%arg0: i32, %arg1: i32, %arg2: memref<100000x64xf32, #tpu.memory_space<hbm>>, %arg3: memref<2048xi32, #tpu.memory_space<hbm>>, %arg4: memref<2048x64xf32, #tpu.memory_space<hbm>>, %arg5: memref<64xi32, #tpu.memory_space<vmem>>, %arg6: memref<64x64xf32, #tpu.memory_space<vmem>>, %arg7: memref<!tpu.dma_semaphore, #tpu.memory_space<semaphore_mem>>) attributes {dimension_semantics = [#tpu.dimension_semantics<core_parallel>, #tpu.dimension_semantics<subcore_parallel>], iteration_bounds = array<i64: 2, 16>, scalar_prefetch = 0 : i64, scratch_operands = 3 : i64, tpu.core_type = #tpu.core_type<sc_vector_subcore>, window_params = [{transform_indices = #map}, {transform_indices = #map1}, {transform_indices = #map}]} {
    %mul3A = arith.constant 2 : i32
    %mul3A_0 = arith.muli %arg1, %mul3A : i32
    %add3A = arith.addi %mul3A_0, %arg0 : i32
    %mul3A_1 = arith.constant 64 : i32
    %mul3A_2 = arith.muli %add3A, %mul3A_1 : i32
    "tpu.region"() ({
      %run_scoped3A = tpu.sem_alloc : memref<!tpu.dma_semaphore, #tpu.memory_space<semaphore_mem>>
      %dma_start3A_7 = tpu.memref_slice %arg3[%mul3A_2] : memref<2048xi32, #tpu.memory_space<hbm>> -> memref<64xi32, #tpu.memory_space<hbm>>
      %dma_start3A_8 = tpu.memref_slice %arg3[%mul3A_2] : memref<2048xi32, #tpu.memory_space<hbm>> -> memref<64xi32, #tpu.memory_space<hbm>>
      tpu.enqueue_dma source(%dma_start3A_8 : memref<64xi32, #tpu.memory_space<hbm>>) target(%arg5 : memref<64xi32, #tpu.memory_space<vmem>>) target_semaphore(%run_scoped3A : memref<!tpu.dma_semaphore, #tpu.memory_space<semaphore_mem>>)
      %dma_wait3A_9 = tpu.memref_slice %arg3[%mul3A_2] : memref<2048xi32, #tpu.memory_space<hbm>> -> memref<64xi32, #tpu.memory_space<hbm>>
      %dma_wait3A_10 = tpu.memref_slice %arg3[%mul3A_2] : memref<2048xi32, #tpu.memory_space<hbm>> -> memref<64xi32, #tpu.memory_space<hbm>>
      tpu.wait_dma2 semaphore(%run_scoped3A : memref<!tpu.dma_semaphore, #tpu.memory_space<semaphore_mem>>) src(%dma_wait3A_10 : memref<64xi32, #tpu.memory_space<hbm>>) dst(%arg5 : memref<64xi32, #tpu.memory_space<vmem>>)
      tpu.yield
    }) : () -> ()
    %dma_start3A = arith.constant 0 : i32
    %dma_start3A_3 = arith.constant 0 : i32
    %dma_start3A_4 = tpu.memref_slice %arg2[%dma_start3A, %dma_start3A_3] : memref<100000x64xf32, #tpu.memory_space<hbm>> -> memref<100000x64xf32, #tpu.memory_space<hbm>>
    tpu.enqueue_indirect_dma source(%dma_start3A_4 : memref<100000x64xf32, #tpu.memory_space<hbm>>) target(%arg6 : memref<64x64xf32, #tpu.memory_space<vmem>>) offsets(%arg5 : memref<64xi32, #tpu.memory_space<vmem>>) semaphore(%arg7 : memref<!tpu.dma_semaphore, #tpu.memory_space<semaphore_mem>>)
    %dma_wait3A = arith.constant 0 : i32
    %dma_wait3A_5 = arith.constant 0 : i32
    %dma_wait3A_6 = tpu.memref_slice %arg2[%dma_wait3A, %dma_wait3A_5] : memref<100000x64xf32, #tpu.memory_space<hbm>> -> memref<100000x64xf32, #tpu.memory_space<hbm>>
    tpu.wait_indirect_dma semaphore(%arg7 : memref<!tpu.dma_semaphore, #tpu.memory_space<semaphore_mem>>) src(%dma_wait3A_6 : memref<100000x64xf32, #tpu.memory_space<hbm>>) dst(%arg6 : memref<64x64xf32, #tpu.memory_space<vmem>>)
    "tpu.region"() ({
      %run_scoped3A = tpu.sem_alloc : memref<!tpu.dma_semaphore, #tpu.memory_space<semaphore_mem>>
      %dma_start3A_7 = arith.constant 0 : i32
      %dma_start3A_8 = tpu.memref_slice %arg4[%mul3A_2, %dma_start3A_7] : memref<2048x64xf32, #tpu.memory_space<hbm>> -> memref<64x64xf32, #tpu.memory_space<hbm>>
      %dma_start3A_9 = arith.constant 0 : i32
      %dma_start3A_10 = tpu.memref_slice %arg4[%mul3A_2, %dma_start3A_9] : memref<2048x64xf32, #tpu.memory_space<hbm>> -> memref<64x64xf32, #tpu.memory_space<hbm>>
      tpu.enqueue_dma source(%arg6 : memref<64x64xf32, #tpu.memory_space<vmem>>) target(%dma_start3A_10 : memref<64x64xf32, #tpu.memory_space<hbm>>) target_semaphore(%run_scoped3A : memref<!tpu.dma_semaphore, #tpu.memory_space<semaphore_mem>>)
      %dma_wait3A_11 = arith.constant 0 : i32
      %dma_wait3A_12 = tpu.memref_slice %arg4[%mul3A_2, %dma_wait3A_11] : memref<2048x64xf32, #tpu.memory_space<hbm>> -> memref<64x64xf32, #tpu.memory_space<hbm>>
      %dma_wait3A_13 = arith.constant 0 : i32
      %dma_wait3A_14 = tpu.memref_slice %arg4[%mul3A_2, %dma_wait3A_13] : memref<2048x64xf32, #tpu.memory_space<hbm>> -> memref<64x64xf32, #tpu.memory_space<hbm>>
      tpu.wait_dma2 semaphore(%run_scoped3A : memref<!tpu.dma_semaphore, #tpu.memory_space<semaphore_mem>>) src(%arg6 : memref<64x64xf32, #tpu.memory_space<vmem>>) dst(%dma_wait3A_14 : memref<64x64xf32, #tpu.memory_space<hbm>>)
      tpu.yield
    }) : () -> ()
    return
  }
}

module attributes {stable_mosaic.version = 14 : i64} {
  func.func @_embd2_body(%arg0: i32, %arg1: i32, %arg2: memref<264x64xf32, #tpu.memory_space<vmem>>, %arg3: memref<4x512xi32, #tpu.memory_space<smem>>, %arg4: memref<1x512x1xi32, #tpu.memory_space<vmem>>, %arg5: memref<1x64x512x64xf32, #tpu.memory_space<vmem>>, %arg6: memref<8320x64xf32, #tpu.memory_space<vmem>>) attributes {dimension_semantics = [#tpu.dimension_semantics<arbitrary>, #tpu.dimension_semantics<arbitrary>], iteration_bounds = array<i64: 4, 8>, scalar_prefetch = 0 : i64, scratch_operands = 1 : i64, tpu.core_type = #tpu.core_type<tc>, window_params = [{pipeline_mode = #tpu.pipeline_mode<synchronous>, transform_indices = @transform_0, window_bounds = array<i64: 264, 64>}, {transform_indices = @transform_1, window_bounds = array<i64: 4, 512>}, {transform_indices = @transform_2, window_bounds = array<i64: 1, 512, 1>}, {transform_indices = @transform_3, window_bounds = array<i64: 1, 64, 512, 64>}]} {
    %eq3A = arith.constant 0 : i32
    %eq3A_0 = arith.cmpi eq, %arg0, %eq3A : i32
    %eq3A_1 = arith.constant 0 : i32
    %eq3A_2 = arith.cmpi eq, %arg1, %eq3A_1 : i32
    %and3A = arith.andi %eq3A_0, %eq3A_2 : i1
    %convert_element_type3A = arith.extui %and3A : i1 to i32
    %cond3A = arith.constant 0 : i32
    %cond3A_3 = arith.cmpi ne, %convert_element_type3A, %cond3A : i32
    scf.if %cond3A_3 {
      %iota3A = tpu.iota {dimensions = array<i32: 0>} : vector<8x1040x264xi32>
      %iota3A_3062 = tpu.iota {dimensions = array<i32: 1>} : vector<8x1040x264xi32>
      %iota3A_3063 = tpu.iota {dimensions = array<i32: 2>} : vector<8x1040x264xi32>
      %add3A_3064 = arith.addi %iota3A_3062, %iota3A : vector<8x1040x264xi32>
      %sub3A_3065 = arith.constant 511 : i32
      %sub3A_3066 = vector.broadcast %sub3A_3065 : i32 to vector<8x1040x264xi32>
      %sub3A_3067 = arith.subi %add3A_3064, %sub3A_3066 : vector<8x1040x264xi32>
      %ge3A = arith.constant 0 : i32
      %ge3A_3068 = vector.broadcast %ge3A : i32 to vector<8x1040x264xi32>
      %ge3A_3069 = arith.cmpi sge, %sub3A_3067, %ge3A_3068 : vector<8x1040x264xi32>
      %min3A = arith.constant 127 : i32
      %min3A_3070 = vector.broadcast %min3A : i32 to vector<8x1040x264xi32>
      %min3A_3071 = arith.minsi %sub3A_3067, %min3A_3070 : vector<8x1040x264xi32>
      %max3A = arith.constant -127 : i32
      %max3A_3072 = vector.broadcast %max3A : i32 to vector<8x1040x264xi32>
      %max3A_3073 = arith.maxsi %sub3A_3067, %max3A_3072 : vector<8x1040x264xi32>
      %add3A_3074 = arith.constant 256 : i32
      %add3A_3075 = vector.broadcast %add3A_3074 : i32 to vector<8x1040x264xi32>
      %add3A_3076 = arith.addi %max3A_3073, %add3A_3075 : vector<8x1040x264xi32>
      %select_n3A_3077 = arith.select %ge3A_3069, %min3A_3071, %add3A_3076 : vector<8x1040x264xi1>, vector<8x1040x264xi32>
      %lt3A = arith.constant 1023 : i32
      %lt3A_3078 = vector.broadcast %lt3A : i32 to vector<8x1040x264xi32>
      %lt3A_3079 = arith.cmpi slt, %add3A_3064, %lt3A_3078 : vector<8x1040x264xi32>
      %jit3A = arith.constant 0 : i32
      %broadcast_in_dim3A_3080 = vector.broadcast %jit3A : i32 to vector<8x1040x264xi32>
      %select_n3A_3081 = arith.select %lt3A_3079, %select_n3A_3077, %broadcast_in_dim3A_3080 : vector<8x1040x264xi1>, vector<8x1040x264xi32>
      %eq3A_3082 = arith.constant 1024 : i32
      %eq3A_3083 = vector.broadcast %eq3A_3082 : i32 to vector<8x1040x264xi32>
      %eq3A_3084 = arith.cmpi eq, %add3A_3064, %eq3A_3083 : vector<8x1040x264xi32>
      %jit3A_3085 = arith.constant 128 : i32
      %broadcast_in_dim3A_3086 = vector.broadcast %jit3A_3085 : i32 to vector<8x1040x264xi32>
      %select_n3A_3087 = arith.select %eq3A_3084, %broadcast_in_dim3A_3086, %select_n3A_3081 : vector<8x1040x264xi1>, vector<8x1040x264xi32>
      %eq3A_3088 = arith.constant 1025 : i32
      %eq3A_3089 = vector.broadcast %eq3A_3088 : i32 to vector<8x1040x264xi32>
      %eq3A_3090 = arith.cmpi eq, %add3A_3064, %eq3A_3089 : vector<8x1040x264xi32>
      %jit3A_3091 = arith.constant 256 : i32
      %broadcast_in_dim3A_3092 = vector.broadcast %jit3A_3091 : i32 to vector<8x1040x264xi32>
      %select_n3A_3093 = arith.select %eq3A_3090, %broadcast_in_dim3A_3092, %select_n3A_3087 : vector<8x1040x264xi1>, vector<8x1040x264xi32>
      %eq3A_3094 = arith.constant 1026 : i32
      %eq3A_3095 = vector.broadcast %eq3A_3094 : i32 to vector<8x1040x264xi32>
      %eq3A_3096 = arith.cmpi eq, %add3A_3064, %eq3A_3095 : vector<8x1040x264xi32>
      %jit3A_3097 = arith.constant 257 : i32
      %broadcast_in_dim3A_3098 = vector.broadcast %jit3A_3097 : i32 to vector<8x1040x264xi32>
      %select_n3A_3099 = arith.select %eq3A_3096, %broadcast_in_dim3A_3098, %select_n3A_3093 : vector<8x1040x264xi1>, vector<8x1040x264xi32>
      %eq3A_3100 = arith.cmpi eq, %select_n3A_3099, %iota3A_3063 : vector<8x1040x264xi32>
      %convert_element_type3A_3101 = arith.extui %eq3A_3100 : vector<8x1040x264xi1> to vector<8x1040x264xi32>
      %convert_element_type3A_3102 = arith.sitofp %convert_element_type3A_3101 : vector<8x1040x264xi32> to vector<8x1040x264xf32>
      %reshape3A = vector.shape_cast %convert_element_type3A_3102 : vector<8x1040x264xf32> to vector<8320x264xf32>
      %get3A_3103 = arith.constant 0 : index
      %get3A_3104 = arith.constant 0 : index
      %get3A_3105 = vector.load %arg2[%get3A_3103, %get3A_3104] : memref<264x64xf32, #tpu.memory_space<vmem>>, vector<264x64xf32>
      %reduce_sum3A = arith.constant dense<0.000000e+00> : vector<264xf32>
      %reduce_sum3A_3106 = vector.multi_reduction <add>, %get3A_3105, %reduce_sum3A [1] : vector<264x64xf32> to vector<264xf32>
      %broadcast_in_dim3A_3107 = vector.shape_cast %reduce_sum3A_3106 : vector<264xf32> to vector<264x1xf32>
      %div3A = arith.constant 6.400000e+01 : f32
      %div3A_3108 = vector.broadcast %div3A : f32 to vector<264x1xf32>
      %div3A_3109 = arith.divf %broadcast_in_dim3A_3107, %div3A_3108 : vector<264x1xf32>
      %sub3A_3110 = vector.broadcast %div3A_3109 : vector<264x1xf32> to vector<264x64xf32>
      %sub3A_3111 = arith.subf %get3A_3105, %sub3A_3110 : vector<264x64xf32>
      %integer_pow3A = arith.mulf %sub3A_3111, %sub3A_3111 : vector<264x64xf32>
      %reduce_sum3A_3112 = arith.constant dense<0.000000e+00> : vector<264xf32>
      %reduce_sum3A_3113 = vector.multi_reduction <add>, %integer_pow3A, %reduce_sum3A_3112 [1] : vector<264x64xf32> to vector<264xf32>
      %broadcast_in_dim3A_3114 = vector.shape_cast %reduce_sum3A_3113 : vector<264xf32> to vector<264x1xf32>
      %div3A_3115 = arith.constant 6.400000e+01 : f32
      %div3A_3116 = vector.broadcast %div3A_3115 : f32 to vector<264x1xf32>
      %div3A_3117 = arith.divf %broadcast_in_dim3A_3114, %div3A_3116 : vector<264x1xf32>
      %sub3A_3118 = vector.broadcast %div3A_3109 : vector<264x1xf32> to vector<264x64xf32>
      %sub3A_3119 = arith.subf %get3A_3105, %sub3A_3118 : vector<264x64xf32>
      %add3A_3120 = arith.constant 9.99999996E-13 : f32
      %add3A_3121 = vector.broadcast %add3A_3120 : f32 to vector<264x1xf32>
      %add3A_3122 = arith.addf %div3A_3117, %add3A_3121 : vector<264x1xf32>
      %sqrt3A = math.sqrt %add3A_3122 : vector<264x1xf32>
      %div3A_3123 = vector.broadcast %sqrt3A : vector<264x1xf32> to vector<264x64xf32>
      %div3A_3124 = arith.divf %sub3A_3119, %div3A_3123 : vector<264x64xf32>
      %dot_general3A = arith.constant dense<0.000000e+00> : vector<8320x64xf32>
      %dot_general3A_3125 = tpu.matmul %reshape3A, %div3A_3124, %dot_general3A {dimension_numbers = #tpu.dot_dimension_numbers<[1], [0], [0], [1], [0, 0, 1, 1], [], []>, precision = #tpu.contract_precision<fp32>, transpose_lhs_hint = false} : vector<8320x264xf32>, vector<264x64xf32>, vector<8320x64xf32> -> vector<8320x64xf32>
      %swap3A_3126 = arith.constant 0 : index
      %swap3A_3127 = arith.constant 0 : index
      %swap3A_3128 = vector.load %arg6[%swap3A_3126, %swap3A_3127] : memref<8320x64xf32, #tpu.memory_space<vmem>>, vector<8320x64xf32>
      tpu.vector_store %arg6[%swap3A_3126, %swap3A_3127], %dot_general3A_3125 {strides = array<i32>} : memref<8320x64xf32, #tpu.memory_space<vmem>>, vector<8320x64xf32>,
    } else {
    }
    %get3A = arith.constant 1024 : index
    %get3A_4 = arith.constant 0 : index
    %get3A_5 = vector.load %arg6[%get3A, %get3A_4] : memref<8320x64xf32, #tpu.memory_space<vmem>>, vector<1x64xf32>
    %mul3A = arith.constant 64 : i32
    %mul3A_6 = arith.muli %arg1, %mul3A : i32
    %add3A = arith.constant 0 : i32
    %add3A_7 = arith.addi %mul3A_6, %add3A : i32
    %get3A_8 = arith.index_cast %arg0 : i32 to index
    %get3A_9 = arith.index_cast %add3A_7 : i32 to index
    %get3A_10 = memref.load %arg3[%get3A_8, %get3A_9] : memref<4x512xi32, #tpu.memory_space<smem>>
    %get3A_11 = arith.constant 0 : index
    %get3A_12 = arith.constant 0 : index
    %get3A_13 = arith.constant 0 : index
    %get3A_14 = vector.load %arg4[%get3A_11, %get3A_12, %get3A_13] : memref<1x512x1xi32, #tpu.memory_space<vmem>>, vector<1x512x1xi32>
    %get3A_15 = vector.shape_cast %get3A_14 : vector<1x512x1xi32> to vector<512x1xi32>
    %eq3A_16 = vector.broadcast %get3A_10 : i32 to vector<512x1xi32>
    %eq3A_17 = arith.cmpi eq, %get3A_15, %eq3A_16 : vector<512x1xi32>
    %sub3A = arith.constant 511 : i32
    %sub3A_18 = arith.subi %sub3A, %add3A_7 : i32
    %rem3A = arith.constant 8 : i32
    %rem3A_19 = arith.remsi %sub3A_18, %rem3A : i32
    %mul3A_20 = arith.constant 1040 : i32
    %mul3A_21 = arith.muli %rem3A_19, %mul3A_20 : i32
    %sub3A_22 = arith.subi %sub3A_18, %rem3A_19 : i32
    %add3A_23 = arith.addi %mul3A_21, %sub3A_22 : i32
    %multiple_of3A = tpu.assume_multiple %add3A_23, 8 : i32
    %get3A_24 = arith.index_cast %multiple_of3A : i32 to index
    %get3A_25 = arith.constant 0 : index
    %get3A_26 = vector.load %arg6[%get3A_24, %get3A_25] : memref<8320x64xf32, #tpu.memory_space<vmem>>, vector<512x64xf32>
    %broadcast_in_dim3A = vector.shape_cast %eq3A_17 : vector<512x1xi1> to vector<512x1xi1>
    %broadcast_in_dim3A_27 = vector.broadcast %broadcast_in_dim3A : vector<512x1xi1> to vector<512x64xi1>
    %broadcast_in_dim3A_28 = vector.shape_cast %get3A_5 : vector<1x64xf32> to vector<1x64xf32>
    %broadcast_in_dim3A_29 = vector.broadcast %broadcast_in_dim3A_28 : vector<1x64xf32> to vector<512x64xf32>
    %select_n3A = arith.select %broadcast_in_dim3A_27, %get3A_26, %broadcast_in_dim3A_29 : vector<512x64xi1>, vector<512x64xf32>
    %eq3A_30 = arith.constant 0 : i32
    %eq3A_31 = arith.cmpi eq, %arg1, %eq3A_30 : i32
    %convert_element_type3A_32 = arith.extui %eq3A_31 : i1 to i32
    %cond3A_33 = arith.constant 0 : i32
    %cond3A_34 = arith.cmpi ne, %convert_element_type3A_32, %cond3A_33 : i32
    scf.if %cond3A_34 {
      %iota3A = tpu.iota {dimensions = array<i32: 0>} : vector<512x1xi32>
      %ge3A = arith.constant 1 : i32
      %ge3A_3062 = vector.broadcast %ge3A : i32 to vector<512x1xi32>
      %ge3A_3063 = arith.cmpi sge, %iota3A, %ge3A_3062 : vector<512x1xi32>
      %get3A_3064 = arith.constant 1025 : index
      %get3A_3065 = arith.constant 0 : index
      %get3A_3066 = vector.load %arg6[%get3A_3064, %get3A_3065] : memref<8320x64xf32, #tpu.memory_space<vmem>>, vector<1x64xf32>
      %broadcast_in_dim3A_3067 = vector.shape_cast %ge3A_3063 : vector<512x1xi1> to vector<512x1xi1>
      %broadcast_in_dim3A_3068 = vector.broadcast %broadcast_in_dim3A_3067 : vector<512x1xi1> to vector<512x64xi1>
      %broadcast_in_dim3A_3069 = vector.shape_cast %get3A_3066 : vector<1x64xf32> to vector<1x64xf32>
      %broadcast_in_dim3A_3070 = vector.broadcast %broadcast_in_dim3A_3069 : vector<1x64xf32> to vector<512x64xf32>
      %select_n3A_3071 = arith.select %broadcast_in_dim3A_3068, %broadcast_in_dim3A_3070, %select_n3A : vector<512x64xi1>, vector<512x64xf32>
      %swap3A_3072 = arith.constant 0 : index
      %swap3A_3073 = arith.constant 0 : index
      %swap3A_3074 = arith.constant 0 : index
      %swap3A_3075 = arith.constant 0 : index
      %swap3A_3076 = vector.load %arg5[%swap3A_3072, %swap3A_3073, %swap3A_3074, %swap3A_3075] : memref<1x64x512x64xf32, #tpu.memory_space<vmem>>, vector<1x1x512x64xf32>
      %swap3A_3077 = vector.shape_cast %swap3A_3076 : vector<1x1x512x64xf32> to vector<512x64xf32>
      %swap3A_3078 = vector.shape_cast %select_n3A_3071 : vector<512x64xf32> to vector<1x1x512x64xf32>
      tpu.vector_store %arg5[%swap3A_3072, %swap3A_3073, %swap3A_3074, %swap3A_3075], %swap3A_3078 {strides = array<i32>} : memref<1x64x512x64xf32, #tpu.memory_space<vmem>>, vector<1x1x512x64xf32>,
    } else {
    }
    %gt3A = arith.constant 0 : i32
    %gt3A_35 = arith.cmpi sgt, %arg1, %gt3A : i32
    %convert_element_type3A_36 = arith.extui %gt3A_35 : i1 to i32
    %cond3A_37 = arith.constant 0 : i32
    %cond3A_38 = arith.cmpi ne, %convert_element_type3A_36, %cond3A_37 : i32
    scf.if %cond3A_38 {
      %swap3A_3062 = arith.constant 0 : index
      %swap3A_3063 = arith.constant 0 : index
      %swap3A_3064 = arith.constant 0 : index
      %swap3A_3065 = arith.constant 0 : index
      %swap3A_3066 = vector.load %arg5[%swap3A_3062, %swap3A_3063, %swap3A_3064, %swap3A_3065] : memref<1x64x512x64xf32, #tpu.memory_space<vmem>>, vector<1x1x512x64xf32>
      %swap3A_3067 = vector.shape_cast %swap3A_3066 : vector<1x1x512x64xf32> to vector<512x64xf32>
      %swap3A_3068 = vector.shape_cast %select_n3A : vector<512x64xf32> to vector<1x1x512x64xf32>
      tpu.vector_store %arg5[%swap3A_3062, %swap3A_3063, %swap3A_3064, %swap3A_3065], %swap3A_3068 {strides = array<i32>} : memref<1x64x512x64xf32, #tpu.memory_space<vmem>>, vector<1x1x512x64xf32>,
      %get3A_3069 = arith.constant 1026 : index
      %get3A_3070 = arith.constant 0 : index
      %get3A_3071 = vector.load %arg6[%get3A_3069, %get3A_3070] : memref<8320x64xf32, #tpu.memory_space<vmem>>, vector<1x64xf32>
      %swap3A_3072 = arith.constant 0 : index
      %swap3A_3073 = arith.constant 0 : index
      %swap3A_3074 = arith.constant 0 : index
      %swap3A_3075 = arith.constant 0 : index
      %swap3A_3076 = vector.load %arg5[%swap3A_3072, %swap3A_3073, %swap3A_3074, %swap3A_3075] : memref<1x64x512x64xf32, #tpu.memory_space<vmem>>, vector<1x1x1x64xf32>
      %swap3A_3077 = vector.shape_cast %swap3A_3076 : vector<1x1x1x64xf32> to vector<1x64xf32>
      %swap3A_3078 = vector.shape_cast %get3A_3071 : vector<1x64xf32> to vector<1x1x1x64xf32>
      tpu.vector_store %arg5[%swap3A_3072, %swap3A_3073, %swap3A_3074, %swap3A_3075], %swap3A_3078 {strides = array<i32>} : memref<1x64x512x64xf32, #tpu.memory_space<vmem>>, vector<1x1x1x64xf32>,
    } else {
    }
    %mul3A_39 = arith.constant 64 : i32
    %mul3A_40 = arith.muli %arg1, %mul3A_39 : i32
    %add3A_41 = arith.constant 1 : i32
    %add3A_42 = arith.addi %mul3A_40, %add3A_41 : i32
    %get3A_43 = arith.index_cast %arg0 : i32 to index
    %get3A_44 = arith.index_cast %add3A_42 : i32 to index
    %get3A_45 = memref.load %arg3[%get3A_43, %get3A_44] : memref<4x512xi32, #tpu.memory_space<smem>>
    %get3A_46 = arith.constant 0 : index
    %get3A_47 = arith.constant 0 : index
    %get3A_48 = arith.constant 0 : index
    %get3A_49 = vector.load %arg4[%get3A_46, %get3A_47, %get3A_48] : memref<1x512x1xi32, #tpu.memory_space<vmem>>, vector<1x512x1xi32>
    %get3A_50 = vector.shape_cast %get3A_49 : vector<1x512x1xi32> to vector<512x1xi32>
    %eq3A_51 = vector.broadcast %get3A_45 : i32 to vector<512x1xi32>
    %eq3A_52 = arith.cmpi eq, %get3A_50, %eq3A_51 : vector<512x1xi32>
    %sub3A_53 = arith.constant 511 : i32
    %sub3A_54 = arith.subi %sub3A_53, %add3A_42 : i32
    %rem3A_55 = arith.constant 8 : i32
    %rem3A_56 = arith.remsi %sub3A_54, %rem3A_55 : i32
    %mul3A_57 = arith.constant 1040 : i32
    %mul3A_58 = arith.muli %rem3A_56, %mul3A_57 : i32
    %sub3A_59 = arith.subi %sub3A_54, %rem3A_56 : i32
    %add3A_60 = arith.addi %mul3A_58, %sub3A_59 : i32
    %multiple_of3A_61 = tpu.assume_multiple %add3A_60, 8 : i32
    %get3A_62 = arith.index_cast %multiple_of3A_61 : i32 to index
    %get3A_63 = arith.constant 0 : index
    %get3A_64 = vector.load %arg6[%get3A_62, %get3A_63] : memref<8320x64xf32, #tpu.memory_space<vmem>>, vector<512x64xf32>
    %broadcast_in_dim3A_65 = vector.shape_cast %eq3A_52 : vector<512x1xi1> to vector<512x1xi1>
    %broadcast_in_dim3A_66 = vector.broadcast %broadcast_in_dim3A_65 : vector<512x1xi1> to vector<512x64xi1>
    %broadcast_in_dim3A_67 = vector.shape_cast %get3A_5 : vector<1x64xf32> to vector<1x64xf32>
    %broadcast_in_dim3A_68 = vector.broadcast %broadcast_in_dim3A_67 : vector<1x64xf32> to vector<512x64xf32>
    %select_n3A_69 = arith.select %broadcast_in_dim3A_66, %get3A_64, %broadcast_in_dim3A_68 : vector<512x64xi1>, vector<512x64xf32>
    %swap3A = arith.constant 0 : index
    %swap3A_70 = arith.constant 1 : index
    %swap3A_71 = arith.constant 0 : index
    %swap3A_72 = arith.constant 0 : index
    %swap3A_73 = vector.load %arg5[%swap3A, %swap3A_70, %swap3A_71, %swap3A_72] : memref<1x64x512x64xf32, #tpu.memory_space<vmem>>, vector<1x1x512x64xf32>
    %swap3A_74 = vector.shape_cast %swap3A_73 : vector<1x1x512x64xf32> to vector<512x64xf32>
    %swap3A_75 = vector.shape_cast %select_n3A_69 : vector<512x64xf32> to vector<1x1x512x64xf32>
    tpu.vector_store %arg5[%swap3A, %swap3A_70, %swap3A_71, %swap3A_72], %swap3A_75 {strides = array<i32>} : memref<1x64x512x64xf32, #tpu.memory_space<vmem>>, vector<1x1x512x64xf32>,
    %get3A_76 = arith.constant 1026 : index
    %get3A_77 = arith.constant 0 : index
    %get3A_78 = vector.load %arg6[%get3A_76, %get3A_77] : memref<8320x64xf32, #tpu.memory_space<vmem>>, vector<1x64xf32>
    %swap3A_79 = arith.constant 0 : index
    %swap3A_80 = arith.constant 1 : index
    %swap3A_81 = arith.constant 0 : index
    %swap3A_82 = arith.constant 0 : index
    %swap3A_83 = vector.load %arg5[%swap3A_79, %swap3A_80, %swap3A_81, %swap3A_82] : memref<1x64x512x64xf32, #tpu.memory_space<vmem>>, vector<1x1x1x64xf32>
    %swap3A_84 = vector.shape_cast %swap3A_83 : vector<1x1x1x64xf32> to vector<1x64xf32>
    %swap3A_85 = vector.shape_cast %get3A_78 : vector<1x64xf32> to vector<1x1x1x64xf32>
    tpu.vector_store %arg5[%swap3A_79, %swap3A_80, %swap3A_81, %swap3A_82], %swap3A_85 {strides = array<i32>} : memref<1x64x512x64xf32, #tpu.memory_space<vmem>>, vector<1x1x1x64xf32>,
    %mul3A_86 = arith.constant 64 : i32
    %mul3A_87 = arith.muli %arg1, %mul3A_86 : i32
    %add3A_88 = arith.constant 2 : i32
    %add3A_89 = arith.addi %mul3A_87, %add3A_88 : i32
    %get3A_90 = arith.index_cast %arg0 : i32 to index
    %get3A_91 = arith.index_cast %add3A_89 : i32 to index
    %get3A_92 = memref.load %arg3[%get3A_90, %get3A_91] : memref<4x512xi32, #tpu.memory_space<smem>>
    %get3A_93 = arith.constant 0 : index
    %get3A_94 = arith.constant 0 : index
    %get3A_95 = arith.constant 0 : index
    %get3A_96 = vector.load %arg4[%get3A_93, %get3A_94, %get3A_95] : memref<1x512x1xi32, #tpu.memory_space<vmem>>, vector<1x512x1xi32>
    %get3A_97 = vector.shape_cast %get3A_96 : vector<1x512x1xi32> to vector<512x1xi32>
    %eq3A_98 = vector.broadcast %get3A_92 : i32 to vector<512x1xi32>
    %eq3A_99 = arith.cmpi eq, %get3A_97, %eq3A_98 : vector<512x1xi32>
    %sub3A_100 = arith.constant 511 : i32
    %sub3A_101 = arith.subi %sub3A_100, %add3A_89 : i32
    %rem3A_102 = arith.constant 8 : i32
    %rem3A_103 = arith.remsi %sub3A_101, %rem3A_102 : i32
    %mul3A_104 = arith.constant 1040 : i32
    %mul3A_105 = arith.muli %rem3A_103, %mul3A_104 : i32
    %sub3A_106 = arith.subi %sub3A_101, %rem3A_103 : i32
    %add3A_107 = arith.addi %mul3A_105, %sub3A_106 : i32
    %multiple_of3A_108 = tpu.assume_multiple %add3A_107, 8 : i32
    %get3A_109 = arith.index_cast %multiple_of3A_108 : i32 to index
    %get3A_110 = arith.constant 0 : index
    %get3A_111 = vector.load %arg6[%get3A_109, %get3A_110] : memref<8320x64xf32, #tpu.memory_space<vmem>>, vector<512x64xf32>
    %broadcast_in_dim3A_112 = vector.shape_cast %eq3A_99 : vector<512x1xi1> to vector<512x1xi1>
    %broadcast_in_dim3A_113 = vector.broadcast %broadcast_in_dim3A_112 : vector<512x1xi1> to vector<512x64xi1>
    %broadcast_in_dim3A_114 = vector.shape_cast %get3A_5 : vector<1x64xf32> to vector<1x64xf32>
    %broadcast_in_dim3A_115 = vector.broadcast %broadcast_in_dim3A_114 : vector<1x64xf32> to vector<512x64xf32>
    %select_n3A_116 = arith.select %broadcast_in_dim3A_113, %get3A_111, %broadcast_in_dim3A_115 : vector<512x64xi1>, vector<512x64xf32>
    %swap3A_117 = arith.constant 0 : index
    %swap3A_118 = arith.constant 2 : index
    %swap3A_119 = arith.constant 0 : index
    %swap3A_120 = arith.constant 0 : index
    %swap3A_121 = vector.load %arg5[%swap3A_117, %swap3A_118, %swap3A_119, %swap3A_120] : memref<1x64x512x64xf32, #tpu.memory_space<vmem>>, vector<1x1x512x64xf32>
    %swap3A_122 = vector.shape_cast %swap3A_121 : vector<1x1x512x64xf32> to vector<512x64xf32>
    %swap3A_123 = vector.shape_cast %select_n3A_116 : vector<512x64xf32> to vector<1x1x512x64xf32>
    tpu.vector_store %arg5[%swap3A_117, %swap3A_118, %swap3A_119, %swap3A_120], %swap3A_123 {strides = array<i32>} : memref<1x64x512x64xf32, #tpu.memory_space<vmem>>, vector<1x1x512x64xf32>,
    %get3A_124 = arith.constant 1026 : index
    %get3A_125 = arith.constant 0 : index
    %get3A_126 = vector.load %arg6[%get3A_124, %get3A_125] : memref<8320x64xf32, #tpu.memory_space<vmem>>, vector<1x64xf32>
    %swap3A_127 = arith.constant 0 : index
    %swap3A_128 = arith.constant 2 : index
    %swap3A_129 = arith.constant 0 : index
    %swap3A_130 = arith.constant 0 : index
    %swap3A_131 = vector.load %arg5[%swap3A_127, %swap3A_128, %swap3A_129, %swap3A_130] : memref<1x64x512x64xf32, #tpu.memory_space<vmem>>, vector<1x1x1x64xf32>
    %swap3A_132 = vector.shape_cast %swap3A_131 : vector<1x1x1x64xf32> to vector<1x64xf32>
    %swap3A_133 = vector.shape_cast %get3A_126 : vector<1x64xf32> to vector<1x1x1x64xf32>
    tpu.vector_store %arg5[%swap3A_127, %swap3A_128, %swap3A_129, %swap3A_130], %swap3A_133 {strides = array<i32>} : memref<1x64x512x64xf32, #tpu.memory_space<vmem>>, vector<1x1x1x64xf32>,
    %mul3A_134 = arith.constant 64 : i32
    %mul3A_135 = arith.muli %arg1, %mul3A_134 : i32
    %add3A_136 = arith.constant 3 : i32
    %add3A_137 = arith.addi %mul3A_135, %add3A_136 : i32
    %get3A_138 = arith.index_cast %arg0 : i32 to index
    %get3A_139 = arith.index_cast %add3A_137 : i32 to index
    %get3A_140 = memref.load %arg3[%get3A_138, %get3A_139] : memref<4x512xi32, #tpu.memory_space<smem>>
    %get3A_141 = arith.constant 0 : index
    %get3A_142 = arith.constant 0 : index
    %get3A_143 = arith.constant 0 : index
    %get3A_144 = vector.load %arg4[%get3A_141, %get3A_142, %get3A_143] : memref<1x512x1xi32, #tpu.memory_space<vmem>>, vector<1x512x1xi32>
    %get3A_145 = vector.shape_cast %get3A_144 : vector<1x512x1xi32> to vector<512x1xi32>
    %eq3A_146 = vector.broadcast %get3A_140 : i32 to vector<512x1xi32>
    %eq3A_147 = arith.cmpi eq, %get3A_145, %eq3A_146 : vector<512x1xi32>
    %sub3A_148 = arith.constant 511 : i32
    %sub3A_149 = arith.subi %sub3A_148, %add3A_137 : i32
    %rem3A_150 = arith.constant 8 : i32
    %rem3A_151 = arith.remsi %sub3A_149, %rem3A_150 : i32
    %mul3A_152 = arith.constant 1040 : i32
    %mul3A_153 = arith.muli %rem3A_151, %mul3A_152 : i32
    %sub3A_154 = arith.subi %sub3A_149, %rem3A_151 : i32
    %add3A_155 = arith.addi %mul3A_153, %sub3A_154 : i32
    %multiple_of3A_156 = tpu.assume_multiple %add3A_155, 8 : i32
    %get3A_157 = arith.index_cast %multiple_of3A_156 : i32 to index
    %get3A_158 = arith.constant 0 : index
    %get3A_159 = vector.load %arg6[%get3A_157, %get3A_158] : memref<8320x64xf32, #tpu.memory_space<vmem>>, vector<512x64xf32>
    %broadcast_in_dim3A_160 = vector.shape_cast %eq3A_147 : vector<512x1xi1> to vector<512x1xi1>
    %broadcast_in_dim3A_161 = vector.broadcast %broadcast_in_dim3A_160 : vector<512x1xi1> to vector<512x64xi1>
    %broadcast_in_dim3A_162 = vector.shape_cast %get3A_5 : vector<1x64xf32> to vector<1x64xf32>
    %broadcast_in_dim3A_163 = vector.broadcast %broadcast_in_dim3A_162 : vector<1x64xf32> to vector<512x64xf32>
    %select_n3A_164 = arith.select %broadcast_in_dim3A_161, %get3A_159, %broadcast_in_dim3A_163 : vector<512x64xi1>, vector<512x64xf32>
    %swap3A_165 = arith.constant 0 : index
    %swap3A_166 = arith.constant 3 : index
    %swap3A_167 = arith.constant 0 : index
    %swap3A_168 = arith.constant 0 : index
    %swap3A_169 = vector.load %arg5[%swap3A_165, %swap3A_166, %swap3A_167, %swap3A_168] : memref<1x64x512x64xf32, #tpu.memory_space<vmem>>, vector<1x1x512x64xf32>
    %swap3A_170 = vector.shape_cast %swap3A_169 : vector<1x1x512x64xf32> to vector<512x64xf32>
    %swap3A_171 = vector.shape_cast %select_n3A_164 : vector<512x64xf32> to vector<1x1x512x64xf32>
    tpu.vector_store %arg5[%swap3A_165, %swap3A_166, %swap3A_167, %swap3A_168], %swap3A_171 {strides = array<i32>} : memref<1x64x512x64xf32, #tpu.memory_space<vmem>>, vector<1x1x512x64xf32>,
    %get3A_172 = arith.constant 1026 : index
    %get3A_173 = arith.constant 0 : index
    %get3A_174 = vector.load %arg6[%get3A_172, %get3A_173] : memref<8320x64xf32, #tpu.memory_space<vmem>>, vector<1x64xf32>
    %swap3A_175 = arith.constant 0 : index
    %swap3A_176 = arith.constant 3 : index
    %swap3A_177 = arith.constant 0 : index
    %swap3A_178 = arith.constant 0 : index
    %swap3A_179 = vector.load %arg5[%swap3A_175, %swap3A_176, %swap3A_177, %swap3A_178] : memref<1x64x512x64xf32, #tpu.memory_space<vmem>>, vector<1x1x1x64xf32>
    %swap3A_180 = vector.shape_cast %swap3A_179 : vector<1x1x1x64xf32> to vector<1x64xf32>
    %swap3A_181 = vector.shape_cast %get3A_174 : vector<1x64xf32> to vector<1x1x1x64xf32>
    tpu.vector_store %arg5[%swap3A_175, %swap3A_176, %swap3A_177, %swap3A_178], %swap3A_181 {strides = array<i32>} : memref<1x64x512x64xf32, #tpu.memory_space<vmem>>, vector<1x1x1x64xf32>,
    %mul3A_182 = arith.constant 64 : i32
    %mul3A_183 = arith.muli %arg1, %mul3A_182 : i32
    %add3A_184 = arith.constant 4 : i32
    %add3A_185 = arith.addi %mul3A_183, %add3A_184 : i32
    %get3A_186 = arith.index_cast %arg0 : i32 to index
    %get3A_187 = arith.index_cast %add3A_185 : i32 to index
    %get3A_188 = memref.load %arg3[%get3A_186, %get3A_187] : memref<4x512xi32, #tpu.memory_space<smem>>
    %get3A_189 = arith.constant 0 : index
    %get3A_190 = arith.constant 0 : index
    %get3A_191 = arith.constant 0 : index
    %get3A_192 = vector.load %arg4[%get3A_189, %get3A_190, %get3A_191] : memref<1x512x1xi32, #tpu.memory_space<vmem>>, vector<1x512x1xi32>
    %get3A_193 = vector.shape_cast %get3A_192 : vector<1x512x1xi32> to vector<512x1xi32>
    %eq3A_194 = vector.broadcast %get3A_188 : i32 to vector<512x1xi32>
    %eq3A_195 = arith.cmpi eq, %get3A_193, %eq3A_194 : vector<512x1xi32>
    %sub3A_196 = arith.constant 511 : i32
    %sub3A_197 = arith.subi %sub3A_196, %add3A_185 : i32
    %rem3A_198 = arith.constant 8 : i32
    %rem3A_199 = arith.remsi %sub3A_197, %rem3A_198 : i32
    %mul3A_200 = arith.constant 1040 : i32
    %mul3A_201 = arith.muli %rem3A_199, %mul3A_200 : i32
    %sub3A_202 = arith.subi %sub3A_197, %rem3A_199 : i32
    %add3A_203 = arith.addi %mul3A_201, %sub3A_202 : i32
    %multiple_of3A_204 = tpu.assume_multiple %add3A_203, 8 : i32
    %get3A_205 = arith.index_cast %multiple_of3A_204 : i32 to index
    %get3A_206 = arith.constant 0 : index
    %get3A_207 = vector.load %arg6[%get3A_205, %get3A_206] : memref<8320x64xf32, #tpu.memory_space<vmem>>, vector<512x64xf32>
    %broadcast_in_dim3A_208 = vector.shape_cast %eq3A_195 : vector<512x1xi1> to vector<512x1xi1>
    %broadcast_in_dim3A_209 = vector.broadcast %broadcast_in_dim3A_208 : vector<512x1xi1> to vector<512x64xi1>
    %broadcast_in_dim3A_210 = vector.shape_cast %get3A_5 : vector<1x64xf32> to vector<1x64xf32>
    %broadcast_in_dim3A_211 = vector.broadcast %broadcast_in_dim3A_210 : vector<1x64xf32> to vector<512x64xf32>
    %select_n3A_212 = arith.select %broadcast_in_dim3A_209, %get3A_207, %broadcast_in_dim3A_211 : vector<512x64xi1>, vector<512x64xf32>
    %swap3A_213 = arith.constant 0 : index
    %swap3A_214 = arith.constant 4 : index
    %swap3A_215 = arith.constant 0 : index
    %swap3A_216 = arith.constant 0 : index
    %swap3A_217 = vector.load %arg5[%swap3A_213, %swap3A_214, %swap3A_215, %swap3A_216] : memref<1x64x512x64xf32, #tpu.memory_space<vmem>>, vector<1x1x512x64xf32>
    %swap3A_218 = vector.shape_cast %swap3A_217 : vector<1x1x512x64xf32> to vector<512x64xf32>
    %swap3A_219 = vector.shape_cast %select_n3A_212 : vector<512x64xf32> to vector<1x1x512x64xf32>
    tpu.vector_store %arg5[%swap3A_213, %swap3A_214, %swap3A_215, %swap3A_216], %swap3A_219 {strides = array<i32>} : memref<1x64x512x64xf32, #tpu.memory_space<vmem>>, vector<1x1x512x64xf32>,
    %get3A_220 = arith.constant 1026 : index
    %get3A_221 = arith.constant 0 : index
    %get3A_222 = vector.load %arg6[%get3A_220, %get3A_221] : memref<8320x64xf32, #tpu.memory_space<vmem>>, vector<1x64xf32>
    %swap3A_223 = arith.constant 0 : index
    %swap3A_224 = arith.constant 4 : index
    %swap3A_225 = arith.constant 0 : index
    %swap3A_226 = arith.constant 0 : index
    %swap3A_227 = vector.load %arg5[%swap3A_223, %swap3A_224, %swap3A_225, %swap3A_226] : memref<1x64x512x64xf32, #tpu.memory_space<vmem>>, vector<1x1x1x64xf32>
    %swap3A_228 = vector.shape_cast %swap3A_227 : vector<1x1x1x64xf32> to vector<1x64xf32>
    %swap3A_229 = vector.shape_cast %get3A_222 : vector<1x64xf32> to vector<1x1x1x64xf32>
    tpu.vector_store %arg5[%swap3A_223, %swap3A_224, %swap3A_225, %swap3A_226], %swap3A_229 {strides = array<i32>} : memref<1x64x512x64xf32, #tpu.memory_space<vmem>>, vector<1x1x1x64xf32>,
    %mul3A_230 = arith.constant 64 : i32
    %mul3A_231 = arith.muli %arg1, %mul3A_230 : i32
    %add3A_232 = arith.constant 5 : i32
    %add3A_233 = arith.addi %mul3A_231, %add3A_232 : i32
    %get3A_234 = arith.index_cast %arg0 : i32 to index
    %get3A_235 = arith.index_cast %add3A_233 : i32 to index
    %get3A_236 = memref.load %arg3[%get3A_234, %get3A_235] : memref<4x512xi32, #tpu.memory_space<smem>>
    %get3A_237 = arith.constant 0 : index
    %get3A_238 = arith.constant 0 : index
    %get3A_239 = arith.constant 0 : index
    %get3A_240 = vector.load %arg4[%get3A_237, %get3A_238, %get3A_239] : memref<1x512x1xi32, #tpu.memory_space<vmem>>, vector<1x512x1xi32>
    %get3A_241 = vector.shape_cast %get3A_240 : vector<1x512x1xi32> to vector<512x1xi32>
    %eq3A_242 = vector.broadcast %get3A_236 : i32 to vector<512x1xi32>
    %eq3A_243 = arith.cmpi eq, %get3A_241, %eq3A_242 : vector<512x1xi32>
    %sub3A_244 = arith.constant 511 : i32
    %sub3A_245 = arith.subi %sub3A_244, %add3A_233 : i32
    %rem3A_246 = arith.constant 8 : i32
    %rem3A_247 = arith.remsi %sub3A_245, %rem3A_246 : i32
    %mul3A_248 = arith.constant 1040 : i32
    %mul3A_249 = arith.muli %rem3A_247, %mul3A_248 : i32
    %sub3A_250 = arith.subi %sub3A_245, %rem3A_247 : i32
    %add3A_251 = arith.addi %mul3A_249, %sub3A_250 : i32
    %multiple_of3A_252 = tpu.assume_multiple %add3A_251, 8 : i32
    %get3A_253 = arith.index_cast %multiple_of3A_252 : i32 to index
    %get3A_254 = arith.constant 0 : index
    %get3A_255 = vector.load %arg6[%get3A_253, %get3A_254] : memref<8320x64xf32, #tpu.memory_space<vmem>>, vector<512x64xf32>
    %broadcast_in_dim3A_256 = vector.shape_cast %eq3A_243 : vector<512x1xi1> to vector<512x1xi1>
    %broadcast_in_dim3A_257 = vector.broadcast %broadcast_in_dim3A_256 : vector<512x1xi1> to vector<512x64xi1>
    %broadcast_in_dim3A_258 = vector.shape_cast %get3A_5 : vector<1x64xf32> to vector<1x64xf32>
    %broadcast_in_dim3A_259 = vector.broadcast %broadcast_in_dim3A_258 : vector<1x64xf32> to vector<512x64xf32>
    %select_n3A_260 = arith.select %broadcast_in_dim3A_257, %get3A_255, %broadcast_in_dim3A_259 : vector<512x64xi1>, vector<512x64xf32>
    %swap3A_261 = arith.constant 0 : index
    %swap3A_262 = arith.constant 5 : index
    %swap3A_263 = arith.constant 0 : index
    %swap3A_264 = arith.constant 0 : index
    %swap3A_265 = vector.load %arg5[%swap3A_261, %swap3A_262, %swap3A_263, %swap3A_264] : memref<1x64x512x64xf32, #tpu.memory_space<vmem>>, vector<1x1x512x64xf32>
    %swap3A_266 = vector.shape_cast %swap3A_265 : vector<1x1x512x64xf32> to vector<512x64xf32>
    %swap3A_267 = vector.shape_cast %select_n3A_260 : vector<512x64xf32> to vector<1x1x512x64xf32>
    tpu.vector_store %arg5[%swap3A_261, %swap3A_262, %swap3A_263, %swap3A_264], %swap3A_267 {strides = array<i32>} : memref<1x64x512x64xf32, #tpu.memory_space<vmem>>, vector<1x1x512x64xf32>,
    %get3A_268 = arith.constant 1026 : index
    %get3A_269 = arith.constant 0 : index
    %get3A_270 = vector.load %arg6[%get3A_268, %get3A_269] : memref<8320x64xf32, #tpu.memory_space<vmem>>, vector<1x64xf32>
    %swap3A_271 = arith.constant 0 : index
    %swap3A_272 = arith.constant 5 : index
    %swap3A_273 = arith.constant 0 : index
    %swap3A_274 = arith.constant 0 : index
    %swap3A_275 = vector.load %arg5[%swap3A_271, %swap3A_272, %swap3A_273, %swap3A_274] : memref<1x64x512x64xf32, #tpu.memory_space<vmem>>, vector<1x1x1x64xf32>
    %swap3A_276 = vector.shape_cast %swap3A_275 : vector<1x1x1x64xf32> to vector<1x64xf32>
    %swap3A_277 = vector.shape_cast %get3A_270 : vector<1x64xf32> to vector<1x1x1x64xf32>
    tpu.vector_store %arg5[%swap3A_271, %swap3A_272, %swap3A_273, %swap3A_274], %swap3A_277 {strides = array<i32>} : memref<1x64x512x64xf32, #tpu.memory_space<vmem>>, vector<1x1x1x64xf32>,
    %mul3A_278 = arith.constant 64 : i32
    %mul3A_279 = arith.muli %arg1, %mul3A_278 : i32
    %add3A_280 = arith.constant 6 : i32
    %add3A_281 = arith.addi %mul3A_279, %add3A_280 : i32
    %get3A_282 = arith.index_cast %arg0 : i32 to index
    %get3A_283 = arith.index_cast %add3A_281 : i32 to index
    %get3A_284 = memref.load %arg3[%get3A_282, %get3A_283] : memref<4x512xi32, #tpu.memory_space<smem>>
    %get3A_285 = arith.constant 0 : index
    %get3A_286 = arith.constant 0 : index
    %get3A_287 = arith.constant 0 : index
    %get3A_288 = vector.load %arg4[%get3A_285, %get3A_286, %get3A_287] : memref<1x512x1xi32, #tpu.memory_space<vmem>>, vector<1x512x1xi32>
    %get3A_289 = vector.shape_cast %get3A_288 : vector<1x512x1xi32> to vector<512x1xi32>
    %eq3A_290 = vector.broadcast %get3A_284 : i32 to vector<512x1xi32>
    %eq3A_291 = arith.cmpi eq, %get3A_289, %eq3A_290 : vector<512x1xi32>
    %sub3A_292 = arith.constant 511 : i32
    %sub3A_293 = arith.subi %sub3A_292, %add3A_281 : i32
    %rem3A_294 = arith.constant 8 : i32
    %rem3A_295 = arith.remsi %sub3A_293, %rem3A_294 : i32
    %mul3A_296 = arith.constant 1040 : i32
    %mul3A_297 = arith.muli %rem3A_295, %mul3A_296 : i32
    %sub3A_298 = arith.subi %sub3A_293, %rem3A_295 : i32
    %add3A_299 = arith.addi %mul3A_297, %sub3A_298 : i32
    %multiple_of3A_300 = tpu.assume_multiple %add3A_299, 8 : i32
    %get3A_301 = arith.index_cast %multiple_of3A_300 : i32 to index
    %get3A_302 = arith.constant 0 : index
    %get3A_303 = vector.load %arg6[%get3A_301, %get3A_302] : memref<8320x64xf32, #tpu.memory_space<vmem>>, vector<512x64xf32>
    %broadcast_in_dim3A_304 = vector.shape_cast %eq3A_291 : vector<512x1xi1> to vector<512x1xi1>
    %broadcast_in_dim3A_305 = vector.broadcast %broadcast_in_dim3A_304 : vector<512x1xi1> to vector<512x64xi1>
    %broadcast_in_dim3A_306 = vector.shape_cast %get3A_5 : vector<1x64xf32> to vector<1x64xf32>
    %broadcast_in_dim3A_307 = vector.broadcast %broadcast_in_dim3A_306 : vector<1x64xf32> to vector<512x64xf32>
    %select_n3A_308 = arith.select %broadcast_in_dim3A_305, %get3A_303, %broadcast_in_dim3A_307 : vector<512x64xi1>, vector<512x64xf32>
    %swap3A_309 = arith.constant 0 : index
    %swap3A_310 = arith.constant 6 : index
    %swap3A_311 = arith.constant 0 : index
    %swap3A_312 = arith.constant 0 : index
    %swap3A_313 = vector.load %arg5[%swap3A_309, %swap3A_310, %swap3A_311, %swap3A_312] : memref<1x64x512x64xf32, #tpu.memory_space<vmem>>, vector<1x1x512x64xf32>
    %swap3A_314 = vector.shape_cast %swap3A_313 : vector<1x1x512x64xf32> to vector<512x64xf32>
    %swap3A_315 = vector.shape_cast %select_n3A_308 : vector<512x64xf32> to vector<1x1x512x64xf32>
    tpu.vector_store %arg5[%swap3A_309, %swap3A_310, %swap3A_311, %swap3A_312], %swap3A_315 {strides = array<i32>} : memref<1x64x512x64xf32, #tpu.memory_space<vmem>>, vector<1x1x512x64xf32>,
    %get3A_316 = arith.constant 1026 : index
    %get3A_317 = arith.constant 0 : index
    %get3A_318 = vector.load %arg6[%get3A_316, %get3A_317] : memref<8320x64xf32, #tpu.memory_space<vmem>>, vector<1x64xf32>
    %swap3A_319 = arith.constant 0 : index
    %swap3A_320 = arith.constant 6 : index
    %swap3A_321 = arith.constant 0 : index
    %swap3A_322 = arith.constant 0 : index
    %swap3A_323 = vector.load %arg5[%swap3A_319, %swap3A_320, %swap3A_321, %swap3A_322] : memref<1x64x512x64xf32, #tpu.memory_space<vmem>>, vector<1x1x1x64xf32>
    %swap3A_324 = vector.shape_cast %swap3A_323 : vector<1x1x1x64xf32> to vector<1x64xf32>
    %swap3A_325 = vector.shape_cast %get3A_318 : vector<1x64xf32> to vector<1x1x1x64xf32>
    tpu.vector_store %arg5[%swap3A_319, %swap3A_320, %swap3A_321, %swap3A_322], %swap3A_325 {strides = array<i32>} : memref<1x64x512x64xf32, #tpu.memory_space<vmem>>, vector<1x1x1x64xf32>,
    %mul3A_326 = arith.constant 64 : i32
    %mul3A_327 = arith.muli %arg1, %mul3A_326 : i32
    %add3A_328 = arith.constant 7 : i32
    %add3A_329 = arith.addi %mul3A_327, %add3A_328 : i32
    %get3A_330 = arith.index_cast %arg0 : i32 to index
    %get3A_331 = arith.index_cast %add3A_329 : i32 to index
    %get3A_332 = memref.load %arg3[%get3A_330, %get3A_331] : memref<4x512xi32, #tpu.memory_space<smem>>
    %get3A_333 = arith.constant 0 : index
    %get3A_334 = arith.constant 0 : index
    %get3A_335 = arith.constant 0 : index
    %get3A_336 = vector.load %arg4[%get3A_333, %get3A_334, %get3A_335] : memref<1x512x1xi32, #tpu.memory_space<vmem>>, vector<1x512x1xi32>
    %get3A_337 = vector.shape_cast %get3A_336 : vector<1x512x1xi32> to vector<512x1xi32>
    %eq3A_338 = vector.broadcast %get3A_332 : i32 to vector<512x1xi32>
    %eq3A_339 = arith.cmpi eq, %get3A_337, %eq3A_338 : vector<512x1xi32>
    %sub3A_340 = arith.constant 511 : i32
    %sub3A_341 = arith.subi %sub3A_340, %add3A_329 : i32
    %rem3A_342 = arith.constant 8 : i32
    %rem3A_343 = arith.remsi %sub3A_341, %rem3A_342 : i32
    %mul3A_344 = arith.constant 1040 : i32
    %mul3A_345 = arith.muli %rem3A_343, %mul3A_344 : i32
    %sub3A_346 = arith.subi %sub3A_341, %rem3A_343 : i32
    %add3A_347 = arith.addi %mul3A_345, %sub3A_346 : i32
    %multiple_of3A_348 = tpu.assume_multiple %add3A_347, 8 : i32
    %get3A_349 = arith.index_cast %multiple_of3A_348 : i32 to index
    %get3A_350 = arith.constant 0 : index
    %get3A_351 = vector.load %arg6[%get3A_349, %get3A_350] : memref<8320x64xf32, #tpu.memory_space<vmem>>, vector<512x64xf32>
    %broadcast_in_dim3A_352 = vector.shape_cast %eq3A_339 : vector<512x1xi1> to vector<512x1xi1>
    %broadcast_in_dim3A_353 = vector.broadcast %broadcast_in_dim3A_352 : vector<512x1xi1> to vector<512x64xi1>
    %broadcast_in_dim3A_354 = vector.shape_cast %get3A_5 : vector<1x64xf32> to vector<1x64xf32>
    %broadcast_in_dim3A_355 = vector.broadcast %broadcast_in_dim3A_354 : vector<1x64xf32> to vector<512x64xf32>
    %select_n3A_356 = arith.select %broadcast_in_dim3A_353, %get3A_351, %broadcast_in_dim3A_355 : vector<512x64xi1>, vector<512x64xf32>
    %swap3A_357 = arith.constant 0 : index
    %swap3A_358 = arith.constant 7 : index
    %swap3A_359 = arith.constant 0 : index
    %swap3A_360 = arith.constant 0 : index
    %swap3A_361 = vector.load %arg5[%swap3A_357, %swap3A_358, %swap3A_359, %swap3A_360] : memref<1x64x512x64xf32, #tpu.memory_space<vmem>>, vector<1x1x512x64xf32>
    %swap3A_362 = vector.shape_cast %swap3A_361 : vector<1x1x512x64xf32> to vector<512x64xf32>
    %swap3A_363 = vector.shape_cast %select_n3A_356 : vector<512x64xf32> to vector<1x1x512x64xf32>
    tpu.vector_store %arg5[%swap3A_357, %swap3A_358, %swap3A_359, %swap3A_360], %swap3A_363 {strides = array<i32>} : memref<1x64x512x64xf32, #tpu.memory_space<vmem>>, vector<1x1x512x64xf32>,
    %get3A_364 = arith.constant 1026 : index
    %get3A_365 = arith.constant 0 : index
    %get3A_366 = vector.load %arg6[%get3A_364, %get3A_365] : memref<8320x64xf32, #tpu.memory_space<vmem>>, vector<1x64xf32>
    %swap3A_367 = arith.constant 0 : index
    %swap3A_368 = arith.constant 7 : index
    %swap3A_369 = arith.constant 0 : index
    %swap3A_370 = arith.constant 0 : index
    %swap3A_371 = vector.load %arg5[%swap3A_367, %swap3A_368, %swap3A_369, %swap3A_370] : memref<1x64x512x64xf32, #tpu.memory_space<vmem>>, vector<1x1x1x64xf32>
    %swap3A_372 = vector.shape_cast %swap3A_371 : vector<1x1x1x64xf32> to vector<1x64xf32>
    %swap3A_373 = vector.shape_cast %get3A_366 : vector<1x64xf32> to vector<1x1x1x64xf32>
    tpu.vector_store %arg5[%swap3A_367, %swap3A_368, %swap3A_369, %swap3A_370], %swap3A_373 {strides = array<i32>} : memref<1x64x512x64xf32, #tpu.memory_space<vmem>>, vector<1x1x1x64xf32>,
    %mul3A_374 = arith.constant 64 : i32
    %mul3A_375 = arith.muli %arg1, %mul3A_374 : i32
    %add3A_376 = arith.constant 8 : i32
    %add3A_377 = arith.addi %mul3A_375, %add3A_376 : i32
    %get3A_378 = arith.index_cast %arg0 : i32 to index
    %get3A_379 = arith.index_cast %add3A_377 : i32 to index
    %get3A_380 = memref.load %arg3[%get3A_378, %get3A_379] : memref<4x512xi32, #tpu.memory_space<smem>>
    %get3A_381 = arith.constant 0 : index
    %get3A_382 = arith.constant 0 : index
    %get3A_383 = arith.constant 0 : index
    %get3A_384 = vector.load %arg4[%get3A_381, %get3A_382, %get3A_383] : memref<1x512x1xi32, #tpu.memory_space<vmem>>, vector<1x512x1xi32>
    %get3A_385 = vector.shape_cast %get3A_384 : vector<1x512x1xi32> to vector<512x1xi32>
    %eq3A_386 = vector.broadcast %get3A_380 : i32 to vector<512x1xi32>
    %eq3A_387 = arith.cmpi eq, %get3A_385, %eq3A_386 : vector<512x1xi32>
    %sub3A_388 = arith.constant 511 : i32
    %sub3A_389 = arith.subi %sub3A_388, %add3A_377 : i32
    %rem3A_390 = arith.constant 8 : i32
    %rem3A_391 = arith.remsi %sub3A_389, %rem3A_390 : i32
    %mul3A_392 = arith.constant 1040 : i32
    %mul3A_393 = arith.muli %rem3A_391, %mul3A_392 : i32
    %sub3A_394 = arith.subi %sub3A_389, %rem3A_391 : i32
    %add3A_395 = arith.addi %mul3A_393, %sub3A_394 : i32
    %multiple_of3A_396 = tpu.assume_multiple %add3A_395, 8 : i32
    %get3A_397 = arith.index_cast %multiple_of3A_396 : i32 to index
    %get3A_398 = arith.constant 0 : index
    %get3A_399 = vector.load %arg6[%get3A_397, %get3A_398] : memref<8320x64xf32, #tpu.memory_space<vmem>>, vector<512x64xf32>
    %broadcast_in_dim3A_400 = vector.shape_cast %eq3A_387 : vector<512x1xi1> to vector<512x1xi1>
    %broadcast_in_dim3A_401 = vector.broadcast %broadcast_in_dim3A_400 : vector<512x1xi1> to vector<512x64xi1>
    %broadcast_in_dim3A_402 = vector.shape_cast %get3A_5 : vector<1x64xf32> to vector<1x64xf32>
    %broadcast_in_dim3A_403 = vector.broadcast %broadcast_in_dim3A_402 : vector<1x64xf32> to vector<512x64xf32>
    %select_n3A_404 = arith.select %broadcast_in_dim3A_401, %get3A_399, %broadcast_in_dim3A_403 : vector<512x64xi1>, vector<512x64xf32>
    %swap3A_405 = arith.constant 0 : index
    %swap3A_406 = arith.constant 8 : index
    %swap3A_407 = arith.constant 0 : index
    %swap3A_408 = arith.constant 0 : index
    %swap3A_409 = vector.load %arg5[%swap3A_405, %swap3A_406, %swap3A_407, %swap3A_408] : memref<1x64x512x64xf32, #tpu.memory_space<vmem>>, vector<1x1x512x64xf32>
    %swap3A_410 = vector.shape_cast %swap3A_409 : vector<1x1x512x64xf32> to vector<512x64xf32>
    %swap3A_411 = vector.shape_cast %select_n3A_404 : vector<512x64xf32> to vector<1x1x512x64xf32>
    tpu.vector_store %arg5[%swap3A_405, %swap3A_406, %swap3A_407, %swap3A_408], %swap3A_411 {strides = array<i32>} : memref<1x64x512x64xf32, #tpu.memory_space<vmem>>, vector<1x1x512x64xf32>,
    %get3A_412 = arith.constant 1026 : index
    %get3A_413 = arith.constant 0 : index
    %get3A_414 = vector.load %arg6[%get3A_412, %get3A_413] : memref<8320x64xf32, #tpu.memory_space<vmem>>, vector<1x64xf32>
    %swap3A_415 = arith.constant 0 : index
    %swap3A_416 = arith.constant 8 : index
    %swap3A_417 = arith.constant 0 : index
    %swap3A_418 = arith.constant 0 : index
    %swap3A_419 = vector.load %arg5[%swap3A_415, %swap3A_416, %swap3A_417, %swap3A_418] : memref<1x64x512x64xf32, #tpu.memory_space<vmem>>, vector<1x1x1x64xf32>
    %swap3A_420 = vector.shape_cast %swap3A_419 : vector<1x1x1x64xf32> to vector<1x64xf32>
    %swap3A_421 = vector.shape_cast %get3A_414 : vector<1x64xf32> to vector<1x1x1x64xf32>
    tpu.vector_store %arg5[%swap3A_415, %swap3A_416, %swap3A_417, %swap3A_418], %swap3A_421 {strides = array<i32>} : memref<1x64x512x64xf32, #tpu.memory_space<vmem>>, vector<1x1x1x64xf32>,
    %mul3A_422 = arith.constant 64 : i32
    %mul3A_423 = arith.muli %arg1, %mul3A_422 : i32
    %add3A_424 = arith.constant 9 : i32
    %add3A_425 = arith.addi %mul3A_423, %add3A_424 : i32
    %get3A_426 = arith.index_cast %arg0 : i32 to index
    %get3A_427 = arith.index_cast %add3A_425 : i32 to index
    %get3A_428 = memref.load %arg3[%get3A_426, %get3A_427] : memref<4x512xi32, #tpu.memory_space<smem>>
    %get3A_429 = arith.constant 0 : index
    %get3A_430 = arith.constant 0 : index
    %get3A_431 = arith.constant 0 : index
    %get3A_432 = vector.load %arg4[%get3A_429, %get3A_430, %get3A_431] : memref<1x512x1xi32, #tpu.memory_space<vmem>>, vector<1x512x1xi32>
    %get3A_433 = vector.shape_cast %get3A_432 : vector<1x512x1xi32> to vector<512x1xi32>
    %eq3A_434 = vector.broadcast %get3A_428 : i32 to vector<512x1xi32>
    %eq3A_435 = arith.cmpi eq, %get3A_433, %eq3A_434 : vector<512x1xi32>
    %sub3A_436 = arith.constant 511 : i32
    %sub3A_437 = arith.subi %sub3A_436, %add3A_425 : i32
    %rem3A_438 = arith.constant 8 : i32
    %rem3A_439 = arith.remsi %sub3A_437, %rem3A_438 : i32
    %mul3A_440 = arith.constant 1040 : i32
    %mul3A_441 = arith.muli %rem3A_439, %mul3A_440 : i32
    %sub3A_442 = arith.subi %sub3A_437, %rem3A_439 : i32
    %add3A_443 = arith.addi %mul3A_441, %sub3A_442 : i32
    %multiple_of3A_444 = tpu.assume_multiple %add3A_443, 8 : i32
    %get3A_445 = arith.index_cast %multiple_of3A_444 : i32 to index
    %get3A_446 = arith.constant 0 : index
    %get3A_447 = vector.load %arg6[%get3A_445, %get3A_446] : memref<8320x64xf32, #tpu.memory_space<vmem>>, vector<512x64xf32>
    %broadcast_in_dim3A_448 = vector.shape_cast %eq3A_435 : vector<512x1xi1> to vector<512x1xi1>
    %broadcast_in_dim3A_449 = vector.broadcast %broadcast_in_dim3A_448 : vector<512x1xi1> to vector<512x64xi1>
    %broadcast_in_dim3A_450 = vector.shape_cast %get3A_5 : vector<1x64xf32> to vector<1x64xf32>
    %broadcast_in_dim3A_451 = vector.broadcast %broadcast_in_dim3A_450 : vector<1x64xf32> to vector<512x64xf32>
    %select_n3A_452 = arith.select %broadcast_in_dim3A_449, %get3A_447, %broadcast_in_dim3A_451 : vector<512x64xi1>, vector<512x64xf32>
    %swap3A_453 = arith.constant 0 : index
    %swap3A_454 = arith.constant 9 : index
    %swap3A_455 = arith.constant 0 : index
    %swap3A_456 = arith.constant 0 : index
    %swap3A_457 = vector.load %arg5[%swap3A_453, %swap3A_454, %swap3A_455, %swap3A_456] : memref<1x64x512x64xf32, #tpu.memory_space<vmem>>, vector<1x1x512x64xf32>
    %swap3A_458 = vector.shape_cast %swap3A_457 : vector<1x1x512x64xf32> to vector<512x64xf32>
    %swap3A_459 = vector.shape_cast %select_n3A_452 : vector<512x64xf32> to vector<1x1x512x64xf32>
    tpu.vector_store %arg5[%swap3A_453, %swap3A_454, %swap3A_455, %swap3A_456], %swap3A_459 {strides = array<i32>} : memref<1x64x512x64xf32, #tpu.memory_space<vmem>>, vector<1x1x512x64xf32>,
    %get3A_460 = arith.constant 1026 : index
    %get3A_461 = arith.constant 0 : index
    %get3A_462 = vector.load %arg6[%get3A_460, %get3A_461] : memref<8320x64xf32, #tpu.memory_space<vmem>>, vector<1x64xf32>
    %swap3A_463 = arith.constant 0 : index
    %swap3A_464 = arith.constant 9 : index
    %swap3A_465 = arith.constant 0 : index
    %swap3A_466 = arith.constant 0 : index
    %swap3A_467 = vector.load %arg5[%swap3A_463, %swap3A_464, %swap3A_465, %swap3A_466] : memref<1x64x512x64xf32, #tpu.memory_space<vmem>>, vector<1x1x1x64xf32>
    %swap3A_468 = vector.shape_cast %swap3A_467 : vector<1x1x1x64xf32> to vector<1x64xf32>
    %swap3A_469 = vector.shape_cast %get3A_462 : vector<1x64xf32> to vector<1x1x1x64xf32>
    tpu.vector_store %arg5[%swap3A_463, %swap3A_464, %swap3A_465, %swap3A_466], %swap3A_469 {strides = array<i32>} : memref<1x64x512x64xf32, #tpu.memory_space<vmem>>, vector<1x1x1x64xf32>,
    %mul3A_470 = arith.constant 64 : i32
    %mul3A_471 = arith.muli %arg1, %mul3A_470 : i32
    %add3A_472 = arith.constant 10 : i32
    %add3A_473 = arith.addi %mul3A_471, %add3A_472 : i32
    %get3A_474 = arith.index_cast %arg0 : i32 to index
    %get3A_475 = arith.index_cast %add3A_473 : i32 to index
    %get3A_476 = memref.load %arg3[%get3A_474, %get3A_475] : memref<4x512xi32, #tpu.memory_space<smem>>
    %get3A_477 = arith.constant 0 : index
    %get3A_478 = arith.constant 0 : index
    %get3A_479 = arith.constant 0 : index
    %get3A_480 = vector.load %arg4[%get3A_477, %get3A_478, %get3A_479] : memref<1x512x1xi32, #tpu.memory_space<vmem>>, vector<1x512x1xi32>
    %get3A_481 = vector.shape_cast %get3A_480 : vector<1x512x1xi32> to vector<512x1xi32>
    %eq3A_482 = vector.broadcast %get3A_476 : i32 to vector<512x1xi32>
    %eq3A_483 = arith.cmpi eq, %get3A_481, %eq3A_482 : vector<512x1xi32>
    %sub3A_484 = arith.constant 511 : i32
    %sub3A_485 = arith.subi %sub3A_484, %add3A_473 : i32
    %rem3A_486 = arith.constant 8 : i32
    %rem3A_487 = arith.remsi %sub3A_485, %rem3A_486 : i32
    %mul3A_488 = arith.constant 1040 : i32
    %mul3A_489 = arith.muli %rem3A_487, %mul3A_488 : i32
    %sub3A_490 = arith.subi %sub3A_485, %rem3A_487 : i32
    %add3A_491 = arith.addi %mul3A_489, %sub3A_490 : i32
    %multiple_of3A_492 = tpu.assume_multiple %add3A_491, 8 : i32
    %get3A_493 = arith.index_cast %multiple_of3A_492 : i32 to index
    %get3A_494 = arith.constant 0 : index
    %get3A_495 = vector.load %arg6[%get3A_493, %get3A_494] : memref<8320x64xf32, #tpu.memory_space<vmem>>, vector<512x64xf32>
    %broadcast_in_dim3A_496 = vector.shape_cast %eq3A_483 : vector<512x1xi1> to vector<512x1xi1>
    %broadcast_in_dim3A_497 = vector.broadcast %broadcast_in_dim3A_496 : vector<512x1xi1> to vector<512x64xi1>
    %broadcast_in_dim3A_498 = vector.shape_cast %get3A_5 : vector<1x64xf32> to vector<1x64xf32>
    %broadcast_in_dim3A_499 = vector.broadcast %broadcast_in_dim3A_498 : vector<1x64xf32> to vector<512x64xf32>
    %select_n3A_500 = arith.select %broadcast_in_dim3A_497, %get3A_495, %broadcast_in_dim3A_499 : vector<512x64xi1>, vector<512x64xf32>
    %swap3A_501 = arith.constant 0 : index
    %swap3A_502 = arith.constant 10 : index
    %swap3A_503 = arith.constant 0 : index
    %swap3A_504 = arith.constant 0 : index
    %swap3A_505 = vector.load %arg5[%swap3A_501, %swap3A_502, %swap3A_503, %swap3A_504] : memref<1x64x512x64xf32, #tpu.memory_space<vmem>>, vector<1x1x512x64xf32>
    %swap3A_506 = vector.shape_cast %swap3A_505 : vector<1x1x512x64xf32> to vector<512x64xf32>
    %swap3A_507 = vector.shape_cast %select_n3A_500 : vector<512x64xf32> to vector<1x1x512x64xf32>
    tpu.vector_store %arg5[%swap3A_501, %swap3A_502, %swap3A_503, %swap3A_504], %swap3A_507 {strides = array<i32>} : memref<1x64x512x64xf32, #tpu.memory_space<vmem>>, vector<1x1x512x64xf32>,
    %get3A_508 = arith.constant 1026 : index
    %get3A_509 = arith.constant 0 : index
    %get3A_510 = vector.load %arg6[%get3A_508, %get3A_509] : memref<8320x64xf32, #tpu.memory_space<vmem>>, vector<1x64xf32>
    %swap3A_511 = arith.constant 0 : index
    %swap3A_512 = arith.constant 10 : index
    %swap3A_513 = arith.constant 0 : index
    %swap3A_514 = arith.constant 0 : index
    %swap3A_515 = vector.load %arg5[%swap3A_511, %swap3A_512, %swap3A_513, %swap3A_514] : memref<1x64x512x64xf32, #tpu.memory_space<vmem>>, vector<1x1x1x64xf32>
    %swap3A_516 = vector.shape_cast %swap3A_515 : vector<1x1x1x64xf32> to vector<1x64xf32>
    %swap3A_517 = vector.shape_cast %get3A_510 : vector<1x64xf32> to vector<1x1x1x64xf32>
    tpu.vector_store %arg5[%swap3A_511, %swap3A_512, %swap3A_513, %swap3A_514], %swap3A_517 {strides = array<i32>} : memref<1x64x512x64xf32, #tpu.memory_space<vmem>>, vector<1x1x1x64xf32>,
    %mul3A_518 = arith.constant 64 : i32
    %mul3A_519 = arith.muli %arg1, %mul3A_518 : i32
    %add3A_520 = arith.constant 11 : i32
    %add3A_521 = arith.addi %mul3A_519, %add3A_520 : i32
    %get3A_522 = arith.index_cast %arg0 : i32 to index
    %get3A_523 = arith.index_cast %add3A_521 : i32 to index
    %get3A_524 = memref.load %arg3[%get3A_522, %get3A_523] : memref<4x512xi32, #tpu.memory_space<smem>>
    %get3A_525 = arith.constant 0 : index
    %get3A_526 = arith.constant 0 : index
    %get3A_527 = arith.constant 0 : index
    %get3A_528 = vector.load %arg4[%get3A_525, %get3A_526, %get3A_527] : memref<1x512x1xi32, #tpu.memory_space<vmem>>, vector<1x512x1xi32>
    %get3A_529 = vector.shape_cast %get3A_528 : vector<1x512x1xi32> to vector<512x1xi32>
    %eq3A_530 = vector.broadcast %get3A_524 : i32 to vector<512x1xi32>
    %eq3A_531 = arith.cmpi eq, %get3A_529, %eq3A_530 : vector<512x1xi32>
    %sub3A_532 = arith.constant 511 : i32
    %sub3A_533 = arith.subi %sub3A_532, %add3A_521 : i32
    %rem3A_534 = arith.constant 8 : i32
    %rem3A_535 = arith.remsi %sub3A_533, %rem3A_534 : i32
    %mul3A_536 = arith.constant 1040 : i32
    %mul3A_537 = arith.muli %rem3A_535, %mul3A_536 : i32
    %sub3A_538 = arith.subi %sub3A_533, %rem3A_535 : i32
    %add3A_539 = arith.addi %mul3A_537, %sub3A_538 : i32
    %multiple_of3A_540 = tpu.assume_multiple %add3A_539, 8 : i32
    %get3A_541 = arith.index_cast %multiple_of3A_540 : i32 to index
    %get3A_542 = arith.constant 0 : index
    %get3A_543 = vector.load %arg6[%get3A_541, %get3A_542] : memref<8320x64xf32, #tpu.memory_space<vmem>>, vector<512x64xf32>
    %broadcast_in_dim3A_544 = vector.shape_cast %eq3A_531 : vector<512x1xi1> to vector<512x1xi1>
    %broadcast_in_dim3A_545 = vector.broadcast %broadcast_in_dim3A_544 : vector<512x1xi1> to vector<512x64xi1>
    %broadcast_in_dim3A_546 = vector.shape_cast %get3A_5 : vector<1x64xf32> to vector<1x64xf32>
    %broadcast_in_dim3A_547 = vector.broadcast %broadcast_in_dim3A_546 : vector<1x64xf32> to vector<512x64xf32>
    %select_n3A_548 = arith.select %broadcast_in_dim3A_545, %get3A_543, %broadcast_in_dim3A_547 : vector<512x64xi1>, vector<512x64xf32>
    %swap3A_549 = arith.constant 0 : index
    %swap3A_550 = arith.constant 11 : index
    %swap3A_551 = arith.constant 0 : index
    %swap3A_552 = arith.constant 0 : index
    %swap3A_553 = vector.load %arg5[%swap3A_549, %swap3A_550, %swap3A_551, %swap3A_552] : memref<1x64x512x64xf32, #tpu.memory_space<vmem>>, vector<1x1x512x64xf32>
    %swap3A_554 = vector.shape_cast %swap3A_553 : vector<1x1x512x64xf32> to vector<512x64xf32>
    %swap3A_555 = vector.shape_cast %select_n3A_548 : vector<512x64xf32> to vector<1x1x512x64xf32>
    tpu.vector_store %arg5[%swap3A_549, %swap3A_550, %swap3A_551, %swap3A_552], %swap3A_555 {strides = array<i32>} : memref<1x64x512x64xf32, #tpu.memory_space<vmem>>, vector<1x1x512x64xf32>,
    %get3A_556 = arith.constant 1026 : index
    %get3A_557 = arith.constant 0 : index
    %get3A_558 = vector.load %arg6[%get3A_556, %get3A_557] : memref<8320x64xf32, #tpu.memory_space<vmem>>, vector<1x64xf32>
    %swap3A_559 = arith.constant 0 : index
    %swap3A_560 = arith.constant 11 : index
    %swap3A_561 = arith.constant 0 : index
    %swap3A_562 = arith.constant 0 : index
    %swap3A_563 = vector.load %arg5[%swap3A_559, %swap3A_560, %swap3A_561, %swap3A_562] : memref<1x64x512x64xf32, #tpu.memory_space<vmem>>, vector<1x1x1x64xf32>
    %swap3A_564 = vector.shape_cast %swap3A_563 : vector<1x1x1x64xf32> to vector<1x64xf32>
    %swap3A_565 = vector.shape_cast %get3A_558 : vector<1x64xf32> to vector<1x1x1x64xf32>
    tpu.vector_store %arg5[%swap3A_559, %swap3A_560, %swap3A_561, %swap3A_562], %swap3A_565 {strides = array<i32>} : memref<1x64x512x64xf32, #tpu.memory_space<vmem>>, vector<1x1x1x64xf32>,
    %mul3A_566 = arith.constant 64 : i32
    %mul3A_567 = arith.muli %arg1, %mul3A_566 : i32
    %add3A_568 = arith.constant 12 : i32
    %add3A_569 = arith.addi %mul3A_567, %add3A_568 : i32
    %get3A_570 = arith.index_cast %arg0 : i32 to index
    %get3A_571 = arith.index_cast %add3A_569 : i32 to index
    %get3A_572 = memref.load %arg3[%get3A_570, %get3A_571] : memref<4x512xi32, #tpu.memory_space<smem>>
    %get3A_573 = arith.constant 0 : index
    %get3A_574 = arith.constant 0 : index
    %get3A_575 = arith.constant 0 : index
    %get3A_576 = vector.load %arg4[%get3A_573, %get3A_574, %get3A_575] : memref<1x512x1xi32, #tpu.memory_space<vmem>>, vector<1x512x1xi32>
    %get3A_577 = vector.shape_cast %get3A_576 : vector<1x512x1xi32> to vector<512x1xi32>
    %eq3A_578 = vector.broadcast %get3A_572 : i32 to vector<512x1xi32>
    %eq3A_579 = arith.cmpi eq, %get3A_577, %eq3A_578 : vector<512x1xi32>
    %sub3A_580 = arith.constant 511 : i32
    %sub3A_581 = arith.subi %sub3A_580, %add3A_569 : i32
    %rem3A_582 = arith.constant 8 : i32
    %rem3A_583 = arith.remsi %sub3A_581, %rem3A_582 : i32
    %mul3A_584 = arith.constant 1040 : i32
    %mul3A_585 = arith.muli %rem3A_583, %mul3A_584 : i32
    %sub3A_586 = arith.subi %sub3A_581, %rem3A_583 : i32
    %add3A_587 = arith.addi %mul3A_585, %sub3A_586 : i32
    %multiple_of3A_588 = tpu.assume_multiple %add3A_587, 8 : i32
    %get3A_589 = arith.index_cast %multiple_of3A_588 : i32 to index
    %get3A_590 = arith.constant 0 : index
    %get3A_591 = vector.load %arg6[%get3A_589, %get3A_590] : memref<8320x64xf32, #tpu.memory_space<vmem>>, vector<512x64xf32>
    %broadcast_in_dim3A_592 = vector.shape_cast %eq3A_579 : vector<512x1xi1> to vector<512x1xi1>
    %broadcast_in_dim3A_593 = vector.broadcast %broadcast_in_dim3A_592 : vector<512x1xi1> to vector<512x64xi1>
    %broadcast_in_dim3A_594 = vector.shape_cast %get3A_5 : vector<1x64xf32> to vector<1x64xf32>
    %broadcast_in_dim3A_595 = vector.broadcast %broadcast_in_dim3A_594 : vector<1x64xf32> to vector<512x64xf32>
    %select_n3A_596 = arith.select %broadcast_in_dim3A_593, %get3A_591, %broadcast_in_dim3A_595 : vector<512x64xi1>, vector<512x64xf32>
    %swap3A_597 = arith.constant 0 : index
    %swap3A_598 = arith.constant 12 : index
    %swap3A_599 = arith.constant 0 : index
    %swap3A_600 = arith.constant 0 : index
    %swap3A_601 = vector.load %arg5[%swap3A_597, %swap3A_598, %swap3A_599, %swap3A_600] : memref<1x64x512x64xf32, #tpu.memory_space<vmem>>, vector<1x1x512x64xf32>
    %swap3A_602 = vector.shape_cast %swap3A_601 : vector<1x1x512x64xf32> to vector<512x64xf32>
    %swap3A_603 = vector.shape_cast %select_n3A_596 : vector<512x64xf32> to vector<1x1x512x64xf32>
    tpu.vector_store %arg5[%swap3A_597, %swap3A_598, %swap3A_599, %swap3A_600], %swap3A_603 {strides = array<i32>} : memref<1x64x512x64xf32, #tpu.memory_space<vmem>>, vector<1x1x512x64xf32>,
    %get3A_604 = arith.constant 1026 : index
    %get3A_605 = arith.constant 0 : index
    %get3A_606 = vector.load %arg6[%get3A_604, %get3A_605] : memref<8320x64xf32, #tpu.memory_space<vmem>>, vector<1x64xf32>
    %swap3A_607 = arith.constant 0 : index
    %swap3A_608 = arith.constant 12 : index
    %swap3A_609 = arith.constant 0 : index
    %swap3A_610 = arith.constant 0 : index
    %swap3A_611 = vector.load %arg5[%swap3A_607, %swap3A_608, %swap3A_609, %swap3A_610] : memref<1x64x512x64xf32, #tpu.memory_space<vmem>>, vector<1x1x1x64xf32>
    %swap3A_612 = vector.shape_cast %swap3A_611 : vector<1x1x1x64xf32> to vector<1x64xf32>
    %swap3A_613 = vector.shape_cast %get3A_606 : vector<1x64xf32> to vector<1x1x1x64xf32>
    tpu.vector_store %arg5[%swap3A_607, %swap3A_608, %swap3A_609, %swap3A_610], %swap3A_613 {strides = array<i32>} : memref<1x64x512x64xf32, #tpu.memory_space<vmem>>, vector<1x1x1x64xf32>,
    %mul3A_614 = arith.constant 64 : i32
    %mul3A_615 = arith.muli %arg1, %mul3A_614 : i32
    %add3A_616 = arith.constant 13 : i32
    %add3A_617 = arith.addi %mul3A_615, %add3A_616 : i32
    %get3A_618 = arith.index_cast %arg0 : i32 to index
    %get3A_619 = arith.index_cast %add3A_617 : i32 to index
    %get3A_620 = memref.load %arg3[%get3A_618, %get3A_619] : memref<4x512xi32, #tpu.memory_space<smem>>
    %get3A_621 = arith.constant 0 : index
    %get3A_622 = arith.constant 0 : index
    %get3A_623 = arith.constant 0 : index
    %get3A_624 = vector.load %arg4[%get3A_621, %get3A_622, %get3A_623] : memref<1x512x1xi32, #tpu.memory_space<vmem>>, vector<1x512x1xi32>
    %get3A_625 = vector.shape_cast %get3A_624 : vector<1x512x1xi32> to vector<512x1xi32>
    %eq3A_626 = vector.broadcast %get3A_620 : i32 to vector<512x1xi32>
    %eq3A_627 = arith.cmpi eq, %get3A_625, %eq3A_626 : vector<512x1xi32>
    %sub3A_628 = arith.constant 511 : i32
    %sub3A_629 = arith.subi %sub3A_628, %add3A_617 : i32
    %rem3A_630 = arith.constant 8 : i32
    %rem3A_631 = arith.remsi %sub3A_629, %rem3A_630 : i32
    %mul3A_632 = arith.constant 1040 : i32
    %mul3A_633 = arith.muli %rem3A_631, %mul3A_632 : i32
    %sub3A_634 = arith.subi %sub3A_629, %rem3A_631 : i32
    %add3A_635 = arith.addi %mul3A_633, %sub3A_634 : i32
    %multiple_of3A_636 = tpu.assume_multiple %add3A_635, 8 : i32
    %get3A_637 = arith.index_cast %multiple_of3A_636 : i32 to index
    %get3A_638 = arith.constant 0 : index
    %get3A_639 = vector.load %arg6[%get3A_637, %get3A_638] : memref<8320x64xf32, #tpu.memory_space<vmem>>, vector<512x64xf32>
    %broadcast_in_dim3A_640 = vector.shape_cast %eq3A_627 : vector<512x1xi1> to vector<512x1xi1>
    %broadcast_in_dim3A_641 = vector.broadcast %broadcast_in_dim3A_640 : vector<512x1xi1> to vector<512x64xi1>
    %broadcast_in_dim3A_642 = vector.shape_cast %get3A_5 : vector<1x64xf32> to vector<1x64xf32>
    %broadcast_in_dim3A_643 = vector.broadcast %broadcast_in_dim3A_642 : vector<1x64xf32> to vector<512x64xf32>
    %select_n3A_644 = arith.select %broadcast_in_dim3A_641, %get3A_639, %broadcast_in_dim3A_643 : vector<512x64xi1>, vector<512x64xf32>
    %swap3A_645 = arith.constant 0 : index
    %swap3A_646 = arith.constant 13 : index
    %swap3A_647 = arith.constant 0 : index
    %swap3A_648 = arith.constant 0 : index
    %swap3A_649 = vector.load %arg5[%swap3A_645, %swap3A_646, %swap3A_647, %swap3A_648] : memref<1x64x512x64xf32, #tpu.memory_space<vmem>>, vector<1x1x512x64xf32>
    %swap3A_650 = vector.shape_cast %swap3A_649 : vector<1x1x512x64xf32> to vector<512x64xf32>
    %swap3A_651 = vector.shape_cast %select_n3A_644 : vector<512x64xf32> to vector<1x1x512x64xf32>
    tpu.vector_store %arg5[%swap3A_645, %swap3A_646, %swap3A_647, %swap3A_648], %swap3A_651 {strides = array<i32>} : memref<1x64x512x64xf32, #tpu.memory_space<vmem>>, vector<1x1x512x64xf32>,
    %get3A_652 = arith.constant 1026 : index
    %get3A_653 = arith.constant 0 : index
    %get3A_654 = vector.load %arg6[%get3A_652, %get3A_653] : memref<8320x64xf32, #tpu.memory_space<vmem>>, vector<1x64xf32>
    %swap3A_655 = arith.constant 0 : index
    %swap3A_656 = arith.constant 13 : index
    %swap3A_657 = arith.constant 0 : index
    %swap3A_658 = arith.constant 0 : index
    %swap3A_659 = vector.load %arg5[%swap3A_655, %swap3A_656, %swap3A_657, %swap3A_658] : memref<1x64x512x64xf32, #tpu.memory_space<vmem>>, vector<1x1x1x64xf32>
    %swap3A_660 = vector.shape_cast %swap3A_659 : vector<1x1x1x64xf32> to vector<1x64xf32>
    %swap3A_661 = vector.shape_cast %get3A_654 : vector<1x64xf32> to vector<1x1x1x64xf32>
    tpu.vector_store %arg5[%swap3A_655, %swap3A_656, %swap3A_657, %swap3A_658], %swap3A_661 {strides = array<i32>} : memref<1x64x512x64xf32, #tpu.memory_space<vmem>>, vector<1x1x1x64xf32>,
    %mul3A_662 = arith.constant 64 : i32
    %mul3A_663 = arith.muli %arg1, %mul3A_662 : i32
    %add3A_664 = arith.constant 14 : i32
    %add3A_665 = arith.addi %mul3A_663, %add3A_664 : i32
    %get3A_666 = arith.index_cast %arg0 : i32 to index
    %get3A_667 = arith.index_cast %add3A_665 : i32 to index
    %get3A_668 = memref.load %arg3[%get3A_666, %get3A_667] : memref<4x512xi32, #tpu.memory_space<smem>>
    %get3A_669 = arith.constant 0 : index
    %get3A_670 = arith.constant 0 : index
    %get3A_671 = arith.constant 0 : index
    %get3A_672 = vector.load %arg4[%get3A_669, %get3A_670, %get3A_671] : memref<1x512x1xi32, #tpu.memory_space<vmem>>, vector<1x512x1xi32>
    %get3A_673 = vector.shape_cast %get3A_672 : vector<1x512x1xi32> to vector<512x1xi32>
    %eq3A_674 = vector.broadcast %get3A_668 : i32 to vector<512x1xi32>
    %eq3A_675 = arith.cmpi eq, %get3A_673, %eq3A_674 : vector<512x1xi32>
    %sub3A_676 = arith.constant 511 : i32
    %sub3A_677 = arith.subi %sub3A_676, %add3A_665 : i32
    %rem3A_678 = arith.constant 8 : i32
    %rem3A_679 = arith.remsi %sub3A_677, %rem3A_678 : i32
    %mul3A_680 = arith.constant 1040 : i32
    %mul3A_681 = arith.muli %rem3A_679, %mul3A_680 : i32
    %sub3A_682 = arith.subi %sub3A_677, %rem3A_679 : i32
    %add3A_683 = arith.addi %mul3A_681, %sub3A_682 : i32
    %multiple_of3A_684 = tpu.assume_multiple %add3A_683, 8 : i32
    %get3A_685 = arith.index_cast %multiple_of3A_684 : i32 to index
    %get3A_686 = arith.constant 0 : index
    %get3A_687 = vector.load %arg6[%get3A_685, %get3A_686] : memref<8320x64xf32, #tpu.memory_space<vmem>>, vector<512x64xf32>
    %broadcast_in_dim3A_688 = vector.shape_cast %eq3A_675 : vector<512x1xi1> to vector<512x1xi1>
    %broadcast_in_dim3A_689 = vector.broadcast %broadcast_in_dim3A_688 : vector<512x1xi1> to vector<512x64xi1>
    %broadcast_in_dim3A_690 = vector.shape_cast %get3A_5 : vector<1x64xf32> to vector<1x64xf32>
    %broadcast_in_dim3A_691 = vector.broadcast %broadcast_in_dim3A_690 : vector<1x64xf32> to vector<512x64xf32>
    %select_n3A_692 = arith.select %broadcast_in_dim3A_689, %get3A_687, %broadcast_in_dim3A_691 : vector<512x64xi1>, vector<512x64xf32>
    %swap3A_693 = arith.constant 0 : index
    %swap3A_694 = arith.constant 14 : index
    %swap3A_695 = arith.constant 0 : index
    %swap3A_696 = arith.constant 0 : index
    %swap3A_697 = vector.load %arg5[%swap3A_693, %swap3A_694, %swap3A_695, %swap3A_696] : memref<1x64x512x64xf32, #tpu.memory_space<vmem>>, vector<1x1x512x64xf32>
    %swap3A_698 = vector.shape_cast %swap3A_697 : vector<1x1x512x64xf32> to vector<512x64xf32>
    %swap3A_699 = vector.shape_cast %select_n3A_692 : vector<512x64xf32> to vector<1x1x512x64xf32>
    tpu.vector_store %arg5[%swap3A_693, %swap3A_694, %swap3A_695, %swap3A_696], %swap3A_699 {strides = array<i32>} : memref<1x64x512x64xf32, #tpu.memory_space<vmem>>, vector<1x1x512x64xf32>,
    %get3A_700 = arith.constant 1026 : index
    %get3A_701 = arith.constant 0 : index
    %get3A_702 = vector.load %arg6[%get3A_700, %get3A_701] : memref<8320x64xf32, #tpu.memory_space<vmem>>, vector<1x64xf32>
    %swap3A_703 = arith.constant 0 : index
    %swap3A_704 = arith.constant 14 : index
    %swap3A_705 = arith.constant 0 : index
    %swap3A_706 = arith.constant 0 : index
    %swap3A_707 = vector.load %arg5[%swap3A_703, %swap3A_704, %swap3A_705, %swap3A_706] : memref<1x64x512x64xf32, #tpu.memory_space<vmem>>, vector<1x1x1x64xf32>
    %swap3A_708 = vector.shape_cast %swap3A_707 : vector<1x1x1x64xf32> to vector<1x64xf32>
    %swap3A_709 = vector.shape_cast %get3A_702 : vector<1x64xf32> to vector<1x1x1x64xf32>
    tpu.vector_store %arg5[%swap3A_703, %swap3A_704, %swap3A_705, %swap3A_706], %swap3A_709 {strides = array<i32>} : memref<1x64x512x64xf32, #tpu.memory_space<vmem>>, vector<1x1x1x64xf32>,
    %mul3A_710 = arith.constant 64 : i32
    %mul3A_711 = arith.muli %arg1, %mul3A_710 : i32
    %add3A_712 = arith.constant 15 : i32
    %add3A_713 = arith.addi %mul3A_711, %add3A_712 : i32
    %get3A_714 = arith.index_cast %arg0 : i32 to index
    %get3A_715 = arith.index_cast %add3A_713 : i32 to index
    %get3A_716 = memref.load %arg3[%get3A_714, %get3A_715] : memref<4x512xi32, #tpu.memory_space<smem>>
    %get3A_717 = arith.constant 0 : index
    %get3A_718 = arith.constant 0 : index
    %get3A_719 = arith.constant 0 : index
    %get3A_720 = vector.load %arg4[%get3A_717, %get3A_718, %get3A_719] : memref<1x512x1xi32, #tpu.memory_space<vmem>>, vector<1x512x1xi32>
    %get3A_721 = vector.shape_cast %get3A_720 : vector<1x512x1xi32> to vector<512x1xi32>
    %eq3A_722 = vector.broadcast %get3A_716 : i32 to vector<512x1xi32>
    %eq3A_723 = arith.cmpi eq, %get3A_721, %eq3A_722 : vector<512x1xi32>
    %sub3A_724 = arith.constant 511 : i32
    %sub3A_725 = arith.subi %sub3A_724, %add3A_713 : i32
    %rem3A_726 = arith.constant 8 : i32
    %rem3A_727 = arith.remsi %sub3A_725, %rem3A_726 : i32
    %mul3A_728 = arith.constant 1040 : i32
    %mul3A_729 = arith.muli %rem3A_727, %mul3A_728 : i32
    %sub3A_730 = arith.subi %sub3A_725, %rem3A_727 : i32
    %add3A_731 = arith.addi %mul3A_729, %sub3A_730 : i32
    %multiple_of3A_732 = tpu.assume_multiple %add3A_731, 8 : i32
    %get3A_733 = arith.index_cast %multiple_of3A_732 : i32 to index
    %get3A_734 = arith.constant 0 : index
    %get3A_735 = vector.load %arg6[%get3A_733, %get3A_734] : memref<8320x64xf32, #tpu.memory_space<vmem>>, vector<512x64xf32>
    %broadcast_in_dim3A_736 = vector.shape_cast %eq3A_723 : vector<512x1xi1> to vector<512x1xi1>
    %broadcast_in_dim3A_737 = vector.broadcast %broadcast_in_dim3A_736 : vector<512x1xi1> to vector<512x64xi1>
    %broadcast_in_dim3A_738 = vector.shape_cast %get3A_5 : vector<1x64xf32> to vector<1x64xf32>
    %broadcast_in_dim3A_739 = vector.broadcast %broadcast_in_dim3A_738 : vector<1x64xf32> to vector<512x64xf32>
    %select_n3A_740 = arith.select %broadcast_in_dim3A_737, %get3A_735, %broadcast_in_dim3A_739 : vector<512x64xi1>, vector<512x64xf32>
    %swap3A_741 = arith.constant 0 : index
    %swap3A_742 = arith.constant 15 : index
    %swap3A_743 = arith.constant 0 : index
    %swap3A_744 = arith.constant 0 : index
    %swap3A_745 = vector.load %arg5[%swap3A_741, %swap3A_742, %swap3A_743, %swap3A_744] : memref<1x64x512x64xf32, #tpu.memory_space<vmem>>, vector<1x1x512x64xf32>
    %swap3A_746 = vector.shape_cast %swap3A_745 : vector<1x1x512x64xf32> to vector<512x64xf32>
    %swap3A_747 = vector.shape_cast %select_n3A_740 : vector<512x64xf32> to vector<1x1x512x64xf32>
    tpu.vector_store %arg5[%swap3A_741, %swap3A_742, %swap3A_743, %swap3A_744], %swap3A_747 {strides = array<i32>} : memref<1x64x512x64xf32, #tpu.memory_space<vmem>>, vector<1x1x512x64xf32>,
    %get3A_748 = arith.constant 1026 : index
    %get3A_749 = arith.constant 0 : index
    %get3A_750 = vector.load %arg6[%get3A_748, %get3A_749] : memref<8320x64xf32, #tpu.memory_space<vmem>>, vector<1x64xf32>
    %swap3A_751 = arith.constant 0 : index
    %swap3A_752 = arith.constant 15 : index
    %swap3A_753 = arith.constant 0 : index
    %swap3A_754 = arith.constant 0 : index
    %swap3A_755 = vector.load %arg5[%swap3A_751, %swap3A_752, %swap3A_753, %swap3A_754] : memref<1x64x512x64xf32, #tpu.memory_space<vmem>>, vector<1x1x1x64xf32>
    %swap3A_756 = vector.shape_cast %swap3A_755 : vector<1x1x1x64xf32> to vector<1x64xf32>
    %swap3A_757 = vector.shape_cast %get3A_750 : vector<1x64xf32> to vector<1x1x1x64xf32>
    tpu.vector_store %arg5[%swap3A_751, %swap3A_752, %swap3A_753, %swap3A_754], %swap3A_757 {strides = array<i32>} : memref<1x64x512x64xf32, #tpu.memory_space<vmem>>, vector<1x1x1x64xf32>,
    %mul3A_758 = arith.constant 64 : i32
    %mul3A_759 = arith.muli %arg1, %mul3A_758 : i32
    %add3A_760 = arith.constant 16 : i32
    %add3A_761 = arith.addi %mul3A_759, %add3A_760 : i32
    %get3A_762 = arith.index_cast %arg0 : i32 to index
    %get3A_763 = arith.index_cast %add3A_761 : i32 to index
    %get3A_764 = memref.load %arg3[%get3A_762, %get3A_763] : memref<4x512xi32, #tpu.memory_space<smem>>
    %get3A_765 = arith.constant 0 : index
    %get3A_766 = arith.constant 0 : index
    %get3A_767 = arith.constant 0 : index
    %get3A_768 = vector.load %arg4[%get3A_765, %get3A_766, %get3A_767] : memref<1x512x1xi32, #tpu.memory_space<vmem>>, vector<1x512x1xi32>
    %get3A_769 = vector.shape_cast %get3A_768 : vector<1x512x1xi32> to vector<512x1xi32>
    %eq3A_770 = vector.broadcast %get3A_764 : i32 to vector<512x1xi32>
    %eq3A_771 = arith.cmpi eq, %get3A_769, %eq3A_770 : vector<512x1xi32>
    %sub3A_772 = arith.constant 511 : i32
    %sub3A_773 = arith.subi %sub3A_772, %add3A_761 : i32
    %rem3A_774 = arith.constant 8 : i32
    %rem3A_775 = arith.remsi %sub3A_773, %rem3A_774 : i32
    %mul3A_776 = arith.constant 1040 : i32
    %mul3A_777 = arith.muli %rem3A_775, %mul3A_776 : i32
    %sub3A_778 = arith.subi %sub3A_773, %rem3A_775 : i32
    %add3A_779 = arith.addi %mul3A_777, %sub3A_778 : i32
    %multiple_of3A_780 = tpu.assume_multiple %add3A_779, 8 : i32
    %get3A_781 = arith.index_cast %multiple_of3A_780 : i32 to index
    %get3A_782 = arith.constant 0 : index
    %get3A_783 = vector.load %arg6[%get3A_781, %get3A_782] : memref<8320x64xf32, #tpu.memory_space<vmem>>, vector<512x64xf32>
    %broadcast_in_dim3A_784 = vector.shape_cast %eq3A_771 : vector<512x1xi1> to vector<512x1xi1>
    %broadcast_in_dim3A_785 = vector.broadcast %broadcast_in_dim3A_784 : vector<512x1xi1> to vector<512x64xi1>
    %broadcast_in_dim3A_786 = vector.shape_cast %get3A_5 : vector<1x64xf32> to vector<1x64xf32>
    %broadcast_in_dim3A_787 = vector.broadcast %broadcast_in_dim3A_786 : vector<1x64xf32> to vector<512x64xf32>
    %select_n3A_788 = arith.select %broadcast_in_dim3A_785, %get3A_783, %broadcast_in_dim3A_787 : vector<512x64xi1>, vector<512x64xf32>
    %swap3A_789 = arith.constant 0 : index
    %swap3A_790 = arith.constant 16 : index
    %swap3A_791 = arith.constant 0 : index
    %swap3A_792 = arith.constant 0 : index
    %swap3A_793 = vector.load %arg5[%swap3A_789, %swap3A_790, %swap3A_791, %swap3A_792] : memref<1x64x512x64xf32, #tpu.memory_space<vmem>>, vector<1x1x512x64xf32>
    %swap3A_794 = vector.shape_cast %swap3A_793 : vector<1x1x512x64xf32> to vector<512x64xf32>
    %swap3A_795 = vector.shape_cast %select_n3A_788 : vector<512x64xf32> to vector<1x1x512x64xf32>
    tpu.vector_store %arg5[%swap3A_789, %swap3A_790, %swap3A_791, %swap3A_792], %swap3A_795 {strides = array<i32>} : memref<1x64x512x64xf32, #tpu.memory_space<vmem>>, vector<1x1x512x64xf32>,
    %get3A_796 = arith.constant 1026 : index
    %get3A_797 = arith.constant 0 : index
    %get3A_798 = vector.load %arg6[%get3A_796, %get3A_797] : memref<8320x64xf32, #tpu.memory_space<vmem>>, vector<1x64xf32>
    %swap3A_799 = arith.constant 0 : index
    %swap3A_800 = arith.constant 16 : index
    %swap3A_801 = arith.constant 0 : index
    %swap3A_802 = arith.constant 0 : index
    %swap3A_803 = vector.load %arg5[%swap3A_799, %swap3A_800, %swap3A_801, %swap3A_802] : memref<1x64x512x64xf32, #tpu.memory_space<vmem>>, vector<1x1x1x64xf32>
    %swap3A_804 = vector.shape_cast %swap3A_803 : vector<1x1x1x64xf32> to vector<1x64xf32>
    %swap3A_805 = vector.shape_cast %get3A_798 : vector<1x64xf32> to vector<1x1x1x64xf32>
    tpu.vector_store %arg5[%swap3A_799, %swap3A_800, %swap3A_801, %swap3A_802], %swap3A_805 {strides = array<i32>} : memref<1x64x512x64xf32, #tpu.memory_space<vmem>>, vector<1x1x1x64xf32>,
    %mul3A_806 = arith.constant 64 : i32
    %mul3A_807 = arith.muli %arg1, %mul3A_806 : i32
    %add3A_808 = arith.constant 17 : i32
    %add3A_809 = arith.addi %mul3A_807, %add3A_808 : i32
    %get3A_810 = arith.index_cast %arg0 : i32 to index
    %get3A_811 = arith.index_cast %add3A_809 : i32 to index
    %get3A_812 = memref.load %arg3[%get3A_810, %get3A_811] : memref<4x512xi32, #tpu.memory_space<smem>>
    %get3A_813 = arith.constant 0 : index
    %get3A_814 = arith.constant 0 : index
    %get3A_815 = arith.constant 0 : index
    %get3A_816 = vector.load %arg4[%get3A_813, %get3A_814, %get3A_815] : memref<1x512x1xi32, #tpu.memory_space<vmem>>, vector<1x512x1xi32>
    %get3A_817 = vector.shape_cast %get3A_816 : vector<1x512x1xi32> to vector<512x1xi32>
    %eq3A_818 = vector.broadcast %get3A_812 : i32 to vector<512x1xi32>
    %eq3A_819 = arith.cmpi eq, %get3A_817, %eq3A_818 : vector<512x1xi32>
    %sub3A_820 = arith.constant 511 : i32
    %sub3A_821 = arith.subi %sub3A_820, %add3A_809 : i32
    %rem3A_822 = arith.constant 8 : i32
    %rem3A_823 = arith.remsi %sub3A_821, %rem3A_822 : i32
    %mul3A_824 = arith.constant 1040 : i32
    %mul3A_825 = arith.muli %rem3A_823, %mul3A_824 : i32
    %sub3A_826 = arith.subi %sub3A_821, %rem3A_823 : i32
    %add3A_827 = arith.addi %mul3A_825, %sub3A_826 : i32
    %multiple_of3A_828 = tpu.assume_multiple %add3A_827, 8 : i32
    %get3A_829 = arith.index_cast %multiple_of3A_828 : i32 to index
    %get3A_830 = arith.constant 0 : index
    %get3A_831 = vector.load %arg6[%get3A_829, %get3A_830] : memref<8320x64xf32, #tpu.memory_space<vmem>>, vector<512x64xf32>
    %broadcast_in_dim3A_832 = vector.shape_cast %eq3A_819 : vector<512x1xi1> to vector<512x1xi1>
    %broadcast_in_dim3A_833 = vector.broadcast %broadcast_in_dim3A_832 : vector<512x1xi1> to vector<512x64xi1>
    %broadcast_in_dim3A_834 = vector.shape_cast %get3A_5 : vector<1x64xf32> to vector<1x64xf32>
    %broadcast_in_dim3A_835 = vector.broadcast %broadcast_in_dim3A_834 : vector<1x64xf32> to vector<512x64xf32>
    %select_n3A_836 = arith.select %broadcast_in_dim3A_833, %get3A_831, %broadcast_in_dim3A_835 : vector<512x64xi1>, vector<512x64xf32>
    %swap3A_837 = arith.constant 0 : index
    %swap3A_838 = arith.constant 17 : index
    %swap3A_839 = arith.constant 0 : index
    %swap3A_840 = arith.constant 0 : index
    %swap3A_841 = vector.load %arg5[%swap3A_837, %swap3A_838, %swap3A_839, %swap3A_840] : memref<1x64x512x64xf32, #tpu.memory_space<vmem>>, vector<1x1x512x64xf32>
    %swap3A_842 = vector.shape_cast %swap3A_841 : vector<1x1x512x64xf32> to vector<512x64xf32>
    %swap3A_843 = vector.shape_cast %select_n3A_836 : vector<512x64xf32> to vector<1x1x512x64xf32>
    tpu.vector_store %arg5[%swap3A_837, %swap3A_838, %swap3A_839, %swap3A_840], %swap3A_843 {strides = array<i32>} : memref<1x64x512x64xf32, #tpu.memory_space<vmem>>, vector<1x1x512x64xf32>,
    %get3A_844 = arith.constant 1026 : index
    %get3A_845 = arith.constant 0 : index
    %get3A_846 = vector.load %arg6[%get3A_844, %get3A_845] : memref<8320x64xf32, #tpu.memory_space<vmem>>, vector<1x64xf32>
    %swap3A_847 = arith.constant 0 : index
    %swap3A_848 = arith.constant 17 : index
    %swap3A_849 = arith.constant 0 : index
    %swap3A_850 = arith.constant 0 : index
    %swap3A_851 = vector.load %arg5[%swap3A_847, %swap3A_848, %swap3A_849, %swap3A_850] : memref<1x64x512x64xf32, #tpu.memory_space<vmem>>, vector<1x1x1x64xf32>
    %swap3A_852 = vector.shape_cast %swap3A_851 : vector<1x1x1x64xf32> to vector<1x64xf32>
    %swap3A_853 = vector.shape_cast %get3A_846 : vector<1x64xf32> to vector<1x1x1x64xf32>
    tpu.vector_store %arg5[%swap3A_847, %swap3A_848, %swap3A_849, %swap3A_850], %swap3A_853 {strides = array<i32>} : memref<1x64x512x64xf32, #tpu.memory_space<vmem>>, vector<1x1x1x64xf32>,
    %mul3A_854 = arith.constant 64 : i32
    %mul3A_855 = arith.muli %arg1, %mul3A_854 : i32
    %add3A_856 = arith.constant 18 : i32
    %add3A_857 = arith.addi %mul3A_855, %add3A_856 : i32
    %get3A_858 = arith.index_cast %arg0 : i32 to index
    %get3A_859 = arith.index_cast %add3A_857 : i32 to index
    %get3A_860 = memref.load %arg3[%get3A_858, %get3A_859] : memref<4x512xi32, #tpu.memory_space<smem>>
    %get3A_861 = arith.constant 0 : index
    %get3A_862 = arith.constant 0 : index
    %get3A_863 = arith.constant 0 : index
    %get3A_864 = vector.load %arg4[%get3A_861, %get3A_862, %get3A_863] : memref<1x512x1xi32, #tpu.memory_space<vmem>>, vector<1x512x1xi32>
    %get3A_865 = vector.shape_cast %get3A_864 : vector<1x512x1xi32> to vector<512x1xi32>
    %eq3A_866 = vector.broadcast %get3A_860 : i32 to vector<512x1xi32>
    %eq3A_867 = arith.cmpi eq, %get3A_865, %eq3A_866 : vector<512x1xi32>
    %sub3A_868 = arith.constant 511 : i32
    %sub3A_869 = arith.subi %sub3A_868, %add3A_857 : i32
    %rem3A_870 = arith.constant 8 : i32
    %rem3A_871 = arith.remsi %sub3A_869, %rem3A_870 : i32
    %mul3A_872 = arith.constant 1040 : i32
    %mul3A_873 = arith.muli %rem3A_871, %mul3A_872 : i32
    %sub3A_874 = arith.subi %sub3A_869, %rem3A_871 : i32
    %add3A_875 = arith.addi %mul3A_873, %sub3A_874 : i32
    %multiple_of3A_876 = tpu.assume_multiple %add3A_875, 8 : i32
    %get3A_877 = arith.index_cast %multiple_of3A_876 : i32 to index
    %get3A_878 = arith.constant 0 : index
    %get3A_879 = vector.load %arg6[%get3A_877, %get3A_878] : memref<8320x64xf32, #tpu.memory_space<vmem>>, vector<512x64xf32>
    %broadcast_in_dim3A_880 = vector.shape_cast %eq3A_867 : vector<512x1xi1> to vector<512x1xi1>
    %broadcast_in_dim3A_881 = vector.broadcast %broadcast_in_dim3A_880 : vector<512x1xi1> to vector<512x64xi1>
    %broadcast_in_dim3A_882 = vector.shape_cast %get3A_5 : vector<1x64xf32> to vector<1x64xf32>
    %broadcast_in_dim3A_883 = vector.broadcast %broadcast_in_dim3A_882 : vector<1x64xf32> to vector<512x64xf32>
    %select_n3A_884 = arith.select %broadcast_in_dim3A_881, %get3A_879, %broadcast_in_dim3A_883 : vector<512x64xi1>, vector<512x64xf32>
    %swap3A_885 = arith.constant 0 : index
    %swap3A_886 = arith.constant 18 : index
    %swap3A_887 = arith.constant 0 : index
    %swap3A_888 = arith.constant 0 : index
    %swap3A_889 = vector.load %arg5[%swap3A_885, %swap3A_886, %swap3A_887, %swap3A_888] : memref<1x64x512x64xf32, #tpu.memory_space<vmem>>, vector<1x1x512x64xf32>
    %swap3A_890 = vector.shape_cast %swap3A_889 : vector<1x1x512x64xf32> to vector<512x64xf32>
    %swap3A_891 = vector.shape_cast %select_n3A_884 : vector<512x64xf32> to vector<1x1x512x64xf32>
    tpu.vector_store %arg5[%swap3A_885, %swap3A_886, %swap3A_887, %swap3A_888], %swap3A_891 {strides = array<i32>} : memref<1x64x512x64xf32, #tpu.memory_space<vmem>>, vector<1x1x512x64xf32>,
    %get3A_892 = arith.constant 1026 : index
    %get3A_893 = arith.constant 0 : index
    %get3A_894 = vector.load %arg6[%get3A_892, %get3A_893] : memref<8320x64xf32, #tpu.memory_space<vmem>>, vector<1x64xf32>
    %swap3A_895 = arith.constant 0 : index
    %swap3A_896 = arith.constant 18 : index
    %swap3A_897 = arith.constant 0 : index
    %swap3A_898 = arith.constant 0 : index
    %swap3A_899 = vector.load %arg5[%swap3A_895, %swap3A_896, %swap3A_897, %swap3A_898] : memref<1x64x512x64xf32, #tpu.memory_space<vmem>>, vector<1x1x1x64xf32>
    %swap3A_900 = vector.shape_cast %swap3A_899 : vector<1x1x1x64xf32> to vector<1x64xf32>
    %swap3A_901 = vector.shape_cast %get3A_894 : vector<1x64xf32> to vector<1x1x1x64xf32>
    tpu.vector_store %arg5[%swap3A_895, %swap3A_896, %swap3A_897, %swap3A_898], %swap3A_901 {strides = array<i32>} : memref<1x64x512x64xf32, #tpu.memory_space<vmem>>, vector<1x1x1x64xf32>,
    %mul3A_902 = arith.constant 64 : i32
    %mul3A_903 = arith.muli %arg1, %mul3A_902 : i32
    %add3A_904 = arith.constant 19 : i32
    %add3A_905 = arith.addi %mul3A_903, %add3A_904 : i32
    %get3A_906 = arith.index_cast %arg0 : i32 to index
    %get3A_907 = arith.index_cast %add3A_905 : i32 to index
    %get3A_908 = memref.load %arg3[%get3A_906, %get3A_907] : memref<4x512xi32, #tpu.memory_space<smem>>
    %get3A_909 = arith.constant 0 : index
    %get3A_910 = arith.constant 0 : index
    %get3A_911 = arith.constant 0 : index
    %get3A_912 = vector.load %arg4[%get3A_909, %get3A_910, %get3A_911] : memref<1x512x1xi32, #tpu.memory_space<vmem>>, vector<1x512x1xi32>
    %get3A_913 = vector.shape_cast %get3A_912 : vector<1x512x1xi32> to vector<512x1xi32>
    %eq3A_914 = vector.broadcast %get3A_908 : i32 to vector<512x1xi32>
    %eq3A_915 = arith.cmpi eq, %get3A_913, %eq3A_914 : vector<512x1xi32>
    %sub3A_916 = arith.constant 511 : i32
    %sub3A_917 = arith.subi %sub3A_916, %add3A_905 : i32
    %rem3A_918 = arith.constant 8 : i32
    %rem3A_919 = arith.remsi %sub3A_917, %rem3A_918 : i32
    %mul3A_920 = arith.constant 1040 : i32
    %mul3A_921 = arith.muli %rem3A_919, %mul3A_920 : i32
    %sub3A_922 = arith.subi %sub3A_917, %rem3A_919 : i32
    %add3A_923 = arith.addi %mul3A_921, %sub3A_922 : i32
    %multiple_of3A_924 = tpu.assume_multiple %add3A_923, 8 : i32
    %get3A_925 = arith.index_cast %multiple_of3A_924 : i32 to index
    %get3A_926 = arith.constant 0 : index
    %get3A_927 = vector.load %arg6[%get3A_925, %get3A_926] : memref<8320x64xf32, #tpu.memory_space<vmem>>, vector<512x64xf32>
    %broadcast_in_dim3A_928 = vector.shape_cast %eq3A_915 : vector<512x1xi1> to vector<512x1xi1>
    %broadcast_in_dim3A_929 = vector.broadcast %broadcast_in_dim3A_928 : vector<512x1xi1> to vector<512x64xi1>
    %broadcast_in_dim3A_930 = vector.shape_cast %get3A_5 : vector<1x64xf32> to vector<1x64xf32>
    %broadcast_in_dim3A_931 = vector.broadcast %broadcast_in_dim3A_930 : vector<1x64xf32> to vector<512x64xf32>
    %select_n3A_932 = arith.select %broadcast_in_dim3A_929, %get3A_927, %broadcast_in_dim3A_931 : vector<512x64xi1>, vector<512x64xf32>
    %swap3A_933 = arith.constant 0 : index
    %swap3A_934 = arith.constant 19 : index
    %swap3A_935 = arith.constant 0 : index
    %swap3A_936 = arith.constant 0 : index
    %swap3A_937 = vector.load %arg5[%swap3A_933, %swap3A_934, %swap3A_935, %swap3A_936] : memref<1x64x512x64xf32, #tpu.memory_space<vmem>>, vector<1x1x512x64xf32>
    %swap3A_938 = vector.shape_cast %swap3A_937 : vector<1x1x512x64xf32> to vector<512x64xf32>
    %swap3A_939 = vector.shape_cast %select_n3A_932 : vector<512x64xf32> to vector<1x1x512x64xf32>
    tpu.vector_store %arg5[%swap3A_933, %swap3A_934, %swap3A_935, %swap3A_936], %swap3A_939 {strides = array<i32>} : memref<1x64x512x64xf32, #tpu.memory_space<vmem>>, vector<1x1x512x64xf32>,
    %get3A_940 = arith.constant 1026 : index
    %get3A_941 = arith.constant 0 : index
    %get3A_942 = vector.load %arg6[%get3A_940, %get3A_941] : memref<8320x64xf32, #tpu.memory_space<vmem>>, vector<1x64xf32>
    %swap3A_943 = arith.constant 0 : index
    %swap3A_944 = arith.constant 19 : index
    %swap3A_945 = arith.constant 0 : index
    %swap3A_946 = arith.constant 0 : index
    %swap3A_947 = vector.load %arg5[%swap3A_943, %swap3A_944, %swap3A_945, %swap3A_946] : memref<1x64x512x64xf32, #tpu.memory_space<vmem>>, vector<1x1x1x64xf32>
    %swap3A_948 = vector.shape_cast %swap3A_947 : vector<1x1x1x64xf32> to vector<1x64xf32>
    %swap3A_949 = vector.shape_cast %get3A_942 : vector<1x64xf32> to vector<1x1x1x64xf32>
    tpu.vector_store %arg5[%swap3A_943, %swap3A_944, %swap3A_945, %swap3A_946], %swap3A_949 {strides = array<i32>} : memref<1x64x512x64xf32, #tpu.memory_space<vmem>>, vector<1x1x1x64xf32>,
    %mul3A_950 = arith.constant 64 : i32
    %mul3A_951 = arith.muli %arg1, %mul3A_950 : i32
    %add3A_952 = arith.constant 20 : i32
    %add3A_953 = arith.addi %mul3A_951, %add3A_952 : i32
    %get3A_954 = arith.index_cast %arg0 : i32 to index
    %get3A_955 = arith.index_cast %add3A_953 : i32 to index
    %get3A_956 = memref.load %arg3[%get3A_954, %get3A_955] : memref<4x512xi32, #tpu.memory_space<smem>>
    %get3A_957 = arith.constant 0 : index
    %get3A_958 = arith.constant 0 : index
    %get3A_959 = arith.constant 0 : index
    %get3A_960 = vector.load %arg4[%get3A_957, %get3A_958, %get3A_959] : memref<1x512x1xi32, #tpu.memory_space<vmem>>, vector<1x512x1xi32>
    %get3A_961 = vector.shape_cast %get3A_960 : vector<1x512x1xi32> to vector<512x1xi32>
    %eq3A_962 = vector.broadcast %get3A_956 : i32 to vector<512x1xi32>
    %eq3A_963 = arith.cmpi eq, %get3A_961, %eq3A_962 : vector<512x1xi32>
    %sub3A_964 = arith.constant 511 : i32
    %sub3A_965 = arith.subi %sub3A_964, %add3A_953 : i32
    %rem3A_966 = arith.constant 8 : i32
    %rem3A_967 = arith.remsi %sub3A_965, %rem3A_966 : i32
    %mul3A_968 = arith.constant 1040 : i32
    %mul3A_969 = arith.muli %rem3A_967, %mul3A_968 : i32
    %sub3A_970 = arith.subi %sub3A_965, %rem3A_967 : i32
    %add3A_971 = arith.addi %mul3A_969, %sub3A_970 : i32
    %multiple_of3A_972 = tpu.assume_multiple %add3A_971, 8 : i32
    %get3A_973 = arith.index_cast %multiple_of3A_972 : i32 to index
    %get3A_974 = arith.constant 0 : index
    %get3A_975 = vector.load %arg6[%get3A_973, %get3A_974] : memref<8320x64xf32, #tpu.memory_space<vmem>>, vector<512x64xf32>
    %broadcast_in_dim3A_976 = vector.shape_cast %eq3A_963 : vector<512x1xi1> to vector<512x1xi1>
    %broadcast_in_dim3A_977 = vector.broadcast %broadcast_in_dim3A_976 : vector<512x1xi1> to vector<512x64xi1>
    %broadcast_in_dim3A_978 = vector.shape_cast %get3A_5 : vector<1x64xf32> to vector<1x64xf32>
    %broadcast_in_dim3A_979 = vector.broadcast %broadcast_in_dim3A_978 : vector<1x64xf32> to vector<512x64xf32>
    %select_n3A_980 = arith.select %broadcast_in_dim3A_977, %get3A_975, %broadcast_in_dim3A_979 : vector<512x64xi1>, vector<512x64xf32>
    %swap3A_981 = arith.constant 0 : index
    %swap3A_982 = arith.constant 20 : index
    %swap3A_983 = arith.constant 0 : index
    %swap3A_984 = arith.constant 0 : index
    %swap3A_985 = vector.load %arg5[%swap3A_981, %swap3A_982, %swap3A_983, %swap3A_984] : memref<1x64x512x64xf32, #tpu.memory_space<vmem>>, vector<1x1x512x64xf32>
    %swap3A_986 = vector.shape_cast %swap3A_985 : vector<1x1x512x64xf32> to vector<512x64xf32>
    %swap3A_987 = vector.shape_cast %select_n3A_980 : vector<512x64xf32> to vector<1x1x512x64xf32>
    tpu.vector_store %arg5[%swap3A_981, %swap3A_982, %swap3A_983, %swap3A_984], %swap3A_987 {strides = array<i32>} : memref<1x64x512x64xf32, #tpu.memory_space<vmem>>, vector<1x1x512x64xf32>,
    %get3A_988 = arith.constant 1026 : index
    %get3A_989 = arith.constant 0 : index
    %get3A_990 = vector.load %arg6[%get3A_988, %get3A_989] : memref<8320x64xf32, #tpu.memory_space<vmem>>, vector<1x64xf32>
    %swap3A_991 = arith.constant 0 : index
    %swap3A_992 = arith.constant 20 : index
    %swap3A_993 = arith.constant 0 : index
    %swap3A_994 = arith.constant 0 : index
    %swap3A_995 = vector.load %arg5[%swap3A_991, %swap3A_992, %swap3A_993, %swap3A_994] : memref<1x64x512x64xf32, #tpu.memory_space<vmem>>, vector<1x1x1x64xf32>
    %swap3A_996 = vector.shape_cast %swap3A_995 : vector<1x1x1x64xf32> to vector<1x64xf32>
    %swap3A_997 = vector.shape_cast %get3A_990 : vector<1x64xf32> to vector<1x1x1x64xf32>
    tpu.vector_store %arg5[%swap3A_991, %swap3A_992, %swap3A_993, %swap3A_994], %swap3A_997 {strides = array<i32>} : memref<1x64x512x64xf32, #tpu.memory_space<vmem>>, vector<1x1x1x64xf32>,
    %mul3A_998 = arith.constant 64 : i32
    %mul3A_999 = arith.muli %arg1, %mul3A_998 : i32
    %add3A_1000 = arith.constant 21 : i32
    %add3A_1001 = arith.addi %mul3A_999, %add3A_1000 : i32
    %get3A_1002 = arith.index_cast %arg0 : i32 to index
    %get3A_1003 = arith.index_cast %add3A_1001 : i32 to index
    %get3A_1004 = memref.load %arg3[%get3A_1002, %get3A_1003] : memref<4x512xi32, #tpu.memory_space<smem>>
    %get3A_1005 = arith.constant 0 : index
    %get3A_1006 = arith.constant 0 : index
    %get3A_1007 = arith.constant 0 : index
    %get3A_1008 = vector.load %arg4[%get3A_1005, %get3A_1006, %get3A_1007] : memref<1x512x1xi32, #tpu.memory_space<vmem>>, vector<1x512x1xi32>
    %get3A_1009 = vector.shape_cast %get3A_1008 : vector<1x512x1xi32> to vector<512x1xi32>
    %eq3A_1010 = vector.broadcast %get3A_1004 : i32 to vector<512x1xi32>
    %eq3A_1011 = arith.cmpi eq, %get3A_1009, %eq3A_1010 : vector<512x1xi32>
    %sub3A_1012 = arith.constant 511 : i32
    %sub3A_1013 = arith.subi %sub3A_1012, %add3A_1001 : i32
    %rem3A_1014 = arith.constant 8 : i32
    %rem3A_1015 = arith.remsi %sub3A_1013, %rem3A_1014 : i32
    %mul3A_1016 = arith.constant 1040 : i32
    %mul3A_1017 = arith.muli %rem3A_1015, %mul3A_1016 : i32
    %sub3A_1018 = arith.subi %sub3A_1013, %rem3A_1015 : i32
    %add3A_1019 = arith.addi %mul3A_1017, %sub3A_1018 : i32
    %multiple_of3A_1020 = tpu.assume_multiple %add3A_1019, 8 : i32
    %get3A_1021 = arith.index_cast %multiple_of3A_1020 : i32 to index
    %get3A_1022 = arith.constant 0 : index
    %get3A_1023 = vector.load %arg6[%get3A_1021, %get3A_1022] : memref<8320x64xf32, #tpu.memory_space<vmem>>, vector<512x64xf32>
    %broadcast_in_dim3A_1024 = vector.shape_cast %eq3A_1011 : vector<512x1xi1> to vector<512x1xi1>
    %broadcast_in_dim3A_1025 = vector.broadcast %broadcast_in_dim3A_1024 : vector<512x1xi1> to vector<512x64xi1>
    %broadcast_in_dim3A_1026 = vector.shape_cast %get3A_5 : vector<1x64xf32> to vector<1x64xf32>
    %broadcast_in_dim3A_1027 = vector.broadcast %broadcast_in_dim3A_1026 : vector<1x64xf32> to vector<512x64xf32>
    %select_n3A_1028 = arith.select %broadcast_in_dim3A_1025, %get3A_1023, %broadcast_in_dim3A_1027 : vector<512x64xi1>, vector<512x64xf32>
    %swap3A_1029 = arith.constant 0 : index
    %swap3A_1030 = arith.constant 21 : index
    %swap3A_1031 = arith.constant 0 : index
    %swap3A_1032 = arith.constant 0 : index
    %swap3A_1033 = vector.load %arg5[%swap3A_1029, %swap3A_1030, %swap3A_1031, %swap3A_1032] : memref<1x64x512x64xf32, #tpu.memory_space<vmem>>, vector<1x1x512x64xf32>
    %swap3A_1034 = vector.shape_cast %swap3A_1033 : vector<1x1x512x64xf32> to vector<512x64xf32>
    %swap3A_1035 = vector.shape_cast %select_n3A_1028 : vector<512x64xf32> to vector<1x1x512x64xf32>
    tpu.vector_store %arg5[%swap3A_1029, %swap3A_1030, %swap3A_1031, %swap3A_1032], %swap3A_1035 {strides = array<i32>} : memref<1x64x512x64xf32, #tpu.memory_space<vmem>>, vector<1x1x512x64xf32>,
    %get3A_1036 = arith.constant 1026 : index
    %get3A_1037 = arith.constant 0 : index
    %get3A_1038 = vector.load %arg6[%get3A_1036, %get3A_1037] : memref<8320x64xf32, #tpu.memory_space<vmem>>, vector<1x64xf32>
    %swap3A_1039 = arith.constant 0 : index
    %swap3A_1040 = arith.constant 21 : index
    %swap3A_1041 = arith.constant 0 : index
    %swap3A_1042 = arith.constant 0 : index
    %swap3A_1043 = vector.load %arg5[%swap3A_1039, %swap3A_1040, %swap3A_1041, %swap3A_1042] : memref<1x64x512x64xf32, #tpu.memory_space<vmem>>, vector<1x1x1x64xf32>
    %swap3A_1044 = vector.shape_cast %swap3A_1043 : vector<1x1x1x64xf32> to vector<1x64xf32>
    %swap3A_1045 = vector.shape_cast %get3A_1038 : vector<1x64xf32> to vector<1x1x1x64xf32>
    tpu.vector_store %arg5[%swap3A_1039, %swap3A_1040, %swap3A_1041, %swap3A_1042], %swap3A_1045 {strides = array<i32>} : memref<1x64x512x64xf32, #tpu.memory_space<vmem>>, vector<1x1x1x64xf32>,
    %mul3A_1046 = arith.constant 64 : i32
    %mul3A_1047 = arith.muli %arg1, %mul3A_1046 : i32
    %add3A_1048 = arith.constant 22 : i32
    %add3A_1049 = arith.addi %mul3A_1047, %add3A_1048 : i32
    %get3A_1050 = arith.index_cast %arg0 : i32 to index
    %get3A_1051 = arith.index_cast %add3A_1049 : i32 to index
    %get3A_1052 = memref.load %arg3[%get3A_1050, %get3A_1051] : memref<4x512xi32, #tpu.memory_space<smem>>
    %get3A_1053 = arith.constant 0 : index
    %get3A_1054 = arith.constant 0 : index
    %get3A_1055 = arith.constant 0 : index
    %get3A_1056 = vector.load %arg4[%get3A_1053, %get3A_1054, %get3A_1055] : memref<1x512x1xi32, #tpu.memory_space<vmem>>, vector<1x512x1xi32>
    %get3A_1057 = vector.shape_cast %get3A_1056 : vector<1x512x1xi32> to vector<512x1xi32>
    %eq3A_1058 = vector.broadcast %get3A_1052 : i32 to vector<512x1xi32>
    %eq3A_1059 = arith.cmpi eq, %get3A_1057, %eq3A_1058 : vector<512x1xi32>
    %sub3A_1060 = arith.constant 511 : i32
    %sub3A_1061 = arith.subi %sub3A_1060, %add3A_1049 : i32
    %rem3A_1062 = arith.constant 8 : i32
    %rem3A_1063 = arith.remsi %sub3A_1061, %rem3A_1062 : i32
    %mul3A_1064 = arith.constant 1040 : i32
    %mul3A_1065 = arith.muli %rem3A_1063, %mul3A_1064 : i32
    %sub3A_1066 = arith.subi %sub3A_1061, %rem3A_1063 : i32
    %add3A_1067 = arith.addi %mul3A_1065, %sub3A_1066 : i32
    %multiple_of3A_1068 = tpu.assume_multiple %add3A_1067, 8 : i32
    %get3A_1069 = arith.index_cast %multiple_of3A_1068 : i32 to index
    %get3A_1070 = arith.constant 0 : index
    %get3A_1071 = vector.load %arg6[%get3A_1069, %get3A_1070] : memref<8320x64xf32, #tpu.memory_space<vmem>>, vector<512x64xf32>
    %broadcast_in_dim3A_1072 = vector.shape_cast %eq3A_1059 : vector<512x1xi1> to vector<512x1xi1>
    %broadcast_in_dim3A_1073 = vector.broadcast %broadcast_in_dim3A_1072 : vector<512x1xi1> to vector<512x64xi1>
    %broadcast_in_dim3A_1074 = vector.shape_cast %get3A_5 : vector<1x64xf32> to vector<1x64xf32>
    %broadcast_in_dim3A_1075 = vector.broadcast %broadcast_in_dim3A_1074 : vector<1x64xf32> to vector<512x64xf32>
    %select_n3A_1076 = arith.select %broadcast_in_dim3A_1073, %get3A_1071, %broadcast_in_dim3A_1075 : vector<512x64xi1>, vector<512x64xf32>
    %swap3A_1077 = arith.constant 0 : index
    %swap3A_1078 = arith.constant 22 : index
    %swap3A_1079 = arith.constant 0 : index
    %swap3A_1080 = arith.constant 0 : index
    %swap3A_1081 = vector.load %arg5[%swap3A_1077, %swap3A_1078, %swap3A_1079, %swap3A_1080] : memref<1x64x512x64xf32, #tpu.memory_space<vmem>>, vector<1x1x512x64xf32>
    %swap3A_1082 = vector.shape_cast %swap3A_1081 : vector<1x1x512x64xf32> to vector<512x64xf32>
    %swap3A_1083 = vector.shape_cast %select_n3A_1076 : vector<512x64xf32> to vector<1x1x512x64xf32>
    tpu.vector_store %arg5[%swap3A_1077, %swap3A_1078, %swap3A_1079, %swap3A_1080], %swap3A_1083 {strides = array<i32>} : memref<1x64x512x64xf32, #tpu.memory_space<vmem>>, vector<1x1x512x64xf32>,
    %get3A_1084 = arith.constant 1026 : index
    %get3A_1085 = arith.constant 0 : index
    %get3A_1086 = vector.load %arg6[%get3A_1084, %get3A_1085] : memref<8320x64xf32, #tpu.memory_space<vmem>>, vector<1x64xf32>
    %swap3A_1087 = arith.constant 0 : index
    %swap3A_1088 = arith.constant 22 : index
    %swap3A_1089 = arith.constant 0 : index
    %swap3A_1090 = arith.constant 0 : index
    %swap3A_1091 = vector.load %arg5[%swap3A_1087, %swap3A_1088, %swap3A_1089, %swap3A_1090] : memref<1x64x512x64xf32, #tpu.memory_space<vmem>>, vector<1x1x1x64xf32>
    %swap3A_1092 = vector.shape_cast %swap3A_1091 : vector<1x1x1x64xf32> to vector<1x64xf32>
    %swap3A_1093 = vector.shape_cast %get3A_1086 : vector<1x64xf32> to vector<1x1x1x64xf32>
    tpu.vector_store %arg5[%swap3A_1087, %swap3A_1088, %swap3A_1089, %swap3A_1090], %swap3A_1093 {strides = array<i32>} : memref<1x64x512x64xf32, #tpu.memory_space<vmem>>, vector<1x1x1x64xf32>,
    %mul3A_1094 = arith.constant 64 : i32
    %mul3A_1095 = arith.muli %arg1, %mul3A_1094 : i32
    %add3A_1096 = arith.constant 23 : i32
    %add3A_1097 = arith.addi %mul3A_1095, %add3A_1096 : i32
    %get3A_1098 = arith.index_cast %arg0 : i32 to index
    %get3A_1099 = arith.index_cast %add3A_1097 : i32 to index
    %get3A_1100 = memref.load %arg3[%get3A_1098, %get3A_1099] : memref<4x512xi32, #tpu.memory_space<smem>>
    %get3A_1101 = arith.constant 0 : index
    %get3A_1102 = arith.constant 0 : index
    %get3A_1103 = arith.constant 0 : index
    %get3A_1104 = vector.load %arg4[%get3A_1101, %get3A_1102, %get3A_1103] : memref<1x512x1xi32, #tpu.memory_space<vmem>>, vector<1x512x1xi32>
    %get3A_1105 = vector.shape_cast %get3A_1104 : vector<1x512x1xi32> to vector<512x1xi32>
    %eq3A_1106 = vector.broadcast %get3A_1100 : i32 to vector<512x1xi32>
    %eq3A_1107 = arith.cmpi eq, %get3A_1105, %eq3A_1106 : vector<512x1xi32>
    %sub3A_1108 = arith.constant 511 : i32
    %sub3A_1109 = arith.subi %sub3A_1108, %add3A_1097 : i32
    %rem3A_1110 = arith.constant 8 : i32
    %rem3A_1111 = arith.remsi %sub3A_1109, %rem3A_1110 : i32
    %mul3A_1112 = arith.constant 1040 : i32
    %mul3A_1113 = arith.muli %rem3A_1111, %mul3A_1112 : i32
    %sub3A_1114 = arith.subi %sub3A_1109, %rem3A_1111 : i32
    %add3A_1115 = arith.addi %mul3A_1113, %sub3A_1114 : i32
    %multiple_of3A_1116 = tpu.assume_multiple %add3A_1115, 8 : i32
    %get3A_1117 = arith.index_cast %multiple_of3A_1116 : i32 to index
    %get3A_1118 = arith.constant 0 : index
    %get3A_1119 = vector.load %arg6[%get3A_1117, %get3A_1118] : memref<8320x64xf32, #tpu.memory_space<vmem>>, vector<512x64xf32>
    %broadcast_in_dim3A_1120 = vector.shape_cast %eq3A_1107 : vector<512x1xi1> to vector<512x1xi1>
    %broadcast_in_dim3A_1121 = vector.broadcast %broadcast_in_dim3A_1120 : vector<512x1xi1> to vector<512x64xi1>
    %broadcast_in_dim3A_1122 = vector.shape_cast %get3A_5 : vector<1x64xf32> to vector<1x64xf32>
    %broadcast_in_dim3A_1123 = vector.broadcast %broadcast_in_dim3A_1122 : vector<1x64xf32> to vector<512x64xf32>
    %select_n3A_1124 = arith.select %broadcast_in_dim3A_1121, %get3A_1119, %broadcast_in_dim3A_1123 : vector<512x64xi1>, vector<512x64xf32>
    %swap3A_1125 = arith.constant 0 : index
    %swap3A_1126 = arith.constant 23 : index
    %swap3A_1127 = arith.constant 0 : index
    %swap3A_1128 = arith.constant 0 : index
    %swap3A_1129 = vector.load %arg5[%swap3A_1125, %swap3A_1126, %swap3A_1127, %swap3A_1128] : memref<1x64x512x64xf32, #tpu.memory_space<vmem>>, vector<1x1x512x64xf32>
    %swap3A_1130 = vector.shape_cast %swap3A_1129 : vector<1x1x512x64xf32> to vector<512x64xf32>
    %swap3A_1131 = vector.shape_cast %select_n3A_1124 : vector<512x64xf32> to vector<1x1x512x64xf32>
    tpu.vector_store %arg5[%swap3A_1125, %swap3A_1126, %swap3A_1127, %swap3A_1128], %swap3A_1131 {strides = array<i32>} : memref<1x64x512x64xf32, #tpu.memory_space<vmem>>, vector<1x1x512x64xf32>,
    %get3A_1132 = arith.constant 1026 : index
    %get3A_1133 = arith.constant 0 : index
    %get3A_1134 = vector.load %arg6[%get3A_1132, %get3A_1133] : memref<8320x64xf32, #tpu.memory_space<vmem>>, vector<1x64xf32>
    %swap3A_1135 = arith.constant 0 : index
    %swap3A_1136 = arith.constant 23 : index
    %swap3A_1137 = arith.constant 0 : index
    %swap3A_1138 = arith.constant 0 : index
    %swap3A_1139 = vector.load %arg5[%swap3A_1135, %swap3A_1136, %swap3A_1137, %swap3A_1138] : memref<1x64x512x64xf32, #tpu.memory_space<vmem>>, vector<1x1x1x64xf32>
    %swap3A_1140 = vector.shape_cast %swap3A_1139 : vector<1x1x1x64xf32> to vector<1x64xf32>
    %swap3A_1141 = vector.shape_cast %get3A_1134 : vector<1x64xf32> to vector<1x1x1x64xf32>
    tpu.vector_store %arg5[%swap3A_1135, %swap3A_1136, %swap3A_1137, %swap3A_1138], %swap3A_1141 {strides = array<i32>} : memref<1x64x512x64xf32, #tpu.memory_space<vmem>>, vector<1x1x1x64xf32>,
    %mul3A_1142 = arith.constant 64 : i32
    %mul3A_1143 = arith.muli %arg1, %mul3A_1142 : i32
    %add3A_1144 = arith.constant 24 : i32
    %add3A_1145 = arith.addi %mul3A_1143, %add3A_1144 : i32
    %get3A_1146 = arith.index_cast %arg0 : i32 to index
    %get3A_1147 = arith.index_cast %add3A_1145 : i32 to index
    %get3A_1148 = memref.load %arg3[%get3A_1146, %get3A_1147] : memref<4x512xi32, #tpu.memory_space<smem>>
    %get3A_1149 = arith.constant 0 : index
    %get3A_1150 = arith.constant 0 : index
    %get3A_1151 = arith.constant 0 : index
    %get3A_1152 = vector.load %arg4[%get3A_1149, %get3A_1150, %get3A_1151] : memref<1x512x1xi32, #tpu.memory_space<vmem>>, vector<1x512x1xi32>
    %get3A_1153 = vector.shape_cast %get3A_1152 : vector<1x512x1xi32> to vector<512x1xi32>
    %eq3A_1154 = vector.broadcast %get3A_1148 : i32 to vector<512x1xi32>
    %eq3A_1155 = arith.cmpi eq, %get3A_1153, %eq3A_1154 : vector<512x1xi32>
    %sub3A_1156 = arith.constant 511 : i32
    %sub3A_1157 = arith.subi %sub3A_1156, %add3A_1145 : i32
    %rem3A_1158 = arith.constant 8 : i32
    %rem3A_1159 = arith.remsi %sub3A_1157, %rem3A_1158 : i32
    %mul3A_1160 = arith.constant 1040 : i32
    %mul3A_1161 = arith.muli %rem3A_1159, %mul3A_1160 : i32
    %sub3A_1162 = arith.subi %sub3A_1157, %rem3A_1159 : i32
    %add3A_1163 = arith.addi %mul3A_1161, %sub3A_1162 : i32
    %multiple_of3A_1164 = tpu.assume_multiple %add3A_1163, 8 : i32
    %get3A_1165 = arith.index_cast %multiple_of3A_1164 : i32 to index
    %get3A_1166 = arith.constant 0 : index
    %get3A_1167 = vector.load %arg6[%get3A_1165, %get3A_1166] : memref<8320x64xf32, #tpu.memory_space<vmem>>, vector<512x64xf32>
    %broadcast_in_dim3A_1168 = vector.shape_cast %eq3A_1155 : vector<512x1xi1> to vector<512x1xi1>
    %broadcast_in_dim3A_1169 = vector.broadcast %broadcast_in_dim3A_1168 : vector<512x1xi1> to vector<512x64xi1>
    %broadcast_in_dim3A_1170 = vector.shape_cast %get3A_5 : vector<1x64xf32> to vector<1x64xf32>
    %broadcast_in_dim3A_1171 = vector.broadcast %broadcast_in_dim3A_1170 : vector<1x64xf32> to vector<512x64xf32>
    %select_n3A_1172 = arith.select %broadcast_in_dim3A_1169, %get3A_1167, %broadcast_in_dim3A_1171 : vector<512x64xi1>, vector<512x64xf32>
    %swap3A_1173 = arith.constant 0 : index
    %swap3A_1174 = arith.constant 24 : index
    %swap3A_1175 = arith.constant 0 : index
    %swap3A_1176 = arith.constant 0 : index
    %swap3A_1177 = vector.load %arg5[%swap3A_1173, %swap3A_1174, %swap3A_1175, %swap3A_1176] : memref<1x64x512x64xf32, #tpu.memory_space<vmem>>, vector<1x1x512x64xf32>
    %swap3A_1178 = vector.shape_cast %swap3A_1177 : vector<1x1x512x64xf32> to vector<512x64xf32>
    %swap3A_1179 = vector.shape_cast %select_n3A_1172 : vector<512x64xf32> to vector<1x1x512x64xf32>
    tpu.vector_store %arg5[%swap3A_1173, %swap3A_1174, %swap3A_1175, %swap3A_1176], %swap3A_1179 {strides = array<i32>} : memref<1x64x512x64xf32, #tpu.memory_space<vmem>>, vector<1x1x512x64xf32>,
    %get3A_1180 = arith.constant 1026 : index
    %get3A_1181 = arith.constant 0 : index
    %get3A_1182 = vector.load %arg6[%get3A_1180, %get3A_1181] : memref<8320x64xf32, #tpu.memory_space<vmem>>, vector<1x64xf32>
    %swap3A_1183 = arith.constant 0 : index
    %swap3A_1184 = arith.constant 24 : index
    %swap3A_1185 = arith.constant 0 : index
    %swap3A_1186 = arith.constant 0 : index
    %swap3A_1187 = vector.load %arg5[%swap3A_1183, %swap3A_1184, %swap3A_1185, %swap3A_1186] : memref<1x64x512x64xf32, #tpu.memory_space<vmem>>, vector<1x1x1x64xf32>
    %swap3A_1188 = vector.shape_cast %swap3A_1187 : vector<1x1x1x64xf32> to vector<1x64xf32>
    %swap3A_1189 = vector.shape_cast %get3A_1182 : vector<1x64xf32> to vector<1x1x1x64xf32>
    tpu.vector_store %arg5[%swap3A_1183, %swap3A_1184, %swap3A_1185, %swap3A_1186], %swap3A_1189 {strides = array<i32>} : memref<1x64x512x64xf32, #tpu.memory_space<vmem>>, vector<1x1x1x64xf32>,
    %mul3A_1190 = arith.constant 64 : i32
    %mul3A_1191 = arith.muli %arg1, %mul3A_1190 : i32
    %add3A_1192 = arith.constant 25 : i32
    %add3A_1193 = arith.addi %mul3A_1191, %add3A_1192 : i32
    %get3A_1194 = arith.index_cast %arg0 : i32 to index
    %get3A_1195 = arith.index_cast %add3A_1193 : i32 to index
    %get3A_1196 = memref.load %arg3[%get3A_1194, %get3A_1195] : memref<4x512xi32, #tpu.memory_space<smem>>
    %get3A_1197 = arith.constant 0 : index
    %get3A_1198 = arith.constant 0 : index
    %get3A_1199 = arith.constant 0 : index
    %get3A_1200 = vector.load %arg4[%get3A_1197, %get3A_1198, %get3A_1199] : memref<1x512x1xi32, #tpu.memory_space<vmem>>, vector<1x512x1xi32>
    %get3A_1201 = vector.shape_cast %get3A_1200 : vector<1x512x1xi32> to vector<512x1xi32>
    %eq3A_1202 = vector.broadcast %get3A_1196 : i32 to vector<512x1xi32>
    %eq3A_1203 = arith.cmpi eq, %get3A_1201, %eq3A_1202 : vector<512x1xi32>
    %sub3A_1204 = arith.constant 511 : i32
    %sub3A_1205 = arith.subi %sub3A_1204, %add3A_1193 : i32
    %rem3A_1206 = arith.constant 8 : i32
    %rem3A_1207 = arith.remsi %sub3A_1205, %rem3A_1206 : i32
    %mul3A_1208 = arith.constant 1040 : i32
    %mul3A_1209 = arith.muli %rem3A_1207, %mul3A_1208 : i32
    %sub3A_1210 = arith.subi %sub3A_1205, %rem3A_1207 : i32
    %add3A_1211 = arith.addi %mul3A_1209, %sub3A_1210 : i32
    %multiple_of3A_1212 = tpu.assume_multiple %add3A_1211, 8 : i32
    %get3A_1213 = arith.index_cast %multiple_of3A_1212 : i32 to index
    %get3A_1214 = arith.constant 0 : index
    %get3A_1215 = vector.load %arg6[%get3A_1213, %get3A_1214] : memref<8320x64xf32, #tpu.memory_space<vmem>>, vector<512x64xf32>
    %broadcast_in_dim3A_1216 = vector.shape_cast %eq3A_1203 : vector<512x1xi1> to vector<512x1xi1>
    %broadcast_in_dim3A_1217 = vector.broadcast %broadcast_in_dim3A_1216 : vector<512x1xi1> to vector<512x64xi1>
    %broadcast_in_dim3A_1218 = vector.shape_cast %get3A_5 : vector<1x64xf32> to vector<1x64xf32>
    %broadcast_in_dim3A_1219 = vector.broadcast %broadcast_in_dim3A_1218 : vector<1x64xf32> to vector<512x64xf32>
    %select_n3A_1220 = arith.select %broadcast_in_dim3A_1217, %get3A_1215, %broadcast_in_dim3A_1219 : vector<512x64xi1>, vector<512x64xf32>
    %swap3A_1221 = arith.constant 0 : index
    %swap3A_1222 = arith.constant 25 : index
    %swap3A_1223 = arith.constant 0 : index
    %swap3A_1224 = arith.constant 0 : index
    %swap3A_1225 = vector.load %arg5[%swap3A_1221, %swap3A_1222, %swap3A_1223, %swap3A_1224] : memref<1x64x512x64xf32, #tpu.memory_space<vmem>>, vector<1x1x512x64xf32>
    %swap3A_1226 = vector.shape_cast %swap3A_1225 : vector<1x1x512x64xf32> to vector<512x64xf32>
    %swap3A_1227 = vector.shape_cast %select_n3A_1220 : vector<512x64xf32> to vector<1x1x512x64xf32>
    tpu.vector_store %arg5[%swap3A_1221, %swap3A_1222, %swap3A_1223, %swap3A_1224], %swap3A_1227 {strides = array<i32>} : memref<1x64x512x64xf32, #tpu.memory_space<vmem>>, vector<1x1x512x64xf32>,
    %get3A_1228 = arith.constant 1026 : index
    %get3A_1229 = arith.constant 0 : index
    %get3A_1230 = vector.load %arg6[%get3A_1228, %get3A_1229] : memref<8320x64xf32, #tpu.memory_space<vmem>>, vector<1x64xf32>
    %swap3A_1231 = arith.constant 0 : index
    %swap3A_1232 = arith.constant 25 : index
    %swap3A_1233 = arith.constant 0 : index
    %swap3A_1234 = arith.constant 0 : index
    %swap3A_1235 = vector.load %arg5[%swap3A_1231, %swap3A_1232, %swap3A_1233, %swap3A_1234] : memref<1x64x512x64xf32, #tpu.memory_space<vmem>>, vector<1x1x1x64xf32>
    %swap3A_1236 = vector.shape_cast %swap3A_1235 : vector<1x1x1x64xf32> to vector<1x64xf32>
    %swap3A_1237 = vector.shape_cast %get3A_1230 : vector<1x64xf32> to vector<1x1x1x64xf32>
    tpu.vector_store %arg5[%swap3A_1231, %swap3A_1232, %swap3A_1233, %swap3A_1234], %swap3A_1237 {strides = array<i32>} : memref<1x64x512x64xf32, #tpu.memory_space<vmem>>, vector<1x1x1x64xf32>,
    %mul3A_1238 = arith.constant 64 : i32
    %mul3A_1239 = arith.muli %arg1, %mul3A_1238 : i32
    %add3A_1240 = arith.constant 26 : i32
    %add3A_1241 = arith.addi %mul3A_1239, %add3A_1240 : i32
    %get3A_1242 = arith.index_cast %arg0 : i32 to index
    %get3A_1243 = arith.index_cast %add3A_1241 : i32 to index
    %get3A_1244 = memref.load %arg3[%get3A_1242, %get3A_1243] : memref<4x512xi32, #tpu.memory_space<smem>>
    %get3A_1245 = arith.constant 0 : index
    %get3A_1246 = arith.constant 0 : index
    %get3A_1247 = arith.constant 0 : index
    %get3A_1248 = vector.load %arg4[%get3A_1245, %get3A_1246, %get3A_1247] : memref<1x512x1xi32, #tpu.memory_space<vmem>>, vector<1x512x1xi32>
    %get3A_1249 = vector.shape_cast %get3A_1248 : vector<1x512x1xi32> to vector<512x1xi32>
    %eq3A_1250 = vector.broadcast %get3A_1244 : i32 to vector<512x1xi32>
    %eq3A_1251 = arith.cmpi eq, %get3A_1249, %eq3A_1250 : vector<512x1xi32>
    %sub3A_1252 = arith.constant 511 : i32
    %sub3A_1253 = arith.subi %sub3A_1252, %add3A_1241 : i32
    %rem3A_1254 = arith.constant 8 : i32
    %rem3A_1255 = arith.remsi %sub3A_1253, %rem3A_1254 : i32
    %mul3A_1256 = arith.constant 1040 : i32
    %mul3A_1257 = arith.muli %rem3A_1255, %mul3A_1256 : i32
    %sub3A_1258 = arith.subi %sub3A_1253, %rem3A_1255 : i32
    %add3A_1259 = arith.addi %mul3A_1257, %sub3A_1258 : i32
    %multiple_of3A_1260 = tpu.assume_multiple %add3A_1259, 8 : i32
    %get3A_1261 = arith.index_cast %multiple_of3A_1260 : i32 to index
    %get3A_1262 = arith.constant 0 : index
    %get3A_1263 = vector.load %arg6[%get3A_1261, %get3A_1262] : memref<8320x64xf32, #tpu.memory_space<vmem>>, vector<512x64xf32>
    %broadcast_in_dim3A_1264 = vector.shape_cast %eq3A_1251 : vector<512x1xi1> to vector<512x1xi1>
    %broadcast_in_dim3A_1265 = vector.broadcast %broadcast_in_dim3A_1264 : vector<512x1xi1> to vector<512x64xi1>
    %broadcast_in_dim3A_1266 = vector.shape_cast %get3A_5 : vector<1x64xf32> to vector<1x64xf32>
    %broadcast_in_dim3A_1267 = vector.broadcast %broadcast_in_dim3A_1266 : vector<1x64xf32> to vector<512x64xf32>
    %select_n3A_1268 = arith.select %broadcast_in_dim3A_1265, %get3A_1263, %broadcast_in_dim3A_1267 : vector<512x64xi1>, vector<512x64xf32>
    %swap3A_1269 = arith.constant 0 : index
    %swap3A_1270 = arith.constant 26 : index
    %swap3A_1271 = arith.constant 0 : index
    %swap3A_1272 = arith.constant 0 : index
    %swap3A_1273 = vector.load %arg5[%swap3A_1269, %swap3A_1270, %swap3A_1271, %swap3A_1272] : memref<1x64x512x64xf32, #tpu.memory_space<vmem>>, vector<1x1x512x64xf32>
    %swap3A_1274 = vector.shape_cast %swap3A_1273 : vector<1x1x512x64xf32> to vector<512x64xf32>
    %swap3A_1275 = vector.shape_cast %select_n3A_1268 : vector<512x64xf32> to vector<1x1x512x64xf32>
    tpu.vector_store %arg5[%swap3A_1269, %swap3A_1270, %swap3A_1271, %swap3A_1272], %swap3A_1275 {strides = array<i32>} : memref<1x64x512x64xf32, #tpu.memory_space<vmem>>, vector<1x1x512x64xf32>,
    %get3A_1276 = arith.constant 1026 : index
    %get3A_1277 = arith.constant 0 : index
    %get3A_1278 = vector.load %arg6[%get3A_1276, %get3A_1277] : memref<8320x64xf32, #tpu.memory_space<vmem>>, vector<1x64xf32>
    %swap3A_1279 = arith.constant 0 : index
    %swap3A_1280 = arith.constant 26 : index
    %swap3A_1281 = arith.constant 0 : index
    %swap3A_1282 = arith.constant 0 : index
    %swap3A_1283 = vector.load %arg5[%swap3A_1279, %swap3A_1280, %swap3A_1281, %swap3A_1282] : memref<1x64x512x64xf32, #tpu.memory_space<vmem>>, vector<1x1x1x64xf32>
    %swap3A_1284 = vector.shape_cast %swap3A_1283 : vector<1x1x1x64xf32> to vector<1x64xf32>
    %swap3A_1285 = vector.shape_cast %get3A_1278 : vector<1x64xf32> to vector<1x1x1x64xf32>
    tpu.vector_store %arg5[%swap3A_1279, %swap3A_1280, %swap3A_1281, %swap3A_1282], %swap3A_1285 {strides = array<i32>} : memref<1x64x512x64xf32, #tpu.memory_space<vmem>>, vector<1x1x1x64xf32>,
    %mul3A_1286 = arith.constant 64 : i32
    %mul3A_1287 = arith.muli %arg1, %mul3A_1286 : i32
    %add3A_1288 = arith.constant 27 : i32
    %add3A_1289 = arith.addi %mul3A_1287, %add3A_1288 : i32
    %get3A_1290 = arith.index_cast %arg0 : i32 to index
    %get3A_1291 = arith.index_cast %add3A_1289 : i32 to index
    %get3A_1292 = memref.load %arg3[%get3A_1290, %get3A_1291] : memref<4x512xi32, #tpu.memory_space<smem>>
    %get3A_1293 = arith.constant 0 : index
    %get3A_1294 = arith.constant 0 : index
    %get3A_1295 = arith.constant 0 : index
    %get3A_1296 = vector.load %arg4[%get3A_1293, %get3A_1294, %get3A_1295] : memref<1x512x1xi32, #tpu.memory_space<vmem>>, vector<1x512x1xi32>
    %get3A_1297 = vector.shape_cast %get3A_1296 : vector<1x512x1xi32> to vector<512x1xi32>
    %eq3A_1298 = vector.broadcast %get3A_1292 : i32 to vector<512x1xi32>
    %eq3A_1299 = arith.cmpi eq, %get3A_1297, %eq3A_1298 : vector<512x1xi32>
    %sub3A_1300 = arith.constant 511 : i32
    %sub3A_1301 = arith.subi %sub3A_1300, %add3A_1289 : i32
    %rem3A_1302 = arith.constant 8 : i32
    %rem3A_1303 = arith.remsi %sub3A_1301, %rem3A_1302 : i32
    %mul3A_1304 = arith.constant 1040 : i32
    %mul3A_1305 = arith.muli %rem3A_1303, %mul3A_1304 : i32
    %sub3A_1306 = arith.subi %sub3A_1301, %rem3A_1303 : i32
    %add3A_1307 = arith.addi %mul3A_1305, %sub3A_1306 : i32
    %multiple_of3A_1308 = tpu.assume_multiple %add3A_1307, 8 : i32
    %get3A_1309 = arith.index_cast %multiple_of3A_1308 : i32 to index
    %get3A_1310 = arith.constant 0 : index
    %get3A_1311 = vector.load %arg6[%get3A_1309, %get3A_1310] : memref<8320x64xf32, #tpu.memory_space<vmem>>, vector<512x64xf32>
    %broadcast_in_dim3A_1312 = vector.shape_cast %eq3A_1299 : vector<512x1xi1> to vector<512x1xi1>
    %broadcast_in_dim3A_1313 = vector.broadcast %broadcast_in_dim3A_1312 : vector<512x1xi1> to vector<512x64xi1>
    %broadcast_in_dim3A_1314 = vector.shape_cast %get3A_5 : vector<1x64xf32> to vector<1x64xf32>
    %broadcast_in_dim3A_1315 = vector.broadcast %broadcast_in_dim3A_1314 : vector<1x64xf32> to vector<512x64xf32>
    %select_n3A_1316 = arith.select %broadcast_in_dim3A_1313, %get3A_1311, %broadcast_in_dim3A_1315 : vector<512x64xi1>, vector<512x64xf32>
    %swap3A_1317 = arith.constant 0 : index
    %swap3A_1318 = arith.constant 27 : index
    %swap3A_1319 = arith.constant 0 : index
    %swap3A_1320 = arith.constant 0 : index
    %swap3A_1321 = vector.load %arg5[%swap3A_1317, %swap3A_1318, %swap3A_1319, %swap3A_1320] : memref<1x64x512x64xf32, #tpu.memory_space<vmem>>, vector<1x1x512x64xf32>
    %swap3A_1322 = vector.shape_cast %swap3A_1321 : vector<1x1x512x64xf32> to vector<512x64xf32>
    %swap3A_1323 = vector.shape_cast %select_n3A_1316 : vector<512x64xf32> to vector<1x1x512x64xf32>
    tpu.vector_store %arg5[%swap3A_1317, %swap3A_1318, %swap3A_1319, %swap3A_1320], %swap3A_1323 {strides = array<i32>} : memref<1x64x512x64xf32, #tpu.memory_space<vmem>>, vector<1x1x512x64xf32>,
    %get3A_1324 = arith.constant 1026 : index
    %get3A_1325 = arith.constant 0 : index
    %get3A_1326 = vector.load %arg6[%get3A_1324, %get3A_1325] : memref<8320x64xf32, #tpu.memory_space<vmem>>, vector<1x64xf32>
    %swap3A_1327 = arith.constant 0 : index
    %swap3A_1328 = arith.constant 27 : index
    %swap3A_1329 = arith.constant 0 : index
    %swap3A_1330 = arith.constant 0 : index
    %swap3A_1331 = vector.load %arg5[%swap3A_1327, %swap3A_1328, %swap3A_1329, %swap3A_1330] : memref<1x64x512x64xf32, #tpu.memory_space<vmem>>, vector<1x1x1x64xf32>
    %swap3A_1332 = vector.shape_cast %swap3A_1331 : vector<1x1x1x64xf32> to vector<1x64xf32>
    %swap3A_1333 = vector.shape_cast %get3A_1326 : vector<1x64xf32> to vector<1x1x1x64xf32>
    tpu.vector_store %arg5[%swap3A_1327, %swap3A_1328, %swap3A_1329, %swap3A_1330], %swap3A_1333 {strides = array<i32>} : memref<1x64x512x64xf32, #tpu.memory_space<vmem>>, vector<1x1x1x64xf32>,
    %mul3A_1334 = arith.constant 64 : i32
    %mul3A_1335 = arith.muli %arg1, %mul3A_1334 : i32
    %add3A_1336 = arith.constant 28 : i32
    %add3A_1337 = arith.addi %mul3A_1335, %add3A_1336 : i32
    %get3A_1338 = arith.index_cast %arg0 : i32 to index
    %get3A_1339 = arith.index_cast %add3A_1337 : i32 to index
    %get3A_1340 = memref.load %arg3[%get3A_1338, %get3A_1339] : memref<4x512xi32, #tpu.memory_space<smem>>
    %get3A_1341 = arith.constant 0 : index
    %get3A_1342 = arith.constant 0 : index
    %get3A_1343 = arith.constant 0 : index
    %get3A_1344 = vector.load %arg4[%get3A_1341, %get3A_1342, %get3A_1343] : memref<1x512x1xi32, #tpu.memory_space<vmem>>, vector<1x512x1xi32>
    %get3A_1345 = vector.shape_cast %get3A_1344 : vector<1x512x1xi32> to vector<512x1xi32>
    %eq3A_1346 = vector.broadcast %get3A_1340 : i32 to vector<512x1xi32>
    %eq3A_1347 = arith.cmpi eq, %get3A_1345, %eq3A_1346 : vector<512x1xi32>
    %sub3A_1348 = arith.constant 511 : i32
    %sub3A_1349 = arith.subi %sub3A_1348, %add3A_1337 : i32
    %rem3A_1350 = arith.constant 8 : i32
    %rem3A_1351 = arith.remsi %sub3A_1349, %rem3A_1350 : i32
    %mul3A_1352 = arith.constant 1040 : i32
    %mul3A_1353 = arith.muli %rem3A_1351, %mul3A_1352 : i32
    %sub3A_1354 = arith.subi %sub3A_1349, %rem3A_1351 : i32
    %add3A_1355 = arith.addi %mul3A_1353, %sub3A_1354 : i32
    %multiple_of3A_1356 = tpu.assume_multiple %add3A_1355, 8 : i32
    %get3A_1357 = arith.index_cast %multiple_of3A_1356 : i32 to index
    %get3A_1358 = arith.constant 0 : index
    %get3A_1359 = vector.load %arg6[%get3A_1357, %get3A_1358] : memref<8320x64xf32, #tpu.memory_space<vmem>>, vector<512x64xf32>
    %broadcast_in_dim3A_1360 = vector.shape_cast %eq3A_1347 : vector<512x1xi1> to vector<512x1xi1>
    %broadcast_in_dim3A_1361 = vector.broadcast %broadcast_in_dim3A_1360 : vector<512x1xi1> to vector<512x64xi1>
    %broadcast_in_dim3A_1362 = vector.shape_cast %get3A_5 : vector<1x64xf32> to vector<1x64xf32>
    %broadcast_in_dim3A_1363 = vector.broadcast %broadcast_in_dim3A_1362 : vector<1x64xf32> to vector<512x64xf32>
    %select_n3A_1364 = arith.select %broadcast_in_dim3A_1361, %get3A_1359, %broadcast_in_dim3A_1363 : vector<512x64xi1>, vector<512x64xf32>
    %swap3A_1365 = arith.constant 0 : index
    %swap3A_1366 = arith.constant 28 : index
    %swap3A_1367 = arith.constant 0 : index
    %swap3A_1368 = arith.constant 0 : index
    %swap3A_1369 = vector.load %arg5[%swap3A_1365, %swap3A_1366, %swap3A_1367, %swap3A_1368] : memref<1x64x512x64xf32, #tpu.memory_space<vmem>>, vector<1x1x512x64xf32>
    %swap3A_1370 = vector.shape_cast %swap3A_1369 : vector<1x1x512x64xf32> to vector<512x64xf32>
    %swap3A_1371 = vector.shape_cast %select_n3A_1364 : vector<512x64xf32> to vector<1x1x512x64xf32>
    tpu.vector_store %arg5[%swap3A_1365, %swap3A_1366, %swap3A_1367, %swap3A_1368], %swap3A_1371 {strides = array<i32>} : memref<1x64x512x64xf32, #tpu.memory_space<vmem>>, vector<1x1x512x64xf32>,
    %get3A_1372 = arith.constant 1026 : index
    %get3A_1373 = arith.constant 0 : index
    %get3A_1374 = vector.load %arg6[%get3A_1372, %get3A_1373] : memref<8320x64xf32, #tpu.memory_space<vmem>>, vector<1x64xf32>
    %swap3A_1375 = arith.constant 0 : index
    %swap3A_1376 = arith.constant 28 : index
    %swap3A_1377 = arith.constant 0 : index
    %swap3A_1378 = arith.constant 0 : index
    %swap3A_1379 = vector.load %arg5[%swap3A_1375, %swap3A_1376, %swap3A_1377, %swap3A_1378] : memref<1x64x512x64xf32, #tpu.memory_space<vmem>>, vector<1x1x1x64xf32>
    %swap3A_1380 = vector.shape_cast %swap3A_1379 : vector<1x1x1x64xf32> to vector<1x64xf32>
    %swap3A_1381 = vector.shape_cast %get3A_1374 : vector<1x64xf32> to vector<1x1x1x64xf32>
    tpu.vector_store %arg5[%swap3A_1375, %swap3A_1376, %swap3A_1377, %swap3A_1378], %swap3A_1381 {strides = array<i32>} : memref<1x64x512x64xf32, #tpu.memory_space<vmem>>, vector<1x1x1x64xf32>,
    %mul3A_1382 = arith.constant 64 : i32
    %mul3A_1383 = arith.muli %arg1, %mul3A_1382 : i32
    %add3A_1384 = arith.constant 29 : i32
    %add3A_1385 = arith.addi %mul3A_1383, %add3A_1384 : i32
    %get3A_1386 = arith.index_cast %arg0 : i32 to index
    %get3A_1387 = arith.index_cast %add3A_1385 : i32 to index
    %get3A_1388 = memref.load %arg3[%get3A_1386, %get3A_1387] : memref<4x512xi32, #tpu.memory_space<smem>>
    %get3A_1389 = arith.constant 0 : index
    %get3A_1390 = arith.constant 0 : index
    %get3A_1391 = arith.constant 0 : index
    %get3A_1392 = vector.load %arg4[%get3A_1389, %get3A_1390, %get3A_1391] : memref<1x512x1xi32, #tpu.memory_space<vmem>>, vector<1x512x1xi32>
    %get3A_1393 = vector.shape_cast %get3A_1392 : vector<1x512x1xi32> to vector<512x1xi32>
    %eq3A_1394 = vector.broadcast %get3A_1388 : i32 to vector<512x1xi32>
    %eq3A_1395 = arith.cmpi eq, %get3A_1393, %eq3A_1394 : vector<512x1xi32>
    %sub3A_1396 = arith.constant 511 : i32
    %sub3A_1397 = arith.subi %sub3A_1396, %add3A_1385 : i32
    %rem3A_1398 = arith.constant 8 : i32
    %rem3A_1399 = arith.remsi %sub3A_1397, %rem3A_1398 : i32
    %mul3A_1400 = arith.constant 1040 : i32
    %mul3A_1401 = arith.muli %rem3A_1399, %mul3A_1400 : i32
    %sub3A_1402 = arith.subi %sub3A_1397, %rem3A_1399 : i32
    %add3A_1403 = arith.addi %mul3A_1401, %sub3A_1402 : i32
    %multiple_of3A_1404 = tpu.assume_multiple %add3A_1403, 8 : i32
    %get3A_1405 = arith.index_cast %multiple_of3A_1404 : i32 to index
    %get3A_1406 = arith.constant 0 : index
    %get3A_1407 = vector.load %arg6[%get3A_1405, %get3A_1406] : memref<8320x64xf32, #tpu.memory_space<vmem>>, vector<512x64xf32>
    %broadcast_in_dim3A_1408 = vector.shape_cast %eq3A_1395 : vector<512x1xi1> to vector<512x1xi1>
    %broadcast_in_dim3A_1409 = vector.broadcast %broadcast_in_dim3A_1408 : vector<512x1xi1> to vector<512x64xi1>
    %broadcast_in_dim3A_1410 = vector.shape_cast %get3A_5 : vector<1x64xf32> to vector<1x64xf32>
    %broadcast_in_dim3A_1411 = vector.broadcast %broadcast_in_dim3A_1410 : vector<1x64xf32> to vector<512x64xf32>
    %select_n3A_1412 = arith.select %broadcast_in_dim3A_1409, %get3A_1407, %broadcast_in_dim3A_1411 : vector<512x64xi1>, vector<512x64xf32>
    %swap3A_1413 = arith.constant 0 : index
    %swap3A_1414 = arith.constant 29 : index
    %swap3A_1415 = arith.constant 0 : index
    %swap3A_1416 = arith.constant 0 : index
    %swap3A_1417 = vector.load %arg5[%swap3A_1413, %swap3A_1414, %swap3A_1415, %swap3A_1416] : memref<1x64x512x64xf32, #tpu.memory_space<vmem>>, vector<1x1x512x64xf32>
    %swap3A_1418 = vector.shape_cast %swap3A_1417 : vector<1x1x512x64xf32> to vector<512x64xf32>
    %swap3A_1419 = vector.shape_cast %select_n3A_1412 : vector<512x64xf32> to vector<1x1x512x64xf32>
    tpu.vector_store %arg5[%swap3A_1413, %swap3A_1414, %swap3A_1415, %swap3A_1416], %swap3A_1419 {strides = array<i32>} : memref<1x64x512x64xf32, #tpu.memory_space<vmem>>, vector<1x1x512x64xf32>,
    %get3A_1420 = arith.constant 1026 : index
    %get3A_1421 = arith.constant 0 : index
    %get3A_1422 = vector.load %arg6[%get3A_1420, %get3A_1421] : memref<8320x64xf32, #tpu.memory_space<vmem>>, vector<1x64xf32>
    %swap3A_1423 = arith.constant 0 : index
    %swap3A_1424 = arith.constant 29 : index
    %swap3A_1425 = arith.constant 0 : index
    %swap3A_1426 = arith.constant 0 : index
    %swap3A_1427 = vector.load %arg5[%swap3A_1423, %swap3A_1424, %swap3A_1425, %swap3A_1426] : memref<1x64x512x64xf32, #tpu.memory_space<vmem>>, vector<1x1x1x64xf32>
    %swap3A_1428 = vector.shape_cast %swap3A_1427 : vector<1x1x1x64xf32> to vector<1x64xf32>
    %swap3A_1429 = vector.shape_cast %get3A_1422 : vector<1x64xf32> to vector<1x1x1x64xf32>
    tpu.vector_store %arg5[%swap3A_1423, %swap3A_1424, %swap3A_1425, %swap3A_1426], %swap3A_1429 {strides = array<i32>} : memref<1x64x512x64xf32, #tpu.memory_space<vmem>>, vector<1x1x1x64xf32>,
    %mul3A_1430 = arith.constant 64 : i32
    %mul3A_1431 = arith.muli %arg1, %mul3A_1430 : i32
    %add3A_1432 = arith.constant 30 : i32
    %add3A_1433 = arith.addi %mul3A_1431, %add3A_1432 : i32
    %get3A_1434 = arith.index_cast %arg0 : i32 to index
    %get3A_1435 = arith.index_cast %add3A_1433 : i32 to index
    %get3A_1436 = memref.load %arg3[%get3A_1434, %get3A_1435] : memref<4x512xi32, #tpu.memory_space<smem>>
    %get3A_1437 = arith.constant 0 : index
    %get3A_1438 = arith.constant 0 : index
    %get3A_1439 = arith.constant 0 : index
    %get3A_1440 = vector.load %arg4[%get3A_1437, %get3A_1438, %get3A_1439] : memref<1x512x1xi32, #tpu.memory_space<vmem>>, vector<1x512x1xi32>
    %get3A_1441 = vector.shape_cast %get3A_1440 : vector<1x512x1xi32> to vector<512x1xi32>
    %eq3A_1442 = vector.broadcast %get3A_1436 : i32 to vector<512x1xi32>
    %eq3A_1443 = arith.cmpi eq, %get3A_1441, %eq3A_1442 : vector<512x1xi32>
    %sub3A_1444 = arith.constant 511 : i32
    %sub3A_1445 = arith.subi %sub3A_1444, %add3A_1433 : i32
    %rem3A_1446 = arith.constant 8 : i32
    %rem3A_1447 = arith.remsi %sub3A_1445, %rem3A_1446 : i32
    %mul3A_1448 = arith.constant 1040 : i32
    %mul3A_1449 = arith.muli %rem3A_1447, %mul3A_1448 : i32
    %sub3A_1450 = arith.subi %sub3A_1445, %rem3A_1447 : i32
    %add3A_1451 = arith.addi %mul3A_1449, %sub3A_1450 : i32
    %multiple_of3A_1452 = tpu.assume_multiple %add3A_1451, 8 : i32
    %get3A_1453 = arith.index_cast %multiple_of3A_1452 : i32 to index
    %get3A_1454 = arith.constant 0 : index
    %get3A_1455 = vector.load %arg6[%get3A_1453, %get3A_1454] : memref<8320x64xf32, #tpu.memory_space<vmem>>, vector<512x64xf32>
    %broadcast_in_dim3A_1456 = vector.shape_cast %eq3A_1443 : vector<512x1xi1> to vector<512x1xi1>
    %broadcast_in_dim3A_1457 = vector.broadcast %broadcast_in_dim3A_1456 : vector<512x1xi1> to vector<512x64xi1>
    %broadcast_in_dim3A_1458 = vector.shape_cast %get3A_5 : vector<1x64xf32> to vector<1x64xf32>
    %broadcast_in_dim3A_1459 = vector.broadcast %broadcast_in_dim3A_1458 : vector<1x64xf32> to vector<512x64xf32>
    %select_n3A_1460 = arith.select %broadcast_in_dim3A_1457, %get3A_1455, %broadcast_in_dim3A_1459 : vector<512x64xi1>, vector<512x64xf32>
    %swap3A_1461 = arith.constant 0 : index
    %swap3A_1462 = arith.constant 30 : index
    %swap3A_1463 = arith.constant 0 : index
    %swap3A_1464 = arith.constant 0 : index
    %swap3A_1465 = vector.load %arg5[%swap3A_1461, %swap3A_1462, %swap3A_1463, %swap3A_1464] : memref<1x64x512x64xf32, #tpu.memory_space<vmem>>, vector<1x1x512x64xf32>
    %swap3A_1466 = vector.shape_cast %swap3A_1465 : vector<1x1x512x64xf32> to vector<512x64xf32>
    %swap3A_1467 = vector.shape_cast %select_n3A_1460 : vector<512x64xf32> to vector<1x1x512x64xf32>
    tpu.vector_store %arg5[%swap3A_1461, %swap3A_1462, %swap3A_1463, %swap3A_1464], %swap3A_1467 {strides = array<i32>} : memref<1x64x512x64xf32, #tpu.memory_space<vmem>>, vector<1x1x512x64xf32>,
    %get3A_1468 = arith.constant 1026 : index
    %get3A_1469 = arith.constant 0 : index
    %get3A_1470 = vector.load %arg6[%get3A_1468, %get3A_1469] : memref<8320x64xf32, #tpu.memory_space<vmem>>, vector<1x64xf32>
    %swap3A_1471 = arith.constant 0 : index
    %swap3A_1472 = arith.constant 30 : index
    %swap3A_1473 = arith.constant 0 : index
    %swap3A_1474 = arith.constant 0 : index
    %swap3A_1475 = vector.load %arg5[%swap3A_1471, %swap3A_1472, %swap3A_1473, %swap3A_1474] : memref<1x64x512x64xf32, #tpu.memory_space<vmem>>, vector<1x1x1x64xf32>
    %swap3A_1476 = vector.shape_cast %swap3A_1475 : vector<1x1x1x64xf32> to vector<1x64xf32>
    %swap3A_1477 = vector.shape_cast %get3A_1470 : vector<1x64xf32> to vector<1x1x1x64xf32>
    tpu.vector_store %arg5[%swap3A_1471, %swap3A_1472, %swap3A_1473, %swap3A_1474], %swap3A_1477 {strides = array<i32>} : memref<1x64x512x64xf32, #tpu.memory_space<vmem>>, vector<1x1x1x64xf32>,
    %mul3A_1478 = arith.constant 64 : i32
    %mul3A_1479 = arith.muli %arg1, %mul3A_1478 : i32
    %add3A_1480 = arith.constant 31 : i32
    %add3A_1481 = arith.addi %mul3A_1479, %add3A_1480 : i32
    %get3A_1482 = arith.index_cast %arg0 : i32 to index
    %get3A_1483 = arith.index_cast %add3A_1481 : i32 to index
    %get3A_1484 = memref.load %arg3[%get3A_1482, %get3A_1483] : memref<4x512xi32, #tpu.memory_space<smem>>
    %get3A_1485 = arith.constant 0 : index
    %get3A_1486 = arith.constant 0 : index
    %get3A_1487 = arith.constant 0 : index
    %get3A_1488 = vector.load %arg4[%get3A_1485, %get3A_1486, %get3A_1487] : memref<1x512x1xi32, #tpu.memory_space<vmem>>, vector<1x512x1xi32>
    %get3A_1489 = vector.shape_cast %get3A_1488 : vector<1x512x1xi32> to vector<512x1xi32>
    %eq3A_1490 = vector.broadcast %get3A_1484 : i32 to vector<512x1xi32>
    %eq3A_1491 = arith.cmpi eq, %get3A_1489, %eq3A_1490 : vector<512x1xi32>
    %sub3A_1492 = arith.constant 511 : i32
    %sub3A_1493 = arith.subi %sub3A_1492, %add3A_1481 : i32
    %rem3A_1494 = arith.constant 8 : i32
    %rem3A_1495 = arith.remsi %sub3A_1493, %rem3A_1494 : i32
    %mul3A_1496 = arith.constant 1040 : i32
    %mul3A_1497 = arith.muli %rem3A_1495, %mul3A_1496 : i32
    %sub3A_1498 = arith.subi %sub3A_1493, %rem3A_1495 : i32
    %add3A_1499 = arith.addi %mul3A_1497, %sub3A_1498 : i32
    %multiple_of3A_1500 = tpu.assume_multiple %add3A_1499, 8 : i32
    %get3A_1501 = arith.index_cast %multiple_of3A_1500 : i32 to index
    %get3A_1502 = arith.constant 0 : index
    %get3A_1503 = vector.load %arg6[%get3A_1501, %get3A_1502] : memref<8320x64xf32, #tpu.memory_space<vmem>>, vector<512x64xf32>
    %broadcast_in_dim3A_1504 = vector.shape_cast %eq3A_1491 : vector<512x1xi1> to vector<512x1xi1>
    %broadcast_in_dim3A_1505 = vector.broadcast %broadcast_in_dim3A_1504 : vector<512x1xi1> to vector<512x64xi1>
    %broadcast_in_dim3A_1506 = vector.shape_cast %get3A_5 : vector<1x64xf32> to vector<1x64xf32>
    %broadcast_in_dim3A_1507 = vector.broadcast %broadcast_in_dim3A_1506 : vector<1x64xf32> to vector<512x64xf32>
    %select_n3A_1508 = arith.select %broadcast_in_dim3A_1505, %get3A_1503, %broadcast_in_dim3A_1507 : vector<512x64xi1>, vector<512x64xf32>
    %swap3A_1509 = arith.constant 0 : index
    %swap3A_1510 = arith.constant 31 : index
    %swap3A_1511 = arith.constant 0 : index
    %swap3A_1512 = arith.constant 0 : index
    %swap3A_1513 = vector.load %arg5[%swap3A_1509, %swap3A_1510, %swap3A_1511, %swap3A_1512] : memref<1x64x512x64xf32, #tpu.memory_space<vmem>>, vector<1x1x512x64xf32>
    %swap3A_1514 = vector.shape_cast %swap3A_1513 : vector<1x1x512x64xf32> to vector<512x64xf32>
    %swap3A_1515 = vector.shape_cast %select_n3A_1508 : vector<512x64xf32> to vector<1x1x512x64xf32>
    tpu.vector_store %arg5[%swap3A_1509, %swap3A_1510, %swap3A_1511, %swap3A_1512], %swap3A_1515 {strides = array<i32>} : memref<1x64x512x64xf32, #tpu.memory_space<vmem>>, vector<1x1x512x64xf32>,
    %get3A_1516 = arith.constant 1026 : index
    %get3A_1517 = arith.constant 0 : index
    %get3A_1518 = vector.load %arg6[%get3A_1516, %get3A_1517] : memref<8320x64xf32, #tpu.memory_space<vmem>>, vector<1x64xf32>
    %swap3A_1519 = arith.constant 0 : index
    %swap3A_1520 = arith.constant 31 : index
    %swap3A_1521 = arith.constant 0 : index
    %swap3A_1522 = arith.constant 0 : index
    %swap3A_1523 = vector.load %arg5[%swap3A_1519, %swap3A_1520, %swap3A_1521, %swap3A_1522] : memref<1x64x512x64xf32, #tpu.memory_space<vmem>>, vector<1x1x1x64xf32>
    %swap3A_1524 = vector.shape_cast %swap3A_1523 : vector<1x1x1x64xf32> to vector<1x64xf32>
    %swap3A_1525 = vector.shape_cast %get3A_1518 : vector<1x64xf32> to vector<1x1x1x64xf32>
    tpu.vector_store %arg5[%swap3A_1519, %swap3A_1520, %swap3A_1521, %swap3A_1522], %swap3A_1525 {strides = array<i32>} : memref<1x64x512x64xf32, #tpu.memory_space<vmem>>, vector<1x1x1x64xf32>,
    %mul3A_1526 = arith.constant 64 : i32
    %mul3A_1527 = arith.muli %arg1, %mul3A_1526 : i32
    %add3A_1528 = arith.constant 32 : i32
    %add3A_1529 = arith.addi %mul3A_1527, %add3A_1528 : i32
    %get3A_1530 = arith.index_cast %arg0 : i32 to index
    %get3A_1531 = arith.index_cast %add3A_1529 : i32 to index
    %get3A_1532 = memref.load %arg3[%get3A_1530, %get3A_1531] : memref<4x512xi32, #tpu.memory_space<smem>>
    %get3A_1533 = arith.constant 0 : index
    %get3A_1534 = arith.constant 0 : index
    %get3A_1535 = arith.constant 0 : index
    %get3A_1536 = vector.load %arg4[%get3A_1533, %get3A_1534, %get3A_1535] : memref<1x512x1xi32, #tpu.memory_space<vmem>>, vector<1x512x1xi32>
    %get3A_1537 = vector.shape_cast %get3A_1536 : vector<1x512x1xi32> to vector<512x1xi32>
    %eq3A_1538 = vector.broadcast %get3A_1532 : i32 to vector<512x1xi32>
    %eq3A_1539 = arith.cmpi eq, %get3A_1537, %eq3A_1538 : vector<512x1xi32>
    %sub3A_1540 = arith.constant 511 : i32
    %sub3A_1541 = arith.subi %sub3A_1540, %add3A_1529 : i32
    %rem3A_1542 = arith.constant 8 : i32
    %rem3A_1543 = arith.remsi %sub3A_1541, %rem3A_1542 : i32
    %mul3A_1544 = arith.constant 1040 : i32
    %mul3A_1545 = arith.muli %rem3A_1543, %mul3A_1544 : i32
    %sub3A_1546 = arith.subi %sub3A_1541, %rem3A_1543 : i32
    %add3A_1547 = arith.addi %mul3A_1545, %sub3A_1546 : i32
    %multiple_of3A_1548 = tpu.assume_multiple %add3A_1547, 8 : i32
    %get3A_1549 = arith.index_cast %multiple_of3A_1548 : i32 to index
    %get3A_1550 = arith.constant 0 : index
    %get3A_1551 = vector.load %arg6[%get3A_1549, %get3A_1550] : memref<8320x64xf32, #tpu.memory_space<vmem>>, vector<512x64xf32>
    %broadcast_in_dim3A_1552 = vector.shape_cast %eq3A_1539 : vector<512x1xi1> to vector<512x1xi1>
    %broadcast_in_dim3A_1553 = vector.broadcast %broadcast_in_dim3A_1552 : vector<512x1xi1> to vector<512x64xi1>
    %broadcast_in_dim3A_1554 = vector.shape_cast %get3A_5 : vector<1x64xf32> to vector<1x64xf32>
    %broadcast_in_dim3A_1555 = vector.broadcast %broadcast_in_dim3A_1554 : vector<1x64xf32> to vector<512x64xf32>
    %select_n3A_1556 = arith.select %broadcast_in_dim3A_1553, %get3A_1551, %broadcast_in_dim3A_1555 : vector<512x64xi1>, vector<512x64xf32>
    %swap3A_1557 = arith.constant 0 : index
    %swap3A_1558 = arith.constant 32 : index
    %swap3A_1559 = arith.constant 0 : index
    %swap3A_1560 = arith.constant 0 : index
    %swap3A_1561 = vector.load %arg5[%swap3A_1557, %swap3A_1558, %swap3A_1559, %swap3A_1560] : memref<1x64x512x64xf32, #tpu.memory_space<vmem>>, vector<1x1x512x64xf32>
    %swap3A_1562 = vector.shape_cast %swap3A_1561 : vector<1x1x512x64xf32> to vector<512x64xf32>
    %swap3A_1563 = vector.shape_cast %select_n3A_1556 : vector<512x64xf32> to vector<1x1x512x64xf32>
    tpu.vector_store %arg5[%swap3A_1557, %swap3A_1558, %swap3A_1559, %swap3A_1560], %swap3A_1563 {strides = array<i32>} : memref<1x64x512x64xf32, #tpu.memory_space<vmem>>, vector<1x1x512x64xf32>,
    %get3A_1564 = arith.constant 1026 : index
    %get3A_1565 = arith.constant 0 : index
    %get3A_1566 = vector.load %arg6[%get3A_1564, %get3A_1565] : memref<8320x64xf32, #tpu.memory_space<vmem>>, vector<1x64xf32>
    %swap3A_1567 = arith.constant 0 : index
    %swap3A_1568 = arith.constant 32 : index
    %swap3A_1569 = arith.constant 0 : index
    %swap3A_1570 = arith.constant 0 : index
    %swap3A_1571 = vector.load %arg5[%swap3A_1567, %swap3A_1568, %swap3A_1569, %swap3A_1570] : memref<1x64x512x64xf32, #tpu.memory_space<vmem>>, vector<1x1x1x64xf32>
    %swap3A_1572 = vector.shape_cast %swap3A_1571 : vector<1x1x1x64xf32> to vector<1x64xf32>
    %swap3A_1573 = vector.shape_cast %get3A_1566 : vector<1x64xf32> to vector<1x1x1x64xf32>
    tpu.vector_store %arg5[%swap3A_1567, %swap3A_1568, %swap3A_1569, %swap3A_1570], %swap3A_1573 {strides = array<i32>} : memref<1x64x512x64xf32, #tpu.memory_space<vmem>>, vector<1x1x1x64xf32>,
    %mul3A_1574 = arith.constant 64 : i32
    %mul3A_1575 = arith.muli %arg1, %mul3A_1574 : i32
    %add3A_1576 = arith.constant 33 : i32
    %add3A_1577 = arith.addi %mul3A_1575, %add3A_1576 : i32
    %get3A_1578 = arith.index_cast %arg0 : i32 to index
    %get3A_1579 = arith.index_cast %add3A_1577 : i32 to index
    %get3A_1580 = memref.load %arg3[%get3A_1578, %get3A_1579] : memref<4x512xi32, #tpu.memory_space<smem>>
    %get3A_1581 = arith.constant 0 : index
    %get3A_1582 = arith.constant 0 : index
    %get3A_1583 = arith.constant 0 : index
    %get3A_1584 = vector.load %arg4[%get3A_1581, %get3A_1582, %get3A_1583] : memref<1x512x1xi32, #tpu.memory_space<vmem>>, vector<1x512x1xi32>
    %get3A_1585 = vector.shape_cast %get3A_1584 : vector<1x512x1xi32> to vector<512x1xi32>
    %eq3A_1586 = vector.broadcast %get3A_1580 : i32 to vector<512x1xi32>
    %eq3A_1587 = arith.cmpi eq, %get3A_1585, %eq3A_1586 : vector<512x1xi32>
    %sub3A_1588 = arith.constant 511 : i32
    %sub3A_1589 = arith.subi %sub3A_1588, %add3A_1577 : i32
    %rem3A_1590 = arith.constant 8 : i32
    %rem3A_1591 = arith.remsi %sub3A_1589, %rem3A_1590 : i32
    %mul3A_1592 = arith.constant 1040 : i32
    %mul3A_1593 = arith.muli %rem3A_1591, %mul3A_1592 : i32
    %sub3A_1594 = arith.subi %sub3A_1589, %rem3A_1591 : i32
    %add3A_1595 = arith.addi %mul3A_1593, %sub3A_1594 : i32
    %multiple_of3A_1596 = tpu.assume_multiple %add3A_1595, 8 : i32
    %get3A_1597 = arith.index_cast %multiple_of3A_1596 : i32 to index
    %get3A_1598 = arith.constant 0 : index
    %get3A_1599 = vector.load %arg6[%get3A_1597, %get3A_1598] : memref<8320x64xf32, #tpu.memory_space<vmem>>, vector<512x64xf32>
    %broadcast_in_dim3A_1600 = vector.shape_cast %eq3A_1587 : vector<512x1xi1> to vector<512x1xi1>
    %broadcast_in_dim3A_1601 = vector.broadcast %broadcast_in_dim3A_1600 : vector<512x1xi1> to vector<512x64xi1>
    %broadcast_in_dim3A_1602 = vector.shape_cast %get3A_5 : vector<1x64xf32> to vector<1x64xf32>
    %broadcast_in_dim3A_1603 = vector.broadcast %broadcast_in_dim3A_1602 : vector<1x64xf32> to vector<512x64xf32>
    %select_n3A_1604 = arith.select %broadcast_in_dim3A_1601, %get3A_1599, %broadcast_in_dim3A_1603 : vector<512x64xi1>, vector<512x64xf32>
    %swap3A_1605 = arith.constant 0 : index
    %swap3A_1606 = arith.constant 33 : index
    %swap3A_1607 = arith.constant 0 : index
    %swap3A_1608 = arith.constant 0 : index
    %swap3A_1609 = vector.load %arg5[%swap3A_1605, %swap3A_1606, %swap3A_1607, %swap3A_1608] : memref<1x64x512x64xf32, #tpu.memory_space<vmem>>, vector<1x1x512x64xf32>
    %swap3A_1610 = vector.shape_cast %swap3A_1609 : vector<1x1x512x64xf32> to vector<512x64xf32>
    %swap3A_1611 = vector.shape_cast %select_n3A_1604 : vector<512x64xf32> to vector<1x1x512x64xf32>
    tpu.vector_store %arg5[%swap3A_1605, %swap3A_1606, %swap3A_1607, %swap3A_1608], %swap3A_1611 {strides = array<i32>} : memref<1x64x512x64xf32, #tpu.memory_space<vmem>>, vector<1x1x512x64xf32>,
    %get3A_1612 = arith.constant 1026 : index
    %get3A_1613 = arith.constant 0 : index
    %get3A_1614 = vector.load %arg6[%get3A_1612, %get3A_1613] : memref<8320x64xf32, #tpu.memory_space<vmem>>, vector<1x64xf32>
    %swap3A_1615 = arith.constant 0 : index
    %swap3A_1616 = arith.constant 33 : index
    %swap3A_1617 = arith.constant 0 : index
    %swap3A_1618 = arith.constant 0 : index
    %swap3A_1619 = vector.load %arg5[%swap3A_1615, %swap3A_1616, %swap3A_1617, %swap3A_1618] : memref<1x64x512x64xf32, #tpu.memory_space<vmem>>, vector<1x1x1x64xf32>
    %swap3A_1620 = vector.shape_cast %swap3A_1619 : vector<1x1x1x64xf32> to vector<1x64xf32>
    %swap3A_1621 = vector.shape_cast %get3A_1614 : vector<1x64xf32> to vector<1x1x1x64xf32>
    tpu.vector_store %arg5[%swap3A_1615, %swap3A_1616, %swap3A_1617, %swap3A_1618], %swap3A_1621 {strides = array<i32>} : memref<1x64x512x64xf32, #tpu.memory_space<vmem>>, vector<1x1x1x64xf32>,
    %mul3A_1622 = arith.constant 64 : i32
    %mul3A_1623 = arith.muli %arg1, %mul3A_1622 : i32
    %add3A_1624 = arith.constant 34 : i32
    %add3A_1625 = arith.addi %mul3A_1623, %add3A_1624 : i32
    %get3A_1626 = arith.index_cast %arg0 : i32 to index
    %get3A_1627 = arith.index_cast %add3A_1625 : i32 to index
    %get3A_1628 = memref.load %arg3[%get3A_1626, %get3A_1627] : memref<4x512xi32, #tpu.memory_space<smem>>
    %get3A_1629 = arith.constant 0 : index
    %get3A_1630 = arith.constant 0 : index
    %get3A_1631 = arith.constant 0 : index
    %get3A_1632 = vector.load %arg4[%get3A_1629, %get3A_1630, %get3A_1631] : memref<1x512x1xi32, #tpu.memory_space<vmem>>, vector<1x512x1xi32>
    %get3A_1633 = vector.shape_cast %get3A_1632 : vector<1x512x1xi32> to vector<512x1xi32>
    %eq3A_1634 = vector.broadcast %get3A_1628 : i32 to vector<512x1xi32>
    %eq3A_1635 = arith.cmpi eq, %get3A_1633, %eq3A_1634 : vector<512x1xi32>
    %sub3A_1636 = arith.constant 511 : i32
    %sub3A_1637 = arith.subi %sub3A_1636, %add3A_1625 : i32
    %rem3A_1638 = arith.constant 8 : i32
    %rem3A_1639 = arith.remsi %sub3A_1637, %rem3A_1638 : i32
    %mul3A_1640 = arith.constant 1040 : i32
    %mul3A_1641 = arith.muli %rem3A_1639, %mul3A_1640 : i32
    %sub3A_1642 = arith.subi %sub3A_1637, %rem3A_1639 : i32
    %add3A_1643 = arith.addi %mul3A_1641, %sub3A_1642 : i32
    %multiple_of3A_1644 = tpu.assume_multiple %add3A_1643, 8 : i32
    %get3A_1645 = arith.index_cast %multiple_of3A_1644 : i32 to index
    %get3A_1646 = arith.constant 0 : index
    %get3A_1647 = vector.load %arg6[%get3A_1645, %get3A_1646] : memref<8320x64xf32, #tpu.memory_space<vmem>>, vector<512x64xf32>
    %broadcast_in_dim3A_1648 = vector.shape_cast %eq3A_1635 : vector<512x1xi1> to vector<512x1xi1>
    %broadcast_in_dim3A_1649 = vector.broadcast %broadcast_in_dim3A_1648 : vector<512x1xi1> to vector<512x64xi1>
    %broadcast_in_dim3A_1650 = vector.shape_cast %get3A_5 : vector<1x64xf32> to vector<1x64xf32>
    %broadcast_in_dim3A_1651 = vector.broadcast %broadcast_in_dim3A_1650 : vector<1x64xf32> to vector<512x64xf32>
    %select_n3A_1652 = arith.select %broadcast_in_dim3A_1649, %get3A_1647, %broadcast_in_dim3A_1651 : vector<512x64xi1>, vector<512x64xf32>
    %swap3A_1653 = arith.constant 0 : index
    %swap3A_1654 = arith.constant 34 : index
    %swap3A_1655 = arith.constant 0 : index
    %swap3A_1656 = arith.constant 0 : index
    %swap3A_1657 = vector.load %arg5[%swap3A_1653, %swap3A_1654, %swap3A_1655, %swap3A_1656] : memref<1x64x512x64xf32, #tpu.memory_space<vmem>>, vector<1x1x512x64xf32>
    %swap3A_1658 = vector.shape_cast %swap3A_1657 : vector<1x1x512x64xf32> to vector<512x64xf32>
    %swap3A_1659 = vector.shape_cast %select_n3A_1652 : vector<512x64xf32> to vector<1x1x512x64xf32>
    tpu.vector_store %arg5[%swap3A_1653, %swap3A_1654, %swap3A_1655, %swap3A_1656], %swap3A_1659 {strides = array<i32>} : memref<1x64x512x64xf32, #tpu.memory_space<vmem>>, vector<1x1x512x64xf32>,
    %get3A_1660 = arith.constant 1026 : index
    %get3A_1661 = arith.constant 0 : index
    %get3A_1662 = vector.load %arg6[%get3A_1660, %get3A_1661] : memref<8320x64xf32, #tpu.memory_space<vmem>>, vector<1x64xf32>
    %swap3A_1663 = arith.constant 0 : index
    %swap3A_1664 = arith.constant 34 : index
    %swap3A_1665 = arith.constant 0 : index
    %swap3A_1666 = arith.constant 0 : index
    %swap3A_1667 = vector.load %arg5[%swap3A_1663, %swap3A_1664, %swap3A_1665, %swap3A_1666] : memref<1x64x512x64xf32, #tpu.memory_space<vmem>>, vector<1x1x1x64xf32>
    %swap3A_1668 = vector.shape_cast %swap3A_1667 : vector<1x1x1x64xf32> to vector<1x64xf32>
    %swap3A_1669 = vector.shape_cast %get3A_1662 : vector<1x64xf32> to vector<1x1x1x64xf32>
    tpu.vector_store %arg5[%swap3A_1663, %swap3A_1664, %swap3A_1665, %swap3A_1666], %swap3A_1669 {strides = array<i32>} : memref<1x64x512x64xf32, #tpu.memory_space<vmem>>, vector<1x1x1x64xf32>,
    %mul3A_1670 = arith.constant 64 : i32
    %mul3A_1671 = arith.muli %arg1, %mul3A_1670 : i32
    %add3A_1672 = arith.constant 35 : i32
    %add3A_1673 = arith.addi %mul3A_1671, %add3A_1672 : i32
    %get3A_1674 = arith.index_cast %arg0 : i32 to index
    %get3A_1675 = arith.index_cast %add3A_1673 : i32 to index
    %get3A_1676 = memref.load %arg3[%get3A_1674, %get3A_1675] : memref<4x512xi32, #tpu.memory_space<smem>>
    %get3A_1677 = arith.constant 0 : index
    %get3A_1678 = arith.constant 0 : index
    %get3A_1679 = arith.constant 0 : index
    %get3A_1680 = vector.load %arg4[%get3A_1677, %get3A_1678, %get3A_1679] : memref<1x512x1xi32, #tpu.memory_space<vmem>>, vector<1x512x1xi32>
    %get3A_1681 = vector.shape_cast %get3A_1680 : vector<1x512x1xi32> to vector<512x1xi32>
    %eq3A_1682 = vector.broadcast %get3A_1676 : i32 to vector<512x1xi32>
    %eq3A_1683 = arith.cmpi eq, %get3A_1681, %eq3A_1682 : vector<512x1xi32>
    %sub3A_1684 = arith.constant 511 : i32
    %sub3A_1685 = arith.subi %sub3A_1684, %add3A_1673 : i32
    %rem3A_1686 = arith.constant 8 : i32
    %rem3A_1687 = arith.remsi %sub3A_1685, %rem3A_1686 : i32
    %mul3A_1688 = arith.constant 1040 : i32
    %mul3A_1689 = arith.muli %rem3A_1687, %mul3A_1688 : i32
    %sub3A_1690 = arith.subi %sub3A_1685, %rem3A_1687 : i32
    %add3A_1691 = arith.addi %mul3A_1689, %sub3A_1690 : i32
    %multiple_of3A_1692 = tpu.assume_multiple %add3A_1691, 8 : i32
    %get3A_1693 = arith.index_cast %multiple_of3A_1692 : i32 to index
    %get3A_1694 = arith.constant 0 : index
    %get3A_1695 = vector.load %arg6[%get3A_1693, %get3A_1694] : memref<8320x64xf32, #tpu.memory_space<vmem>>, vector<512x64xf32>
    %broadcast_in_dim3A_1696 = vector.shape_cast %eq3A_1683 : vector<512x1xi1> to vector<512x1xi1>
    %broadcast_in_dim3A_1697 = vector.broadcast %broadcast_in_dim3A_1696 : vector<512x1xi1> to vector<512x64xi1>
    %broadcast_in_dim3A_1698 = vector.shape_cast %get3A_5 : vector<1x64xf32> to vector<1x64xf32>
    %broadcast_in_dim3A_1699 = vector.broadcast %broadcast_in_dim3A_1698 : vector<1x64xf32> to vector<512x64xf32>
    %select_n3A_1700 = arith.select %broadcast_in_dim3A_1697, %get3A_1695, %broadcast_in_dim3A_1699 : vector<512x64xi1>, vector<512x64xf32>
    %swap3A_1701 = arith.constant 0 : index
    %swap3A_1702 = arith.constant 35 : index
    %swap3A_1703 = arith.constant 0 : index
    %swap3A_1704 = arith.constant 0 : index
    %swap3A_1705 = vector.load %arg5[%swap3A_1701, %swap3A_1702, %swap3A_1703, %swap3A_1704] : memref<1x64x512x64xf32, #tpu.memory_space<vmem>>, vector<1x1x512x64xf32>
    %swap3A_1706 = vector.shape_cast %swap3A_1705 : vector<1x1x512x64xf32> to vector<512x64xf32>
    %swap3A_1707 = vector.shape_cast %select_n3A_1700 : vector<512x64xf32> to vector<1x1x512x64xf32>
    tpu.vector_store %arg5[%swap3A_1701, %swap3A_1702, %swap3A_1703, %swap3A_1704], %swap3A_1707 {strides = array<i32>} : memref<1x64x512x64xf32, #tpu.memory_space<vmem>>, vector<1x1x512x64xf32>,
    %get3A_1708 = arith.constant 1026 : index
    %get3A_1709 = arith.constant 0 : index
    %get3A_1710 = vector.load %arg6[%get3A_1708, %get3A_1709] : memref<8320x64xf32, #tpu.memory_space<vmem>>, vector<1x64xf32>
    %swap3A_1711 = arith.constant 0 : index
    %swap3A_1712 = arith.constant 35 : index
    %swap3A_1713 = arith.constant 0 : index
    %swap3A_1714 = arith.constant 0 : index
    %swap3A_1715 = vector.load %arg5[%swap3A_1711, %swap3A_1712, %swap3A_1713, %swap3A_1714] : memref<1x64x512x64xf32, #tpu.memory_space<vmem>>, vector<1x1x1x64xf32>
    %swap3A_1716 = vector.shape_cast %swap3A_1715 : vector<1x1x1x64xf32> to vector<1x64xf32>
    %swap3A_1717 = vector.shape_cast %get3A_1710 : vector<1x64xf32> to vector<1x1x1x64xf32>
    tpu.vector_store %arg5[%swap3A_1711, %swap3A_1712, %swap3A_1713, %swap3A_1714], %swap3A_1717 {strides = array<i32>} : memref<1x64x512x64xf32, #tpu.memory_space<vmem>>, vector<1x1x1x64xf32>,
    %mul3A_1718 = arith.constant 64 : i32
    %mul3A_1719 = arith.muli %arg1, %mul3A_1718 : i32
    %add3A_1720 = arith.constant 36 : i32
    %add3A_1721 = arith.addi %mul3A_1719, %add3A_1720 : i32
    %get3A_1722 = arith.index_cast %arg0 : i32 to index
    %get3A_1723 = arith.index_cast %add3A_1721 : i32 to index
    %get3A_1724 = memref.load %arg3[%get3A_1722, %get3A_1723] : memref<4x512xi32, #tpu.memory_space<smem>>
    %get3A_1725 = arith.constant 0 : index
    %get3A_1726 = arith.constant 0 : index
    %get3A_1727 = arith.constant 0 : index
    %get3A_1728 = vector.load %arg4[%get3A_1725, %get3A_1726, %get3A_1727] : memref<1x512x1xi32, #tpu.memory_space<vmem>>, vector<1x512x1xi32>
    %get3A_1729 = vector.shape_cast %get3A_1728 : vector<1x512x1xi32> to vector<512x1xi32>
    %eq3A_1730 = vector.broadcast %get3A_1724 : i32 to vector<512x1xi32>
    %eq3A_1731 = arith.cmpi eq, %get3A_1729, %eq3A_1730 : vector<512x1xi32>
    %sub3A_1732 = arith.constant 511 : i32
    %sub3A_1733 = arith.subi %sub3A_1732, %add3A_1721 : i32
    %rem3A_1734 = arith.constant 8 : i32
    %rem3A_1735 = arith.remsi %sub3A_1733, %rem3A_1734 : i32
    %mul3A_1736 = arith.constant 1040 : i32
    %mul3A_1737 = arith.muli %rem3A_1735, %mul3A_1736 : i32
    %sub3A_1738 = arith.subi %sub3A_1733, %rem3A_1735 : i32
    %add3A_1739 = arith.addi %mul3A_1737, %sub3A_1738 : i32
    %multiple_of3A_1740 = tpu.assume_multiple %add3A_1739, 8 : i32
    %get3A_1741 = arith.index_cast %multiple_of3A_1740 : i32 to index
    %get3A_1742 = arith.constant 0 : index
    %get3A_1743 = vector.load %arg6[%get3A_1741, %get3A_1742] : memref<8320x64xf32, #tpu.memory_space<vmem>>, vector<512x64xf32>
    %broadcast_in_dim3A_1744 = vector.shape_cast %eq3A_1731 : vector<512x1xi1> to vector<512x1xi1>
    %broadcast_in_dim3A_1745 = vector.broadcast %broadcast_in_dim3A_1744 : vector<512x1xi1> to vector<512x64xi1>
    %broadcast_in_dim3A_1746 = vector.shape_cast %get3A_5 : vector<1x64xf32> to vector<1x64xf32>
    %broadcast_in_dim3A_1747 = vector.broadcast %broadcast_in_dim3A_1746 : vector<1x64xf32> to vector<512x64xf32>
    %select_n3A_1748 = arith.select %broadcast_in_dim3A_1745, %get3A_1743, %broadcast_in_dim3A_1747 : vector<512x64xi1>, vector<512x64xf32>
    %swap3A_1749 = arith.constant 0 : index
    %swap3A_1750 = arith.constant 36 : index
    %swap3A_1751 = arith.constant 0 : index
    %swap3A_1752 = arith.constant 0 : index
    %swap3A_1753 = vector.load %arg5[%swap3A_1749, %swap3A_1750, %swap3A_1751, %swap3A_1752] : memref<1x64x512x64xf32, #tpu.memory_space<vmem>>, vector<1x1x512x64xf32>
    %swap3A_1754 = vector.shape_cast %swap3A_1753 : vector<1x1x512x64xf32> to vector<512x64xf32>
    %swap3A_1755 = vector.shape_cast %select_n3A_1748 : vector<512x64xf32> to vector<1x1x512x64xf32>
    tpu.vector_store %arg5[%swap3A_1749, %swap3A_1750, %swap3A_1751, %swap3A_1752], %swap3A_1755 {strides = array<i32>} : memref<1x64x512x64xf32, #tpu.memory_space<vmem>>, vector<1x1x512x64xf32>,
    %get3A_1756 = arith.constant 1026 : index
    %get3A_1757 = arith.constant 0 : index
    %get3A_1758 = vector.load %arg6[%get3A_1756, %get3A_1757] : memref<8320x64xf32, #tpu.memory_space<vmem>>, vector<1x64xf32>
    %swap3A_1759 = arith.constant 0 : index
    %swap3A_1760 = arith.constant 36 : index
    %swap3A_1761 = arith.constant 0 : index
    %swap3A_1762 = arith.constant 0 : index
    %swap3A_1763 = vector.load %arg5[%swap3A_1759, %swap3A_1760, %swap3A_1761, %swap3A_1762] : memref<1x64x512x64xf32, #tpu.memory_space<vmem>>, vector<1x1x1x64xf32>
    %swap3A_1764 = vector.shape_cast %swap3A_1763 : vector<1x1x1x64xf32> to vector<1x64xf32>
    %swap3A_1765 = vector.shape_cast %get3A_1758 : vector<1x64xf32> to vector<1x1x1x64xf32>
    tpu.vector_store %arg5[%swap3A_1759, %swap3A_1760, %swap3A_1761, %swap3A_1762], %swap3A_1765 {strides = array<i32>} : memref<1x64x512x64xf32, #tpu.memory_space<vmem>>, vector<1x1x1x64xf32>,
    %mul3A_1766 = arith.constant 64 : i32
    %mul3A_1767 = arith.muli %arg1, %mul3A_1766 : i32
    %add3A_1768 = arith.constant 37 : i32
    %add3A_1769 = arith.addi %mul3A_1767, %add3A_1768 : i32
    %get3A_1770 = arith.index_cast %arg0 : i32 to index
    %get3A_1771 = arith.index_cast %add3A_1769 : i32 to index
    %get3A_1772 = memref.load %arg3[%get3A_1770, %get3A_1771] : memref<4x512xi32, #tpu.memory_space<smem>>
    %get3A_1773 = arith.constant 0 : index
    %get3A_1774 = arith.constant 0 : index
    %get3A_1775 = arith.constant 0 : index
    %get3A_1776 = vector.load %arg4[%get3A_1773, %get3A_1774, %get3A_1775] : memref<1x512x1xi32, #tpu.memory_space<vmem>>, vector<1x512x1xi32>
    %get3A_1777 = vector.shape_cast %get3A_1776 : vector<1x512x1xi32> to vector<512x1xi32>
    %eq3A_1778 = vector.broadcast %get3A_1772 : i32 to vector<512x1xi32>
    %eq3A_1779 = arith.cmpi eq, %get3A_1777, %eq3A_1778 : vector<512x1xi32>
    %sub3A_1780 = arith.constant 511 : i32
    %sub3A_1781 = arith.subi %sub3A_1780, %add3A_1769 : i32
    %rem3A_1782 = arith.constant 8 : i32
    %rem3A_1783 = arith.remsi %sub3A_1781, %rem3A_1782 : i32
    %mul3A_1784 = arith.constant 1040 : i32
    %mul3A_1785 = arith.muli %rem3A_1783, %mul3A_1784 : i32
    %sub3A_1786 = arith.subi %sub3A_1781, %rem3A_1783 : i32
    %add3A_1787 = arith.addi %mul3A_1785, %sub3A_1786 : i32
    %multiple_of3A_1788 = tpu.assume_multiple %add3A_1787, 8 : i32
    %get3A_1789 = arith.index_cast %multiple_of3A_1788 : i32 to index
    %get3A_1790 = arith.constant 0 : index
    %get3A_1791 = vector.load %arg6[%get3A_1789, %get3A_1790] : memref<8320x64xf32, #tpu.memory_space<vmem>>, vector<512x64xf32>
    %broadcast_in_dim3A_1792 = vector.shape_cast %eq3A_1779 : vector<512x1xi1> to vector<512x1xi1>
    %broadcast_in_dim3A_1793 = vector.broadcast %broadcast_in_dim3A_1792 : vector<512x1xi1> to vector<512x64xi1>
    %broadcast_in_dim3A_1794 = vector.shape_cast %get3A_5 : vector<1x64xf32> to vector<1x64xf32>
    %broadcast_in_dim3A_1795 = vector.broadcast %broadcast_in_dim3A_1794 : vector<1x64xf32> to vector<512x64xf32>
    %select_n3A_1796 = arith.select %broadcast_in_dim3A_1793, %get3A_1791, %broadcast_in_dim3A_1795 : vector<512x64xi1>, vector<512x64xf32>
    %swap3A_1797 = arith.constant 0 : index
    %swap3A_1798 = arith.constant 37 : index
    %swap3A_1799 = arith.constant 0 : index
    %swap3A_1800 = arith.constant 0 : index
    %swap3A_1801 = vector.load %arg5[%swap3A_1797, %swap3A_1798, %swap3A_1799, %swap3A_1800] : memref<1x64x512x64xf32, #tpu.memory_space<vmem>>, vector<1x1x512x64xf32>
    %swap3A_1802 = vector.shape_cast %swap3A_1801 : vector<1x1x512x64xf32> to vector<512x64xf32>
    %swap3A_1803 = vector.shape_cast %select_n3A_1796 : vector<512x64xf32> to vector<1x1x512x64xf32>
    tpu.vector_store %arg5[%swap3A_1797, %swap3A_1798, %swap3A_1799, %swap3A_1800], %swap3A_1803 {strides = array<i32>} : memref<1x64x512x64xf32, #tpu.memory_space<vmem>>, vector<1x1x512x64xf32>,
    %get3A_1804 = arith.constant 1026 : index
    %get3A_1805 = arith.constant 0 : index
    %get3A_1806 = vector.load %arg6[%get3A_1804, %get3A_1805] : memref<8320x64xf32, #tpu.memory_space<vmem>>, vector<1x64xf32>
    %swap3A_1807 = arith.constant 0 : index
    %swap3A_1808 = arith.constant 37 : index
    %swap3A_1809 = arith.constant 0 : index
    %swap3A_1810 = arith.constant 0 : index
    %swap3A_1811 = vector.load %arg5[%swap3A_1807, %swap3A_1808, %swap3A_1809, %swap3A_1810] : memref<1x64x512x64xf32, #tpu.memory_space<vmem>>, vector<1x1x1x64xf32>
    %swap3A_1812 = vector.shape_cast %swap3A_1811 : vector<1x1x1x64xf32> to vector<1x64xf32>
    %swap3A_1813 = vector.shape_cast %get3A_1806 : vector<1x64xf32> to vector<1x1x1x64xf32>
    tpu.vector_store %arg5[%swap3A_1807, %swap3A_1808, %swap3A_1809, %swap3A_1810], %swap3A_1813 {strides = array<i32>} : memref<1x64x512x64xf32, #tpu.memory_space<vmem>>, vector<1x1x1x64xf32>,
    %mul3A_1814 = arith.constant 64 : i32
    %mul3A_1815 = arith.muli %arg1, %mul3A_1814 : i32
    %add3A_1816 = arith.constant 38 : i32
    %add3A_1817 = arith.addi %mul3A_1815, %add3A_1816 : i32
    %get3A_1818 = arith.index_cast %arg0 : i32 to index
    %get3A_1819 = arith.index_cast %add3A_1817 : i32 to index
    %get3A_1820 = memref.load %arg3[%get3A_1818, %get3A_1819] : memref<4x512xi32, #tpu.memory_space<smem>>
    %get3A_1821 = arith.constant 0 : index
    %get3A_1822 = arith.constant 0 : index
    %get3A_1823 = arith.constant 0 : index
    %get3A_1824 = vector.load %arg4[%get3A_1821, %get3A_1822, %get3A_1823] : memref<1x512x1xi32, #tpu.memory_space<vmem>>, vector<1x512x1xi32>
    %get3A_1825 = vector.shape_cast %get3A_1824 : vector<1x512x1xi32> to vector<512x1xi32>
    %eq3A_1826 = vector.broadcast %get3A_1820 : i32 to vector<512x1xi32>
    %eq3A_1827 = arith.cmpi eq, %get3A_1825, %eq3A_1826 : vector<512x1xi32>
    %sub3A_1828 = arith.constant 511 : i32
    %sub3A_1829 = arith.subi %sub3A_1828, %add3A_1817 : i32
    %rem3A_1830 = arith.constant 8 : i32
    %rem3A_1831 = arith.remsi %sub3A_1829, %rem3A_1830 : i32
    %mul3A_1832 = arith.constant 1040 : i32
    %mul3A_1833 = arith.muli %rem3A_1831, %mul3A_1832 : i32
    %sub3A_1834 = arith.subi %sub3A_1829, %rem3A_1831 : i32
    %add3A_1835 = arith.addi %mul3A_1833, %sub3A_1834 : i32
    %multiple_of3A_1836 = tpu.assume_multiple %add3A_1835, 8 : i32
    %get3A_1837 = arith.index_cast %multiple_of3A_1836 : i32 to index
    %get3A_1838 = arith.constant 0 : index
    %get3A_1839 = vector.load %arg6[%get3A_1837, %get3A_1838] : memref<8320x64xf32, #tpu.memory_space<vmem>>, vector<512x64xf32>
    %broadcast_in_dim3A_1840 = vector.shape_cast %eq3A_1827 : vector<512x1xi1> to vector<512x1xi1>
    %broadcast_in_dim3A_1841 = vector.broadcast %broadcast_in_dim3A_1840 : vector<512x1xi1> to vector<512x64xi1>
    %broadcast_in_dim3A_1842 = vector.shape_cast %get3A_5 : vector<1x64xf32> to vector<1x64xf32>
    %broadcast_in_dim3A_1843 = vector.broadcast %broadcast_in_dim3A_1842 : vector<1x64xf32> to vector<512x64xf32>
    %select_n3A_1844 = arith.select %broadcast_in_dim3A_1841, %get3A_1839, %broadcast_in_dim3A_1843 : vector<512x64xi1>, vector<512x64xf32>
    %swap3A_1845 = arith.constant 0 : index
    %swap3A_1846 = arith.constant 38 : index
    %swap3A_1847 = arith.constant 0 : index
    %swap3A_1848 = arith.constant 0 : index
    %swap3A_1849 = vector.load %arg5[%swap3A_1845, %swap3A_1846, %swap3A_1847, %swap3A_1848] : memref<1x64x512x64xf32, #tpu.memory_space<vmem>>, vector<1x1x512x64xf32>
    %swap3A_1850 = vector.shape_cast %swap3A_1849 : vector<1x1x512x64xf32> to vector<512x64xf32>
    %swap3A_1851 = vector.shape_cast %select_n3A_1844 : vector<512x64xf32> to vector<1x1x512x64xf32>
    tpu.vector_store %arg5[%swap3A_1845, %swap3A_1846, %swap3A_1847, %swap3A_1848], %swap3A_1851 {strides = array<i32>} : memref<1x64x512x64xf32, #tpu.memory_space<vmem>>, vector<1x1x512x64xf32>,
    %get3A_1852 = arith.constant 1026 : index
    %get3A_1853 = arith.constant 0 : index
    %get3A_1854 = vector.load %arg6[%get3A_1852, %get3A_1853] : memref<8320x64xf32, #tpu.memory_space<vmem>>, vector<1x64xf32>
    %swap3A_1855 = arith.constant 0 : index
    %swap3A_1856 = arith.constant 38 : index
    %swap3A_1857 = arith.constant 0 : index
    %swap3A_1858 = arith.constant 0 : index
    %swap3A_1859 = vector.load %arg5[%swap3A_1855, %swap3A_1856, %swap3A_1857, %swap3A_1858] : memref<1x64x512x64xf32, #tpu.memory_space<vmem>>, vector<1x1x1x64xf32>
    %swap3A_1860 = vector.shape_cast %swap3A_1859 : vector<1x1x1x64xf32> to vector<1x64xf32>
    %swap3A_1861 = vector.shape_cast %get3A_1854 : vector<1x64xf32> to vector<1x1x1x64xf32>
    tpu.vector_store %arg5[%swap3A_1855, %swap3A_1856, %swap3A_1857, %swap3A_1858], %swap3A_1861 {strides = array<i32>} : memref<1x64x512x64xf32, #tpu.memory_space<vmem>>, vector<1x1x1x64xf32>,
    %mul3A_1862 = arith.constant 64 : i32
    %mul3A_1863 = arith.muli %arg1, %mul3A_1862 : i32
    %add3A_1864 = arith.constant 39 : i32
    %add3A_1865 = arith.addi %mul3A_1863, %add3A_1864 : i32
    %get3A_1866 = arith.index_cast %arg0 : i32 to index
    %get3A_1867 = arith.index_cast %add3A_1865 : i32 to index
    %get3A_1868 = memref.load %arg3[%get3A_1866, %get3A_1867] : memref<4x512xi32, #tpu.memory_space<smem>>
    %get3A_1869 = arith.constant 0 : index
    %get3A_1870 = arith.constant 0 : index
    %get3A_1871 = arith.constant 0 : index
    %get3A_1872 = vector.load %arg4[%get3A_1869, %get3A_1870, %get3A_1871] : memref<1x512x1xi32, #tpu.memory_space<vmem>>, vector<1x512x1xi32>
    %get3A_1873 = vector.shape_cast %get3A_1872 : vector<1x512x1xi32> to vector<512x1xi32>
    %eq3A_1874 = vector.broadcast %get3A_1868 : i32 to vector<512x1xi32>
    %eq3A_1875 = arith.cmpi eq, %get3A_1873, %eq3A_1874 : vector<512x1xi32>
    %sub3A_1876 = arith.constant 511 : i32
    %sub3A_1877 = arith.subi %sub3A_1876, %add3A_1865 : i32
    %rem3A_1878 = arith.constant 8 : i32
    %rem3A_1879 = arith.remsi %sub3A_1877, %rem3A_1878 : i32
    %mul3A_1880 = arith.constant 1040 : i32
    %mul3A_1881 = arith.muli %rem3A_1879, %mul3A_1880 : i32
    %sub3A_1882 = arith.subi %sub3A_1877, %rem3A_1879 : i32
    %add3A_1883 = arith.addi %mul3A_1881, %sub3A_1882 : i32
    %multiple_of3A_1884 = tpu.assume_multiple %add3A_1883, 8 : i32
    %get3A_1885 = arith.index_cast %multiple_of3A_1884 : i32 to index
    %get3A_1886 = arith.constant 0 : index
    %get3A_1887 = vector.load %arg6[%get3A_1885, %get3A_1886] : memref<8320x64xf32, #tpu.memory_space<vmem>>, vector<512x64xf32>
    %broadcast_in_dim3A_1888 = vector.shape_cast %eq3A_1875 : vector<512x1xi1> to vector<512x1xi1>
    %broadcast_in_dim3A_1889 = vector.broadcast %broadcast_in_dim3A_1888 : vector<512x1xi1> to vector<512x64xi1>
    %broadcast_in_dim3A_1890 = vector.shape_cast %get3A_5 : vector<1x64xf32> to vector<1x64xf32>
    %broadcast_in_dim3A_1891 = vector.broadcast %broadcast_in_dim3A_1890 : vector<1x64xf32> to vector<512x64xf32>
    %select_n3A_1892 = arith.select %broadcast_in_dim3A_1889, %get3A_1887, %broadcast_in_dim3A_1891 : vector<512x64xi1>, vector<512x64xf32>
    %swap3A_1893 = arith.constant 0 : index
    %swap3A_1894 = arith.constant 39 : index
    %swap3A_1895 = arith.constant 0 : index
    %swap3A_1896 = arith.constant 0 : index
    %swap3A_1897 = vector.load %arg5[%swap3A_1893, %swap3A_1894, %swap3A_1895, %swap3A_1896] : memref<1x64x512x64xf32, #tpu.memory_space<vmem>>, vector<1x1x512x64xf32>
    %swap3A_1898 = vector.shape_cast %swap3A_1897 : vector<1x1x512x64xf32> to vector<512x64xf32>
    %swap3A_1899 = vector.shape_cast %select_n3A_1892 : vector<512x64xf32> to vector<1x1x512x64xf32>
    tpu.vector_store %arg5[%swap3A_1893, %swap3A_1894, %swap3A_1895, %swap3A_1896], %swap3A_1899 {strides = array<i32>} : memref<1x64x512x64xf32, #tpu.memory_space<vmem>>, vector<1x1x512x64xf32>,
    %get3A_1900 = arith.constant 1026 : index
    %get3A_1901 = arith.constant 0 : index
    %get3A_1902 = vector.load %arg6[%get3A_1900, %get3A_1901] : memref<8320x64xf32, #tpu.memory_space<vmem>>, vector<1x64xf32>
    %swap3A_1903 = arith.constant 0 : index
    %swap3A_1904 = arith.constant 39 : index
    %swap3A_1905 = arith.constant 0 : index
    %swap3A_1906 = arith.constant 0 : index
    %swap3A_1907 = vector.load %arg5[%swap3A_1903, %swap3A_1904, %swap3A_1905, %swap3A_1906] : memref<1x64x512x64xf32, #tpu.memory_space<vmem>>, vector<1x1x1x64xf32>
    %swap3A_1908 = vector.shape_cast %swap3A_1907 : vector<1x1x1x64xf32> to vector<1x64xf32>
    %swap3A_1909 = vector.shape_cast %get3A_1902 : vector<1x64xf32> to vector<1x1x1x64xf32>
    tpu.vector_store %arg5[%swap3A_1903, %swap3A_1904, %swap3A_1905, %swap3A_1906], %swap3A_1909 {strides = array<i32>} : memref<1x64x512x64xf32, #tpu.memory_space<vmem>>, vector<1x1x1x64xf32>,
    %mul3A_1910 = arith.constant 64 : i32
    %mul3A_1911 = arith.muli %arg1, %mul3A_1910 : i32
    %add3A_1912 = arith.constant 40 : i32
    %add3A_1913 = arith.addi %mul3A_1911, %add3A_1912 : i32
    %get3A_1914 = arith.index_cast %arg0 : i32 to index
    %get3A_1915 = arith.index_cast %add3A_1913 : i32 to index
    %get3A_1916 = memref.load %arg3[%get3A_1914, %get3A_1915] : memref<4x512xi32, #tpu.memory_space<smem>>
    %get3A_1917 = arith.constant 0 : index
    %get3A_1918 = arith.constant 0 : index
    %get3A_1919 = arith.constant 0 : index
    %get3A_1920 = vector.load %arg4[%get3A_1917, %get3A_1918, %get3A_1919] : memref<1x512x1xi32, #tpu.memory_space<vmem>>, vector<1x512x1xi32>
    %get3A_1921 = vector.shape_cast %get3A_1920 : vector<1x512x1xi32> to vector<512x1xi32>
    %eq3A_1922 = vector.broadcast %get3A_1916 : i32 to vector<512x1xi32>
    %eq3A_1923 = arith.cmpi eq, %get3A_1921, %eq3A_1922 : vector<512x1xi32>
    %sub3A_1924 = arith.constant 511 : i32
    %sub3A_1925 = arith.subi %sub3A_1924, %add3A_1913 : i32
    %rem3A_1926 = arith.constant 8 : i32
    %rem3A_1927 = arith.remsi %sub3A_1925, %rem3A_1926 : i32
    %mul3A_1928 = arith.constant 1040 : i32
    %mul3A_1929 = arith.muli %rem3A_1927, %mul3A_1928 : i32
    %sub3A_1930 = arith.subi %sub3A_1925, %rem3A_1927 : i32
    %add3A_1931 = arith.addi %mul3A_1929, %sub3A_1930 : i32
    %multiple_of3A_1932 = tpu.assume_multiple %add3A_1931, 8 : i32
    %get3A_1933 = arith.index_cast %multiple_of3A_1932 : i32 to index
    %get3A_1934 = arith.constant 0 : index
    %get3A_1935 = vector.load %arg6[%get3A_1933, %get3A_1934] : memref<8320x64xf32, #tpu.memory_space<vmem>>, vector<512x64xf32>
    %broadcast_in_dim3A_1936 = vector.shape_cast %eq3A_1923 : vector<512x1xi1> to vector<512x1xi1>
    %broadcast_in_dim3A_1937 = vector.broadcast %broadcast_in_dim3A_1936 : vector<512x1xi1> to vector<512x64xi1>
    %broadcast_in_dim3A_1938 = vector.shape_cast %get3A_5 : vector<1x64xf32> to vector<1x64xf32>
    %broadcast_in_dim3A_1939 = vector.broadcast %broadcast_in_dim3A_1938 : vector<1x64xf32> to vector<512x64xf32>
    %select_n3A_1940 = arith.select %broadcast_in_dim3A_1937, %get3A_1935, %broadcast_in_dim3A_1939 : vector<512x64xi1>, vector<512x64xf32>
    %swap3A_1941 = arith.constant 0 : index
    %swap3A_1942 = arith.constant 40 : index
    %swap3A_1943 = arith.constant 0 : index
    %swap3A_1944 = arith.constant 0 : index
    %swap3A_1945 = vector.load %arg5[%swap3A_1941, %swap3A_1942, %swap3A_1943, %swap3A_1944] : memref<1x64x512x64xf32, #tpu.memory_space<vmem>>, vector<1x1x512x64xf32>
    %swap3A_1946 = vector.shape_cast %swap3A_1945 : vector<1x1x512x64xf32> to vector<512x64xf32>
    %swap3A_1947 = vector.shape_cast %select_n3A_1940 : vector<512x64xf32> to vector<1x1x512x64xf32>
    tpu.vector_store %arg5[%swap3A_1941, %swap3A_1942, %swap3A_1943, %swap3A_1944], %swap3A_1947 {strides = array<i32>} : memref<1x64x512x64xf32, #tpu.memory_space<vmem>>, vector<1x1x512x64xf32>,
    %get3A_1948 = arith.constant 1026 : index
    %get3A_1949 = arith.constant 0 : index
    %get3A_1950 = vector.load %arg6[%get3A_1948, %get3A_1949] : memref<8320x64xf32, #tpu.memory_space<vmem>>, vector<1x64xf32>
    %swap3A_1951 = arith.constant 0 : index
    %swap3A_1952 = arith.constant 40 : index
    %swap3A_1953 = arith.constant 0 : index
    %swap3A_1954 = arith.constant 0 : index
    %swap3A_1955 = vector.load %arg5[%swap3A_1951, %swap3A_1952, %swap3A_1953, %swap3A_1954] : memref<1x64x512x64xf32, #tpu.memory_space<vmem>>, vector<1x1x1x64xf32>
    %swap3A_1956 = vector.shape_cast %swap3A_1955 : vector<1x1x1x64xf32> to vector<1x64xf32>
    %swap3A_1957 = vector.shape_cast %get3A_1950 : vector<1x64xf32> to vector<1x1x1x64xf32>
    tpu.vector_store %arg5[%swap3A_1951, %swap3A_1952, %swap3A_1953, %swap3A_1954], %swap3A_1957 {strides = array<i32>} : memref<1x64x512x64xf32, #tpu.memory_space<vmem>>, vector<1x1x1x64xf32>,
    %mul3A_1958 = arith.constant 64 : i32
    %mul3A_1959 = arith.muli %arg1, %mul3A_1958 : i32
    %add3A_1960 = arith.constant 41 : i32
    %add3A_1961 = arith.addi %mul3A_1959, %add3A_1960 : i32
    %get3A_1962 = arith.index_cast %arg0 : i32 to index
    %get3A_1963 = arith.index_cast %add3A_1961 : i32 to index
    %get3A_1964 = memref.load %arg3[%get3A_1962, %get3A_1963] : memref<4x512xi32, #tpu.memory_space<smem>>
    %get3A_1965 = arith.constant 0 : index
    %get3A_1966 = arith.constant 0 : index
    %get3A_1967 = arith.constant 0 : index
    %get3A_1968 = vector.load %arg4[%get3A_1965, %get3A_1966, %get3A_1967] : memref<1x512x1xi32, #tpu.memory_space<vmem>>, vector<1x512x1xi32>
    %get3A_1969 = vector.shape_cast %get3A_1968 : vector<1x512x1xi32> to vector<512x1xi32>
    %eq3A_1970 = vector.broadcast %get3A_1964 : i32 to vector<512x1xi32>
    %eq3A_1971 = arith.cmpi eq, %get3A_1969, %eq3A_1970 : vector<512x1xi32>
    %sub3A_1972 = arith.constant 511 : i32
    %sub3A_1973 = arith.subi %sub3A_1972, %add3A_1961 : i32
    %rem3A_1974 = arith.constant 8 : i32
    %rem3A_1975 = arith.remsi %sub3A_1973, %rem3A_1974 : i32
    %mul3A_1976 = arith.constant 1040 : i32
    %mul3A_1977 = arith.muli %rem3A_1975, %mul3A_1976 : i32
    %sub3A_1978 = arith.subi %sub3A_1973, %rem3A_1975 : i32
    %add3A_1979 = arith.addi %mul3A_1977, %sub3A_1978 : i32
    %multiple_of3A_1980 = tpu.assume_multiple %add3A_1979, 8 : i32
    %get3A_1981 = arith.index_cast %multiple_of3A_1980 : i32 to index
    %get3A_1982 = arith.constant 0 : index
    %get3A_1983 = vector.load %arg6[%get3A_1981, %get3A_1982] : memref<8320x64xf32, #tpu.memory_space<vmem>>, vector<512x64xf32>
    %broadcast_in_dim3A_1984 = vector.shape_cast %eq3A_1971 : vector<512x1xi1> to vector<512x1xi1>
    %broadcast_in_dim3A_1985 = vector.broadcast %broadcast_in_dim3A_1984 : vector<512x1xi1> to vector<512x64xi1>
    %broadcast_in_dim3A_1986 = vector.shape_cast %get3A_5 : vector<1x64xf32> to vector<1x64xf32>
    %broadcast_in_dim3A_1987 = vector.broadcast %broadcast_in_dim3A_1986 : vector<1x64xf32> to vector<512x64xf32>
    %select_n3A_1988 = arith.select %broadcast_in_dim3A_1985, %get3A_1983, %broadcast_in_dim3A_1987 : vector<512x64xi1>, vector<512x64xf32>
    %swap3A_1989 = arith.constant 0 : index
    %swap3A_1990 = arith.constant 41 : index
    %swap3A_1991 = arith.constant 0 : index
    %swap3A_1992 = arith.constant 0 : index
    %swap3A_1993 = vector.load %arg5[%swap3A_1989, %swap3A_1990, %swap3A_1991, %swap3A_1992] : memref<1x64x512x64xf32, #tpu.memory_space<vmem>>, vector<1x1x512x64xf32>
    %swap3A_1994 = vector.shape_cast %swap3A_1993 : vector<1x1x512x64xf32> to vector<512x64xf32>
    %swap3A_1995 = vector.shape_cast %select_n3A_1988 : vector<512x64xf32> to vector<1x1x512x64xf32>
    tpu.vector_store %arg5[%swap3A_1989, %swap3A_1990, %swap3A_1991, %swap3A_1992], %swap3A_1995 {strides = array<i32>} : memref<1x64x512x64xf32, #tpu.memory_space<vmem>>, vector<1x1x512x64xf32>,
    %get3A_1996 = arith.constant 1026 : index
    %get3A_1997 = arith.constant 0 : index
    %get3A_1998 = vector.load %arg6[%get3A_1996, %get3A_1997] : memref<8320x64xf32, #tpu.memory_space<vmem>>, vector<1x64xf32>
    %swap3A_1999 = arith.constant 0 : index
    %swap3A_2000 = arith.constant 41 : index
    %swap3A_2001 = arith.constant 0 : index
    %swap3A_2002 = arith.constant 0 : index
    %swap3A_2003 = vector.load %arg5[%swap3A_1999, %swap3A_2000, %swap3A_2001, %swap3A_2002] : memref<1x64x512x64xf32, #tpu.memory_space<vmem>>, vector<1x1x1x64xf32>
    %swap3A_2004 = vector.shape_cast %swap3A_2003 : vector<1x1x1x64xf32> to vector<1x64xf32>
    %swap3A_2005 = vector.shape_cast %get3A_1998 : vector<1x64xf32> to vector<1x1x1x64xf32>
    tpu.vector_store %arg5[%swap3A_1999, %swap3A_2000, %swap3A_2001, %swap3A_2002], %swap3A_2005 {strides = array<i32>} : memref<1x64x512x64xf32, #tpu.memory_space<vmem>>, vector<1x1x1x64xf32>,
    %mul3A_2006 = arith.constant 64 : i32
    %mul3A_2007 = arith.muli %arg1, %mul3A_2006 : i32
    %add3A_2008 = arith.constant 42 : i32
    %add3A_2009 = arith.addi %mul3A_2007, %add3A_2008 : i32
    %get3A_2010 = arith.index_cast %arg0 : i32 to index
    %get3A_2011 = arith.index_cast %add3A_2009 : i32 to index
    %get3A_2012 = memref.load %arg3[%get3A_2010, %get3A_2011] : memref<4x512xi32, #tpu.memory_space<smem>>
    %get3A_2013 = arith.constant 0 : index
    %get3A_2014 = arith.constant 0 : index
    %get3A_2015 = arith.constant 0 : index
    %get3A_2016 = vector.load %arg4[%get3A_2013, %get3A_2014, %get3A_2015] : memref<1x512x1xi32, #tpu.memory_space<vmem>>, vector<1x512x1xi32>
    %get3A_2017 = vector.shape_cast %get3A_2016 : vector<1x512x1xi32> to vector<512x1xi32>
    %eq3A_2018 = vector.broadcast %get3A_2012 : i32 to vector<512x1xi32>
    %eq3A_2019 = arith.cmpi eq, %get3A_2017, %eq3A_2018 : vector<512x1xi32>
    %sub3A_2020 = arith.constant 511 : i32
    %sub3A_2021 = arith.subi %sub3A_2020, %add3A_2009 : i32
    %rem3A_2022 = arith.constant 8 : i32
    %rem3A_2023 = arith.remsi %sub3A_2021, %rem3A_2022 : i32
    %mul3A_2024 = arith.constant 1040 : i32
    %mul3A_2025 = arith.muli %rem3A_2023, %mul3A_2024 : i32
    %sub3A_2026 = arith.subi %sub3A_2021, %rem3A_2023 : i32
    %add3A_2027 = arith.addi %mul3A_2025, %sub3A_2026 : i32
    %multiple_of3A_2028 = tpu.assume_multiple %add3A_2027, 8 : i32
    %get3A_2029 = arith.index_cast %multiple_of3A_2028 : i32 to index
    %get3A_2030 = arith.constant 0 : index
    %get3A_2031 = vector.load %arg6[%get3A_2029, %get3A_2030] : memref<8320x64xf32, #tpu.memory_space<vmem>>, vector<512x64xf32>
    %broadcast_in_dim3A_2032 = vector.shape_cast %eq3A_2019 : vector<512x1xi1> to vector<512x1xi1>
    %broadcast_in_dim3A_2033 = vector.broadcast %broadcast_in_dim3A_2032 : vector<512x1xi1> to vector<512x64xi1>
    %broadcast_in_dim3A_2034 = vector.shape_cast %get3A_5 : vector<1x64xf32> to vector<1x64xf32>
    %broadcast_in_dim3A_2035 = vector.broadcast %broadcast_in_dim3A_2034 : vector<1x64xf32> to vector<512x64xf32>
    %select_n3A_2036 = arith.select %broadcast_in_dim3A_2033, %get3A_2031, %broadcast_in_dim3A_2035 : vector<512x64xi1>, vector<512x64xf32>
    %swap3A_2037 = arith.constant 0 : index
    %swap3A_2038 = arith.constant 42 : index
    %swap3A_2039 = arith.constant 0 : index
    %swap3A_2040 = arith.constant 0 : index
    %swap3A_2041 = vector.load %arg5[%swap3A_2037, %swap3A_2038, %swap3A_2039, %swap3A_2040] : memref<1x64x512x64xf32, #tpu.memory_space<vmem>>, vector<1x1x512x64xf32>
    %swap3A_2042 = vector.shape_cast %swap3A_2041 : vector<1x1x512x64xf32> to vector<512x64xf32>
    %swap3A_2043 = vector.shape_cast %select_n3A_2036 : vector<512x64xf32> to vector<1x1x512x64xf32>
    tpu.vector_store %arg5[%swap3A_2037, %swap3A_2038, %swap3A_2039, %swap3A_2040], %swap3A_2043 {strides = array<i32>} : memref<1x64x512x64xf32, #tpu.memory_space<vmem>>, vector<1x1x512x64xf32>,
    %get3A_2044 = arith.constant 1026 : index
    %get3A_2045 = arith.constant 0 : index
    %get3A_2046 = vector.load %arg6[%get3A_2044, %get3A_2045] : memref<8320x64xf32, #tpu.memory_space<vmem>>, vector<1x64xf32>
    %swap3A_2047 = arith.constant 0 : index
    %swap3A_2048 = arith.constant 42 : index
    %swap3A_2049 = arith.constant 0 : index
    %swap3A_2050 = arith.constant 0 : index
    %swap3A_2051 = vector.load %arg5[%swap3A_2047, %swap3A_2048, %swap3A_2049, %swap3A_2050] : memref<1x64x512x64xf32, #tpu.memory_space<vmem>>, vector<1x1x1x64xf32>
    %swap3A_2052 = vector.shape_cast %swap3A_2051 : vector<1x1x1x64xf32> to vector<1x64xf32>
    %swap3A_2053 = vector.shape_cast %get3A_2046 : vector<1x64xf32> to vector<1x1x1x64xf32>
    tpu.vector_store %arg5[%swap3A_2047, %swap3A_2048, %swap3A_2049, %swap3A_2050], %swap3A_2053 {strides = array<i32>} : memref<1x64x512x64xf32, #tpu.memory_space<vmem>>, vector<1x1x1x64xf32>,
    %mul3A_2054 = arith.constant 64 : i32
    %mul3A_2055 = arith.muli %arg1, %mul3A_2054 : i32
    %add3A_2056 = arith.constant 43 : i32
    %add3A_2057 = arith.addi %mul3A_2055, %add3A_2056 : i32
    %get3A_2058 = arith.index_cast %arg0 : i32 to index
    %get3A_2059 = arith.index_cast %add3A_2057 : i32 to index
    %get3A_2060 = memref.load %arg3[%get3A_2058, %get3A_2059] : memref<4x512xi32, #tpu.memory_space<smem>>
    %get3A_2061 = arith.constant 0 : index
    %get3A_2062 = arith.constant 0 : index
    %get3A_2063 = arith.constant 0 : index
    %get3A_2064 = vector.load %arg4[%get3A_2061, %get3A_2062, %get3A_2063] : memref<1x512x1xi32, #tpu.memory_space<vmem>>, vector<1x512x1xi32>
    %get3A_2065 = vector.shape_cast %get3A_2064 : vector<1x512x1xi32> to vector<512x1xi32>
    %eq3A_2066 = vector.broadcast %get3A_2060 : i32 to vector<512x1xi32>
    %eq3A_2067 = arith.cmpi eq, %get3A_2065, %eq3A_2066 : vector<512x1xi32>
    %sub3A_2068 = arith.constant 511 : i32
    %sub3A_2069 = arith.subi %sub3A_2068, %add3A_2057 : i32
    %rem3A_2070 = arith.constant 8 : i32
    %rem3A_2071 = arith.remsi %sub3A_2069, %rem3A_2070 : i32
    %mul3A_2072 = arith.constant 1040 : i32
    %mul3A_2073 = arith.muli %rem3A_2071, %mul3A_2072 : i32
    %sub3A_2074 = arith.subi %sub3A_2069, %rem3A_2071 : i32
    %add3A_2075 = arith.addi %mul3A_2073, %sub3A_2074 : i32
    %multiple_of3A_2076 = tpu.assume_multiple %add3A_2075, 8 : i32
    %get3A_2077 = arith.index_cast %multiple_of3A_2076 : i32 to index
    %get3A_2078 = arith.constant 0 : index
    %get3A_2079 = vector.load %arg6[%get3A_2077, %get3A_2078] : memref<8320x64xf32, #tpu.memory_space<vmem>>, vector<512x64xf32>
    %broadcast_in_dim3A_2080 = vector.shape_cast %eq3A_2067 : vector<512x1xi1> to vector<512x1xi1>
    %broadcast_in_dim3A_2081 = vector.broadcast %broadcast_in_dim3A_2080 : vector<512x1xi1> to vector<512x64xi1>
    %broadcast_in_dim3A_2082 = vector.shape_cast %get3A_5 : vector<1x64xf32> to vector<1x64xf32>
    %broadcast_in_dim3A_2083 = vector.broadcast %broadcast_in_dim3A_2082 : vector<1x64xf32> to vector<512x64xf32>
    %select_n3A_2084 = arith.select %broadcast_in_dim3A_2081, %get3A_2079, %broadcast_in_dim3A_2083 : vector<512x64xi1>, vector<512x64xf32>
    %swap3A_2085 = arith.constant 0 : index
    %swap3A_2086 = arith.constant 43 : index
    %swap3A_2087 = arith.constant 0 : index
    %swap3A_2088 = arith.constant 0 : index
    %swap3A_2089 = vector.load %arg5[%swap3A_2085, %swap3A_2086, %swap3A_2087, %swap3A_2088] : memref<1x64x512x64xf32, #tpu.memory_space<vmem>>, vector<1x1x512x64xf32>
    %swap3A_2090 = vector.shape_cast %swap3A_2089 : vector<1x1x512x64xf32> to vector<512x64xf32>
    %swap3A_2091 = vector.shape_cast %select_n3A_2084 : vector<512x64xf32> to vector<1x1x512x64xf32>
    tpu.vector_store %arg5[%swap3A_2085, %swap3A_2086, %swap3A_2087, %swap3A_2088], %swap3A_2091 {strides = array<i32>} : memref<1x64x512x64xf32, #tpu.memory_space<vmem>>, vector<1x1x512x64xf32>,
    %get3A_2092 = arith.constant 1026 : index
    %get3A_2093 = arith.constant 0 : index
    %get3A_2094 = vector.load %arg6[%get3A_2092, %get3A_2093] : memref<8320x64xf32, #tpu.memory_space<vmem>>, vector<1x64xf32>
    %swap3A_2095 = arith.constant 0 : index
    %swap3A_2096 = arith.constant 43 : index
    %swap3A_2097 = arith.constant 0 : index
    %swap3A_2098 = arith.constant 0 : index
    %swap3A_2099 = vector.load %arg5[%swap3A_2095, %swap3A_2096, %swap3A_2097, %swap3A_2098] : memref<1x64x512x64xf32, #tpu.memory_space<vmem>>, vector<1x1x1x64xf32>
    %swap3A_2100 = vector.shape_cast %swap3A_2099 : vector<1x1x1x64xf32> to vector<1x64xf32>
    %swap3A_2101 = vector.shape_cast %get3A_2094 : vector<1x64xf32> to vector<1x1x1x64xf32>
    tpu.vector_store %arg5[%swap3A_2095, %swap3A_2096, %swap3A_2097, %swap3A_2098], %swap3A_2101 {strides = array<i32>} : memref<1x64x512x64xf32, #tpu.memory_space<vmem>>, vector<1x1x1x64xf32>,
    %mul3A_2102 = arith.constant 64 : i32
    %mul3A_2103 = arith.muli %arg1, %mul3A_2102 : i32
    %add3A_2104 = arith.constant 44 : i32
    %add3A_2105 = arith.addi %mul3A_2103, %add3A_2104 : i32
    %get3A_2106 = arith.index_cast %arg0 : i32 to index
    %get3A_2107 = arith.index_cast %add3A_2105 : i32 to index
    %get3A_2108 = memref.load %arg3[%get3A_2106, %get3A_2107] : memref<4x512xi32, #tpu.memory_space<smem>>
    %get3A_2109 = arith.constant 0 : index
    %get3A_2110 = arith.constant 0 : index
    %get3A_2111 = arith.constant 0 : index
    %get3A_2112 = vector.load %arg4[%get3A_2109, %get3A_2110, %get3A_2111] : memref<1x512x1xi32, #tpu.memory_space<vmem>>, vector<1x512x1xi32>
    %get3A_2113 = vector.shape_cast %get3A_2112 : vector<1x512x1xi32> to vector<512x1xi32>
    %eq3A_2114 = vector.broadcast %get3A_2108 : i32 to vector<512x1xi32>
    %eq3A_2115 = arith.cmpi eq, %get3A_2113, %eq3A_2114 : vector<512x1xi32>
    %sub3A_2116 = arith.constant 511 : i32
    %sub3A_2117 = arith.subi %sub3A_2116, %add3A_2105 : i32
    %rem3A_2118 = arith.constant 8 : i32
    %rem3A_2119 = arith.remsi %sub3A_2117, %rem3A_2118 : i32
    %mul3A_2120 = arith.constant 1040 : i32
    %mul3A_2121 = arith.muli %rem3A_2119, %mul3A_2120 : i32
    %sub3A_2122 = arith.subi %sub3A_2117, %rem3A_2119 : i32
    %add3A_2123 = arith.addi %mul3A_2121, %sub3A_2122 : i32
    %multiple_of3A_2124 = tpu.assume_multiple %add3A_2123, 8 : i32
    %get3A_2125 = arith.index_cast %multiple_of3A_2124 : i32 to index
    %get3A_2126 = arith.constant 0 : index
    %get3A_2127 = vector.load %arg6[%get3A_2125, %get3A_2126] : memref<8320x64xf32, #tpu.memory_space<vmem>>, vector<512x64xf32>
    %broadcast_in_dim3A_2128 = vector.shape_cast %eq3A_2115 : vector<512x1xi1> to vector<512x1xi1>
    %broadcast_in_dim3A_2129 = vector.broadcast %broadcast_in_dim3A_2128 : vector<512x1xi1> to vector<512x64xi1>
    %broadcast_in_dim3A_2130 = vector.shape_cast %get3A_5 : vector<1x64xf32> to vector<1x64xf32>
    %broadcast_in_dim3A_2131 = vector.broadcast %broadcast_in_dim3A_2130 : vector<1x64xf32> to vector<512x64xf32>
    %select_n3A_2132 = arith.select %broadcast_in_dim3A_2129, %get3A_2127, %broadcast_in_dim3A_2131 : vector<512x64xi1>, vector<512x64xf32>
    %swap3A_2133 = arith.constant 0 : index
    %swap3A_2134 = arith.constant 44 : index
    %swap3A_2135 = arith.constant 0 : index
    %swap3A_2136 = arith.constant 0 : index
    %swap3A_2137 = vector.load %arg5[%swap3A_2133, %swap3A_2134, %swap3A_2135, %swap3A_2136] : memref<1x64x512x64xf32, #tpu.memory_space<vmem>>, vector<1x1x512x64xf32>
    %swap3A_2138 = vector.shape_cast %swap3A_2137 : vector<1x1x512x64xf32> to vector<512x64xf32>
    %swap3A_2139 = vector.shape_cast %select_n3A_2132 : vector<512x64xf32> to vector<1x1x512x64xf32>
    tpu.vector_store %arg5[%swap3A_2133, %swap3A_2134, %swap3A_2135, %swap3A_2136], %swap3A_2139 {strides = array<i32>} : memref<1x64x512x64xf32, #tpu.memory_space<vmem>>, vector<1x1x512x64xf32>,
    %get3A_2140 = arith.constant 1026 : index
    %get3A_2141 = arith.constant 0 : index
    %get3A_2142 = vector.load %arg6[%get3A_2140, %get3A_2141] : memref<8320x64xf32, #tpu.memory_space<vmem>>, vector<1x64xf32>
    %swap3A_2143 = arith.constant 0 : index
    %swap3A_2144 = arith.constant 44 : index
    %swap3A_2145 = arith.constant 0 : index
    %swap3A_2146 = arith.constant 0 : index
    %swap3A_2147 = vector.load %arg5[%swap3A_2143, %swap3A_2144, %swap3A_2145, %swap3A_2146] : memref<1x64x512x64xf32, #tpu.memory_space<vmem>>, vector<1x1x1x64xf32>
    %swap3A_2148 = vector.shape_cast %swap3A_2147 : vector<1x1x1x64xf32> to vector<1x64xf32>
    %swap3A_2149 = vector.shape_cast %get3A_2142 : vector<1x64xf32> to vector<1x1x1x64xf32>
    tpu.vector_store %arg5[%swap3A_2143, %swap3A_2144, %swap3A_2145, %swap3A_2146], %swap3A_2149 {strides = array<i32>} : memref<1x64x512x64xf32, #tpu.memory_space<vmem>>, vector<1x1x1x64xf32>,
    %mul3A_2150 = arith.constant 64 : i32
    %mul3A_2151 = arith.muli %arg1, %mul3A_2150 : i32
    %add3A_2152 = arith.constant 45 : i32
    %add3A_2153 = arith.addi %mul3A_2151, %add3A_2152 : i32
    %get3A_2154 = arith.index_cast %arg0 : i32 to index
    %get3A_2155 = arith.index_cast %add3A_2153 : i32 to index
    %get3A_2156 = memref.load %arg3[%get3A_2154, %get3A_2155] : memref<4x512xi32, #tpu.memory_space<smem>>
    %get3A_2157 = arith.constant 0 : index
    %get3A_2158 = arith.constant 0 : index
    %get3A_2159 = arith.constant 0 : index
    %get3A_2160 = vector.load %arg4[%get3A_2157, %get3A_2158, %get3A_2159] : memref<1x512x1xi32, #tpu.memory_space<vmem>>, vector<1x512x1xi32>
    %get3A_2161 = vector.shape_cast %get3A_2160 : vector<1x512x1xi32> to vector<512x1xi32>
    %eq3A_2162 = vector.broadcast %get3A_2156 : i32 to vector<512x1xi32>
    %eq3A_2163 = arith.cmpi eq, %get3A_2161, %eq3A_2162 : vector<512x1xi32>
    %sub3A_2164 = arith.constant 511 : i32
    %sub3A_2165 = arith.subi %sub3A_2164, %add3A_2153 : i32
    %rem3A_2166 = arith.constant 8 : i32
    %rem3A_2167 = arith.remsi %sub3A_2165, %rem3A_2166 : i32
    %mul3A_2168 = arith.constant 1040 : i32
    %mul3A_2169 = arith.muli %rem3A_2167, %mul3A_2168 : i32
    %sub3A_2170 = arith.subi %sub3A_2165, %rem3A_2167 : i32
    %add3A_2171 = arith.addi %mul3A_2169, %sub3A_2170 : i32
    %multiple_of3A_2172 = tpu.assume_multiple %add3A_2171, 8 : i32
    %get3A_2173 = arith.index_cast %multiple_of3A_2172 : i32 to index
    %get3A_2174 = arith.constant 0 : index
    %get3A_2175 = vector.load %arg6[%get3A_2173, %get3A_2174] : memref<8320x64xf32, #tpu.memory_space<vmem>>, vector<512x64xf32>
    %broadcast_in_dim3A_2176 = vector.shape_cast %eq3A_2163 : vector<512x1xi1> to vector<512x1xi1>
    %broadcast_in_dim3A_2177 = vector.broadcast %broadcast_in_dim3A_2176 : vector<512x1xi1> to vector<512x64xi1>
    %broadcast_in_dim3A_2178 = vector.shape_cast %get3A_5 : vector<1x64xf32> to vector<1x64xf32>
    %broadcast_in_dim3A_2179 = vector.broadcast %broadcast_in_dim3A_2178 : vector<1x64xf32> to vector<512x64xf32>
    %select_n3A_2180 = arith.select %broadcast_in_dim3A_2177, %get3A_2175, %broadcast_in_dim3A_2179 : vector<512x64xi1>, vector<512x64xf32>
    %swap3A_2181 = arith.constant 0 : index
    %swap3A_2182 = arith.constant 45 : index
    %swap3A_2183 = arith.constant 0 : index
    %swap3A_2184 = arith.constant 0 : index
    %swap3A_2185 = vector.load %arg5[%swap3A_2181, %swap3A_2182, %swap3A_2183, %swap3A_2184] : memref<1x64x512x64xf32, #tpu.memory_space<vmem>>, vector<1x1x512x64xf32>
    %swap3A_2186 = vector.shape_cast %swap3A_2185 : vector<1x1x512x64xf32> to vector<512x64xf32>
    %swap3A_2187 = vector.shape_cast %select_n3A_2180 : vector<512x64xf32> to vector<1x1x512x64xf32>
    tpu.vector_store %arg5[%swap3A_2181, %swap3A_2182, %swap3A_2183, %swap3A_2184], %swap3A_2187 {strides = array<i32>} : memref<1x64x512x64xf32, #tpu.memory_space<vmem>>, vector<1x1x512x64xf32>,
    %get3A_2188 = arith.constant 1026 : index
    %get3A_2189 = arith.constant 0 : index
    %get3A_2190 = vector.load %arg6[%get3A_2188, %get3A_2189] : memref<8320x64xf32, #tpu.memory_space<vmem>>, vector<1x64xf32>
    %swap3A_2191 = arith.constant 0 : index
    %swap3A_2192 = arith.constant 45 : index
    %swap3A_2193 = arith.constant 0 : index
    %swap3A_2194 = arith.constant 0 : index
    %swap3A_2195 = vector.load %arg5[%swap3A_2191, %swap3A_2192, %swap3A_2193, %swap3A_2194] : memref<1x64x512x64xf32, #tpu.memory_space<vmem>>, vector<1x1x1x64xf32>
    %swap3A_2196 = vector.shape_cast %swap3A_2195 : vector<1x1x1x64xf32> to vector<1x64xf32>
    %swap3A_2197 = vector.shape_cast %get3A_2190 : vector<1x64xf32> to vector<1x1x1x64xf32>
    tpu.vector_store %arg5[%swap3A_2191, %swap3A_2192, %swap3A_2193, %swap3A_2194], %swap3A_2197 {strides = array<i32>} : memref<1x64x512x64xf32, #tpu.memory_space<vmem>>, vector<1x1x1x64xf32>,
    %mul3A_2198 = arith.constant 64 : i32
    %mul3A_2199 = arith.muli %arg1, %mul3A_2198 : i32
    %add3A_2200 = arith.constant 46 : i32
    %add3A_2201 = arith.addi %mul3A_2199, %add3A_2200 : i32
    %get3A_2202 = arith.index_cast %arg0 : i32 to index
    %get3A_2203 = arith.index_cast %add3A_2201 : i32 to index
    %get3A_2204 = memref.load %arg3[%get3A_2202, %get3A_2203] : memref<4x512xi32, #tpu.memory_space<smem>>
    %get3A_2205 = arith.constant 0 : index
    %get3A_2206 = arith.constant 0 : index
    %get3A_2207 = arith.constant 0 : index
    %get3A_2208 = vector.load %arg4[%get3A_2205, %get3A_2206, %get3A_2207] : memref<1x512x1xi32, #tpu.memory_space<vmem>>, vector<1x512x1xi32>
    %get3A_2209 = vector.shape_cast %get3A_2208 : vector<1x512x1xi32> to vector<512x1xi32>
    %eq3A_2210 = vector.broadcast %get3A_2204 : i32 to vector<512x1xi32>
    %eq3A_2211 = arith.cmpi eq, %get3A_2209, %eq3A_2210 : vector<512x1xi32>
    %sub3A_2212 = arith.constant 511 : i32
    %sub3A_2213 = arith.subi %sub3A_2212, %add3A_2201 : i32
    %rem3A_2214 = arith.constant 8 : i32
    %rem3A_2215 = arith.remsi %sub3A_2213, %rem3A_2214 : i32
    %mul3A_2216 = arith.constant 1040 : i32
    %mul3A_2217 = arith.muli %rem3A_2215, %mul3A_2216 : i32
    %sub3A_2218 = arith.subi %sub3A_2213, %rem3A_2215 : i32
    %add3A_2219 = arith.addi %mul3A_2217, %sub3A_2218 : i32
    %multiple_of3A_2220 = tpu.assume_multiple %add3A_2219, 8 : i32
    %get3A_2221 = arith.index_cast %multiple_of3A_2220 : i32 to index
    %get3A_2222 = arith.constant 0 : index
    %get3A_2223 = vector.load %arg6[%get3A_2221, %get3A_2222] : memref<8320x64xf32, #tpu.memory_space<vmem>>, vector<512x64xf32>
    %broadcast_in_dim3A_2224 = vector.shape_cast %eq3A_2211 : vector<512x1xi1> to vector<512x1xi1>
    %broadcast_in_dim3A_2225 = vector.broadcast %broadcast_in_dim3A_2224 : vector<512x1xi1> to vector<512x64xi1>
    %broadcast_in_dim3A_2226 = vector.shape_cast %get3A_5 : vector<1x64xf32> to vector<1x64xf32>
    %broadcast_in_dim3A_2227 = vector.broadcast %broadcast_in_dim3A_2226 : vector<1x64xf32> to vector<512x64xf32>
    %select_n3A_2228 = arith.select %broadcast_in_dim3A_2225, %get3A_2223, %broadcast_in_dim3A_2227 : vector<512x64xi1>, vector<512x64xf32>
    %swap3A_2229 = arith.constant 0 : index
    %swap3A_2230 = arith.constant 46 : index
    %swap3A_2231 = arith.constant 0 : index
    %swap3A_2232 = arith.constant 0 : index
    %swap3A_2233 = vector.load %arg5[%swap3A_2229, %swap3A_2230, %swap3A_2231, %swap3A_2232] : memref<1x64x512x64xf32, #tpu.memory_space<vmem>>, vector<1x1x512x64xf32>
    %swap3A_2234 = vector.shape_cast %swap3A_2233 : vector<1x1x512x64xf32> to vector<512x64xf32>
    %swap3A_2235 = vector.shape_cast %select_n3A_2228 : vector<512x64xf32> to vector<1x1x512x64xf32>
    tpu.vector_store %arg5[%swap3A_2229, %swap3A_2230, %swap3A_2231, %swap3A_2232], %swap3A_2235 {strides = array<i32>} : memref<1x64x512x64xf32, #tpu.memory_space<vmem>>, vector<1x1x512x64xf32>,
    %get3A_2236 = arith.constant 1026 : index
    %get3A_2237 = arith.constant 0 : index
    %get3A_2238 = vector.load %arg6[%get3A_2236, %get3A_2237] : memref<8320x64xf32, #tpu.memory_space<vmem>>, vector<1x64xf32>
    %swap3A_2239 = arith.constant 0 : index
    %swap3A_2240 = arith.constant 46 : index
    %swap3A_2241 = arith.constant 0 : index
    %swap3A_2242 = arith.constant 0 : index
    %swap3A_2243 = vector.load %arg5[%swap3A_2239, %swap3A_2240, %swap3A_2241, %swap3A_2242] : memref<1x64x512x64xf32, #tpu.memory_space<vmem>>, vector<1x1x1x64xf32>
    %swap3A_2244 = vector.shape_cast %swap3A_2243 : vector<1x1x1x64xf32> to vector<1x64xf32>
    %swap3A_2245 = vector.shape_cast %get3A_2238 : vector<1x64xf32> to vector<1x1x1x64xf32>
    tpu.vector_store %arg5[%swap3A_2239, %swap3A_2240, %swap3A_2241, %swap3A_2242], %swap3A_2245 {strides = array<i32>} : memref<1x64x512x64xf32, #tpu.memory_space<vmem>>, vector<1x1x1x64xf32>,
    %mul3A_2246 = arith.constant 64 : i32
    %mul3A_2247 = arith.muli %arg1, %mul3A_2246 : i32
    %add3A_2248 = arith.constant 47 : i32
    %add3A_2249 = arith.addi %mul3A_2247, %add3A_2248 : i32
    %get3A_2250 = arith.index_cast %arg0 : i32 to index
    %get3A_2251 = arith.index_cast %add3A_2249 : i32 to index
    %get3A_2252 = memref.load %arg3[%get3A_2250, %get3A_2251] : memref<4x512xi32, #tpu.memory_space<smem>>
    %get3A_2253 = arith.constant 0 : index
    %get3A_2254 = arith.constant 0 : index
    %get3A_2255 = arith.constant 0 : index
    %get3A_2256 = vector.load %arg4[%get3A_2253, %get3A_2254, %get3A_2255] : memref<1x512x1xi32, #tpu.memory_space<vmem>>, vector<1x512x1xi32>
    %get3A_2257 = vector.shape_cast %get3A_2256 : vector<1x512x1xi32> to vector<512x1xi32>
    %eq3A_2258 = vector.broadcast %get3A_2252 : i32 to vector<512x1xi32>
    %eq3A_2259 = arith.cmpi eq, %get3A_2257, %eq3A_2258 : vector<512x1xi32>
    %sub3A_2260 = arith.constant 511 : i32
    %sub3A_2261 = arith.subi %sub3A_2260, %add3A_2249 : i32
    %rem3A_2262 = arith.constant 8 : i32
    %rem3A_2263 = arith.remsi %sub3A_2261, %rem3A_2262 : i32
    %mul3A_2264 = arith.constant 1040 : i32
    %mul3A_2265 = arith.muli %rem3A_2263, %mul3A_2264 : i32
    %sub3A_2266 = arith.subi %sub3A_2261, %rem3A_2263 : i32
    %add3A_2267 = arith.addi %mul3A_2265, %sub3A_2266 : i32
    %multiple_of3A_2268 = tpu.assume_multiple %add3A_2267, 8 : i32
    %get3A_2269 = arith.index_cast %multiple_of3A_2268 : i32 to index
    %get3A_2270 = arith.constant 0 : index
    %get3A_2271 = vector.load %arg6[%get3A_2269, %get3A_2270] : memref<8320x64xf32, #tpu.memory_space<vmem>>, vector<512x64xf32>
    %broadcast_in_dim3A_2272 = vector.shape_cast %eq3A_2259 : vector<512x1xi1> to vector<512x1xi1>
    %broadcast_in_dim3A_2273 = vector.broadcast %broadcast_in_dim3A_2272 : vector<512x1xi1> to vector<512x64xi1>
    %broadcast_in_dim3A_2274 = vector.shape_cast %get3A_5 : vector<1x64xf32> to vector<1x64xf32>
    %broadcast_in_dim3A_2275 = vector.broadcast %broadcast_in_dim3A_2274 : vector<1x64xf32> to vector<512x64xf32>
    %select_n3A_2276 = arith.select %broadcast_in_dim3A_2273, %get3A_2271, %broadcast_in_dim3A_2275 : vector<512x64xi1>, vector<512x64xf32>
    %swap3A_2277 = arith.constant 0 : index
    %swap3A_2278 = arith.constant 47 : index
    %swap3A_2279 = arith.constant 0 : index
    %swap3A_2280 = arith.constant 0 : index
    %swap3A_2281 = vector.load %arg5[%swap3A_2277, %swap3A_2278, %swap3A_2279, %swap3A_2280] : memref<1x64x512x64xf32, #tpu.memory_space<vmem>>, vector<1x1x512x64xf32>
    %swap3A_2282 = vector.shape_cast %swap3A_2281 : vector<1x1x512x64xf32> to vector<512x64xf32>
    %swap3A_2283 = vector.shape_cast %select_n3A_2276 : vector<512x64xf32> to vector<1x1x512x64xf32>
    tpu.vector_store %arg5[%swap3A_2277, %swap3A_2278, %swap3A_2279, %swap3A_2280], %swap3A_2283 {strides = array<i32>} : memref<1x64x512x64xf32, #tpu.memory_space<vmem>>, vector<1x1x512x64xf32>,
    %get3A_2284 = arith.constant 1026 : index
    %get3A_2285 = arith.constant 0 : index
    %get3A_2286 = vector.load %arg6[%get3A_2284, %get3A_2285] : memref<8320x64xf32, #tpu.memory_space<vmem>>, vector<1x64xf32>
    %swap3A_2287 = arith.constant 0 : index
    %swap3A_2288 = arith.constant 47 : index
    %swap3A_2289 = arith.constant 0 : index
    %swap3A_2290 = arith.constant 0 : index
    %swap3A_2291 = vector.load %arg5[%swap3A_2287, %swap3A_2288, %swap3A_2289, %swap3A_2290] : memref<1x64x512x64xf32, #tpu.memory_space<vmem>>, vector<1x1x1x64xf32>
    %swap3A_2292 = vector.shape_cast %swap3A_2291 : vector<1x1x1x64xf32> to vector<1x64xf32>
    %swap3A_2293 = vector.shape_cast %get3A_2286 : vector<1x64xf32> to vector<1x1x1x64xf32>
    tpu.vector_store %arg5[%swap3A_2287, %swap3A_2288, %swap3A_2289, %swap3A_2290], %swap3A_2293 {strides = array<i32>} : memref<1x64x512x64xf32, #tpu.memory_space<vmem>>, vector<1x1x1x64xf32>,
    %mul3A_2294 = arith.constant 64 : i32
    %mul3A_2295 = arith.muli %arg1, %mul3A_2294 : i32
    %add3A_2296 = arith.constant 48 : i32
    %add3A_2297 = arith.addi %mul3A_2295, %add3A_2296 : i32
    %get3A_2298 = arith.index_cast %arg0 : i32 to index
    %get3A_2299 = arith.index_cast %add3A_2297 : i32 to index
    %get3A_2300 = memref.load %arg3[%get3A_2298, %get3A_2299] : memref<4x512xi32, #tpu.memory_space<smem>>
    %get3A_2301 = arith.constant 0 : index
    %get3A_2302 = arith.constant 0 : index
    %get3A_2303 = arith.constant 0 : index
    %get3A_2304 = vector.load %arg4[%get3A_2301, %get3A_2302, %get3A_2303] : memref<1x512x1xi32, #tpu.memory_space<vmem>>, vector<1x512x1xi32>
    %get3A_2305 = vector.shape_cast %get3A_2304 : vector<1x512x1xi32> to vector<512x1xi32>
    %eq3A_2306 = vector.broadcast %get3A_2300 : i32 to vector<512x1xi32>
    %eq3A_2307 = arith.cmpi eq, %get3A_2305, %eq3A_2306 : vector<512x1xi32>
    %sub3A_2308 = arith.constant 511 : i32
    %sub3A_2309 = arith.subi %sub3A_2308, %add3A_2297 : i32
    %rem3A_2310 = arith.constant 8 : i32
    %rem3A_2311 = arith.remsi %sub3A_2309, %rem3A_2310 : i32
    %mul3A_2312 = arith.constant 1040 : i32
    %mul3A_2313 = arith.muli %rem3A_2311, %mul3A_2312 : i32
    %sub3A_2314 = arith.subi %sub3A_2309, %rem3A_2311 : i32
    %add3A_2315 = arith.addi %mul3A_2313, %sub3A_2314 : i32
    %multiple_of3A_2316 = tpu.assume_multiple %add3A_2315, 8 : i32
    %get3A_2317 = arith.index_cast %multiple_of3A_2316 : i32 to index
    %get3A_2318 = arith.constant 0 : index
    %get3A_2319 = vector.load %arg6[%get3A_2317, %get3A_2318] : memref<8320x64xf32, #tpu.memory_space<vmem>>, vector<512x64xf32>
    %broadcast_in_dim3A_2320 = vector.shape_cast %eq3A_2307 : vector<512x1xi1> to vector<512x1xi1>
    %broadcast_in_dim3A_2321 = vector.broadcast %broadcast_in_dim3A_2320 : vector<512x1xi1> to vector<512x64xi1>
    %broadcast_in_dim3A_2322 = vector.shape_cast %get3A_5 : vector<1x64xf32> to vector<1x64xf32>
    %broadcast_in_dim3A_2323 = vector.broadcast %broadcast_in_dim3A_2322 : vector<1x64xf32> to vector<512x64xf32>
    %select_n3A_2324 = arith.select %broadcast_in_dim3A_2321, %get3A_2319, %broadcast_in_dim3A_2323 : vector<512x64xi1>, vector<512x64xf32>
    %swap3A_2325 = arith.constant 0 : index
    %swap3A_2326 = arith.constant 48 : index
    %swap3A_2327 = arith.constant 0 : index
    %swap3A_2328 = arith.constant 0 : index
    %swap3A_2329 = vector.load %arg5[%swap3A_2325, %swap3A_2326, %swap3A_2327, %swap3A_2328] : memref<1x64x512x64xf32, #tpu.memory_space<vmem>>, vector<1x1x512x64xf32>
    %swap3A_2330 = vector.shape_cast %swap3A_2329 : vector<1x1x512x64xf32> to vector<512x64xf32>
    %swap3A_2331 = vector.shape_cast %select_n3A_2324 : vector<512x64xf32> to vector<1x1x512x64xf32>
    tpu.vector_store %arg5[%swap3A_2325, %swap3A_2326, %swap3A_2327, %swap3A_2328], %swap3A_2331 {strides = array<i32>} : memref<1x64x512x64xf32, #tpu.memory_space<vmem>>, vector<1x1x512x64xf32>,
    %get3A_2332 = arith.constant 1026 : index
    %get3A_2333 = arith.constant 0 : index
    %get3A_2334 = vector.load %arg6[%get3A_2332, %get3A_2333] : memref<8320x64xf32, #tpu.memory_space<vmem>>, vector<1x64xf32>
    %swap3A_2335 = arith.constant 0 : index
    %swap3A_2336 = arith.constant 48 : index
    %swap3A_2337 = arith.constant 0 : index
    %swap3A_2338 = arith.constant 0 : index
    %swap3A_2339 = vector.load %arg5[%swap3A_2335, %swap3A_2336, %swap3A_2337, %swap3A_2338] : memref<1x64x512x64xf32, #tpu.memory_space<vmem>>, vector<1x1x1x64xf32>
    %swap3A_2340 = vector.shape_cast %swap3A_2339 : vector<1x1x1x64xf32> to vector<1x64xf32>
    %swap3A_2341 = vector.shape_cast %get3A_2334 : vector<1x64xf32> to vector<1x1x1x64xf32>
    tpu.vector_store %arg5[%swap3A_2335, %swap3A_2336, %swap3A_2337, %swap3A_2338], %swap3A_2341 {strides = array<i32>} : memref<1x64x512x64xf32, #tpu.memory_space<vmem>>, vector<1x1x1x64xf32>,
    %mul3A_2342 = arith.constant 64 : i32
    %mul3A_2343 = arith.muli %arg1, %mul3A_2342 : i32
    %add3A_2344 = arith.constant 49 : i32
    %add3A_2345 = arith.addi %mul3A_2343, %add3A_2344 : i32
    %get3A_2346 = arith.index_cast %arg0 : i32 to index
    %get3A_2347 = arith.index_cast %add3A_2345 : i32 to index
    %get3A_2348 = memref.load %arg3[%get3A_2346, %get3A_2347] : memref<4x512xi32, #tpu.memory_space<smem>>
    %get3A_2349 = arith.constant 0 : index
    %get3A_2350 = arith.constant 0 : index
    %get3A_2351 = arith.constant 0 : index
    %get3A_2352 = vector.load %arg4[%get3A_2349, %get3A_2350, %get3A_2351] : memref<1x512x1xi32, #tpu.memory_space<vmem>>, vector<1x512x1xi32>
    %get3A_2353 = vector.shape_cast %get3A_2352 : vector<1x512x1xi32> to vector<512x1xi32>
    %eq3A_2354 = vector.broadcast %get3A_2348 : i32 to vector<512x1xi32>
    %eq3A_2355 = arith.cmpi eq, %get3A_2353, %eq3A_2354 : vector<512x1xi32>
    %sub3A_2356 = arith.constant 511 : i32
    %sub3A_2357 = arith.subi %sub3A_2356, %add3A_2345 : i32
    %rem3A_2358 = arith.constant 8 : i32
    %rem3A_2359 = arith.remsi %sub3A_2357, %rem3A_2358 : i32
    %mul3A_2360 = arith.constant 1040 : i32
    %mul3A_2361 = arith.muli %rem3A_2359, %mul3A_2360 : i32
    %sub3A_2362 = arith.subi %sub3A_2357, %rem3A_2359 : i32
    %add3A_2363 = arith.addi %mul3A_2361, %sub3A_2362 : i32
    %multiple_of3A_2364 = tpu.assume_multiple %add3A_2363, 8 : i32
    %get3A_2365 = arith.index_cast %multiple_of3A_2364 : i32 to index
    %get3A_2366 = arith.constant 0 : index
    %get3A_2367 = vector.load %arg6[%get3A_2365, %get3A_2366] : memref<8320x64xf32, #tpu.memory_space<vmem>>, vector<512x64xf32>
    %broadcast_in_dim3A_2368 = vector.shape_cast %eq3A_2355 : vector<512x1xi1> to vector<512x1xi1>
    %broadcast_in_dim3A_2369 = vector.broadcast %broadcast_in_dim3A_2368 : vector<512x1xi1> to vector<512x64xi1>
    %broadcast_in_dim3A_2370 = vector.shape_cast %get3A_5 : vector<1x64xf32> to vector<1x64xf32>
    %broadcast_in_dim3A_2371 = vector.broadcast %broadcast_in_dim3A_2370 : vector<1x64xf32> to vector<512x64xf32>
    %select_n3A_2372 = arith.select %broadcast_in_dim3A_2369, %get3A_2367, %broadcast_in_dim3A_2371 : vector<512x64xi1>, vector<512x64xf32>
    %swap3A_2373 = arith.constant 0 : index
    %swap3A_2374 = arith.constant 49 : index
    %swap3A_2375 = arith.constant 0 : index
    %swap3A_2376 = arith.constant 0 : index
    %swap3A_2377 = vector.load %arg5[%swap3A_2373, %swap3A_2374, %swap3A_2375, %swap3A_2376] : memref<1x64x512x64xf32, #tpu.memory_space<vmem>>, vector<1x1x512x64xf32>
    %swap3A_2378 = vector.shape_cast %swap3A_2377 : vector<1x1x512x64xf32> to vector<512x64xf32>
    %swap3A_2379 = vector.shape_cast %select_n3A_2372 : vector<512x64xf32> to vector<1x1x512x64xf32>
    tpu.vector_store %arg5[%swap3A_2373, %swap3A_2374, %swap3A_2375, %swap3A_2376], %swap3A_2379 {strides = array<i32>} : memref<1x64x512x64xf32, #tpu.memory_space<vmem>>, vector<1x1x512x64xf32>,
    %get3A_2380 = arith.constant 1026 : index
    %get3A_2381 = arith.constant 0 : index
    %get3A_2382 = vector.load %arg6[%get3A_2380, %get3A_2381] : memref<8320x64xf32, #tpu.memory_space<vmem>>, vector<1x64xf32>
    %swap3A_2383 = arith.constant 0 : index
    %swap3A_2384 = arith.constant 49 : index
    %swap3A_2385 = arith.constant 0 : index
    %swap3A_2386 = arith.constant 0 : index
    %swap3A_2387 = vector.load %arg5[%swap3A_2383, %swap3A_2384, %swap3A_2385, %swap3A_2386] : memref<1x64x512x64xf32, #tpu.memory_space<vmem>>, vector<1x1x1x64xf32>
    %swap3A_2388 = vector.shape_cast %swap3A_2387 : vector<1x1x1x64xf32> to vector<1x64xf32>
    %swap3A_2389 = vector.shape_cast %get3A_2382 : vector<1x64xf32> to vector<1x1x1x64xf32>
    tpu.vector_store %arg5[%swap3A_2383, %swap3A_2384, %swap3A_2385, %swap3A_2386], %swap3A_2389 {strides = array<i32>} : memref<1x64x512x64xf32, #tpu.memory_space<vmem>>, vector<1x1x1x64xf32>,
    %mul3A_2390 = arith.constant 64 : i32
    %mul3A_2391 = arith.muli %arg1, %mul3A_2390 : i32
    %add3A_2392 = arith.constant 50 : i32
    %add3A_2393 = arith.addi %mul3A_2391, %add3A_2392 : i32
    %get3A_2394 = arith.index_cast %arg0 : i32 to index
    %get3A_2395 = arith.index_cast %add3A_2393 : i32 to index
    %get3A_2396 = memref.load %arg3[%get3A_2394, %get3A_2395] : memref<4x512xi32, #tpu.memory_space<smem>>
    %get3A_2397 = arith.constant 0 : index
    %get3A_2398 = arith.constant 0 : index
    %get3A_2399 = arith.constant 0 : index
    %get3A_2400 = vector.load %arg4[%get3A_2397, %get3A_2398, %get3A_2399] : memref<1x512x1xi32, #tpu.memory_space<vmem>>, vector<1x512x1xi32>
    %get3A_2401 = vector.shape_cast %get3A_2400 : vector<1x512x1xi32> to vector<512x1xi32>
    %eq3A_2402 = vector.broadcast %get3A_2396 : i32 to vector<512x1xi32>
    %eq3A_2403 = arith.cmpi eq, %get3A_2401, %eq3A_2402 : vector<512x1xi32>
    %sub3A_2404 = arith.constant 511 : i32
    %sub3A_2405 = arith.subi %sub3A_2404, %add3A_2393 : i32
    %rem3A_2406 = arith.constant 8 : i32
    %rem3A_2407 = arith.remsi %sub3A_2405, %rem3A_2406 : i32
    %mul3A_2408 = arith.constant 1040 : i32
    %mul3A_2409 = arith.muli %rem3A_2407, %mul3A_2408 : i32
    %sub3A_2410 = arith.subi %sub3A_2405, %rem3A_2407 : i32
    %add3A_2411 = arith.addi %mul3A_2409, %sub3A_2410 : i32
    %multiple_of3A_2412 = tpu.assume_multiple %add3A_2411, 8 : i32
    %get3A_2413 = arith.index_cast %multiple_of3A_2412 : i32 to index
    %get3A_2414 = arith.constant 0 : index
    %get3A_2415 = vector.load %arg6[%get3A_2413, %get3A_2414] : memref<8320x64xf32, #tpu.memory_space<vmem>>, vector<512x64xf32>
    %broadcast_in_dim3A_2416 = vector.shape_cast %eq3A_2403 : vector<512x1xi1> to vector<512x1xi1>
    %broadcast_in_dim3A_2417 = vector.broadcast %broadcast_in_dim3A_2416 : vector<512x1xi1> to vector<512x64xi1>
    %broadcast_in_dim3A_2418 = vector.shape_cast %get3A_5 : vector<1x64xf32> to vector<1x64xf32>
    %broadcast_in_dim3A_2419 = vector.broadcast %broadcast_in_dim3A_2418 : vector<1x64xf32> to vector<512x64xf32>
    %select_n3A_2420 = arith.select %broadcast_in_dim3A_2417, %get3A_2415, %broadcast_in_dim3A_2419 : vector<512x64xi1>, vector<512x64xf32>
    %swap3A_2421 = arith.constant 0 : index
    %swap3A_2422 = arith.constant 50 : index
    %swap3A_2423 = arith.constant 0 : index
    %swap3A_2424 = arith.constant 0 : index
    %swap3A_2425 = vector.load %arg5[%swap3A_2421, %swap3A_2422, %swap3A_2423, %swap3A_2424] : memref<1x64x512x64xf32, #tpu.memory_space<vmem>>, vector<1x1x512x64xf32>
    %swap3A_2426 = vector.shape_cast %swap3A_2425 : vector<1x1x512x64xf32> to vector<512x64xf32>
    %swap3A_2427 = vector.shape_cast %select_n3A_2420 : vector<512x64xf32> to vector<1x1x512x64xf32>
    tpu.vector_store %arg5[%swap3A_2421, %swap3A_2422, %swap3A_2423, %swap3A_2424], %swap3A_2427 {strides = array<i32>} : memref<1x64x512x64xf32, #tpu.memory_space<vmem>>, vector<1x1x512x64xf32>,
    %get3A_2428 = arith.constant 1026 : index
    %get3A_2429 = arith.constant 0 : index
    %get3A_2430 = vector.load %arg6[%get3A_2428, %get3A_2429] : memref<8320x64xf32, #tpu.memory_space<vmem>>, vector<1x64xf32>
    %swap3A_2431 = arith.constant 0 : index
    %swap3A_2432 = arith.constant 50 : index
    %swap3A_2433 = arith.constant 0 : index
    %swap3A_2434 = arith.constant 0 : index
    %swap3A_2435 = vector.load %arg5[%swap3A_2431, %swap3A_2432, %swap3A_2433, %swap3A_2434] : memref<1x64x512x64xf32, #tpu.memory_space<vmem>>, vector<1x1x1x64xf32>
    %swap3A_2436 = vector.shape_cast %swap3A_2435 : vector<1x1x1x64xf32> to vector<1x64xf32>
    %swap3A_2437 = vector.shape_cast %get3A_2430 : vector<1x64xf32> to vector<1x1x1x64xf32>
    tpu.vector_store %arg5[%swap3A_2431, %swap3A_2432, %swap3A_2433, %swap3A_2434], %swap3A_2437 {strides = array<i32>} : memref<1x64x512x64xf32, #tpu.memory_space<vmem>>, vector<1x1x1x64xf32>,
    %mul3A_2438 = arith.constant 64 : i32
    %mul3A_2439 = arith.muli %arg1, %mul3A_2438 : i32
    %add3A_2440 = arith.constant 51 : i32
    %add3A_2441 = arith.addi %mul3A_2439, %add3A_2440 : i32
    %get3A_2442 = arith.index_cast %arg0 : i32 to index
    %get3A_2443 = arith.index_cast %add3A_2441 : i32 to index
    %get3A_2444 = memref.load %arg3[%get3A_2442, %get3A_2443] : memref<4x512xi32, #tpu.memory_space<smem>>
    %get3A_2445 = arith.constant 0 : index
    %get3A_2446 = arith.constant 0 : index
    %get3A_2447 = arith.constant 0 : index
    %get3A_2448 = vector.load %arg4[%get3A_2445, %get3A_2446, %get3A_2447] : memref<1x512x1xi32, #tpu.memory_space<vmem>>, vector<1x512x1xi32>
    %get3A_2449 = vector.shape_cast %get3A_2448 : vector<1x512x1xi32> to vector<512x1xi32>
    %eq3A_2450 = vector.broadcast %get3A_2444 : i32 to vector<512x1xi32>
    %eq3A_2451 = arith.cmpi eq, %get3A_2449, %eq3A_2450 : vector<512x1xi32>
    %sub3A_2452 = arith.constant 511 : i32
    %sub3A_2453 = arith.subi %sub3A_2452, %add3A_2441 : i32
    %rem3A_2454 = arith.constant 8 : i32
    %rem3A_2455 = arith.remsi %sub3A_2453, %rem3A_2454 : i32
    %mul3A_2456 = arith.constant 1040 : i32
    %mul3A_2457 = arith.muli %rem3A_2455, %mul3A_2456 : i32
    %sub3A_2458 = arith.subi %sub3A_2453, %rem3A_2455 : i32
    %add3A_2459 = arith.addi %mul3A_2457, %sub3A_2458 : i32
    %multiple_of3A_2460 = tpu.assume_multiple %add3A_2459, 8 : i32
    %get3A_2461 = arith.index_cast %multiple_of3A_2460 : i32 to index
    %get3A_2462 = arith.constant 0 : index
    %get3A_2463 = vector.load %arg6[%get3A_2461, %get3A_2462] : memref<8320x64xf32, #tpu.memory_space<vmem>>, vector<512x64xf32>
    %broadcast_in_dim3A_2464 = vector.shape_cast %eq3A_2451 : vector<512x1xi1> to vector<512x1xi1>
    %broadcast_in_dim3A_2465 = vector.broadcast %broadcast_in_dim3A_2464 : vector<512x1xi1> to vector<512x64xi1>
    %broadcast_in_dim3A_2466 = vector.shape_cast %get3A_5 : vector<1x64xf32> to vector<1x64xf32>
    %broadcast_in_dim3A_2467 = vector.broadcast %broadcast_in_dim3A_2466 : vector<1x64xf32> to vector<512x64xf32>
    %select_n3A_2468 = arith.select %broadcast_in_dim3A_2465, %get3A_2463, %broadcast_in_dim3A_2467 : vector<512x64xi1>, vector<512x64xf32>
    %swap3A_2469 = arith.constant 0 : index
    %swap3A_2470 = arith.constant 51 : index
    %swap3A_2471 = arith.constant 0 : index
    %swap3A_2472 = arith.constant 0 : index
    %swap3A_2473 = vector.load %arg5[%swap3A_2469, %swap3A_2470, %swap3A_2471, %swap3A_2472] : memref<1x64x512x64xf32, #tpu.memory_space<vmem>>, vector<1x1x512x64xf32>
    %swap3A_2474 = vector.shape_cast %swap3A_2473 : vector<1x1x512x64xf32> to vector<512x64xf32>
    %swap3A_2475 = vector.shape_cast %select_n3A_2468 : vector<512x64xf32> to vector<1x1x512x64xf32>
    tpu.vector_store %arg5[%swap3A_2469, %swap3A_2470, %swap3A_2471, %swap3A_2472], %swap3A_2475 {strides = array<i32>} : memref<1x64x512x64xf32, #tpu.memory_space<vmem>>, vector<1x1x512x64xf32>,
    %get3A_2476 = arith.constant 1026 : index
    %get3A_2477 = arith.constant 0 : index
    %get3A_2478 = vector.load %arg6[%get3A_2476, %get3A_2477] : memref<8320x64xf32, #tpu.memory_space<vmem>>, vector<1x64xf32>
    %swap3A_2479 = arith.constant 0 : index
    %swap3A_2480 = arith.constant 51 : index
    %swap3A_2481 = arith.constant 0 : index
    %swap3A_2482 = arith.constant 0 : index
    %swap3A_2483 = vector.load %arg5[%swap3A_2479, %swap3A_2480, %swap3A_2481, %swap3A_2482] : memref<1x64x512x64xf32, #tpu.memory_space<vmem>>, vector<1x1x1x64xf32>
    %swap3A_2484 = vector.shape_cast %swap3A_2483 : vector<1x1x1x64xf32> to vector<1x64xf32>
    %swap3A_2485 = vector.shape_cast %get3A_2478 : vector<1x64xf32> to vector<1x1x1x64xf32>
    tpu.vector_store %arg5[%swap3A_2479, %swap3A_2480, %swap3A_2481, %swap3A_2482], %swap3A_2485 {strides = array<i32>} : memref<1x64x512x64xf32, #tpu.memory_space<vmem>>, vector<1x1x1x64xf32>,
    %mul3A_2486 = arith.constant 64 : i32
    %mul3A_2487 = arith.muli %arg1, %mul3A_2486 : i32
    %add3A_2488 = arith.constant 52 : i32
    %add3A_2489 = arith.addi %mul3A_2487, %add3A_2488 : i32
    %get3A_2490 = arith.index_cast %arg0 : i32 to index
    %get3A_2491 = arith.index_cast %add3A_2489 : i32 to index
    %get3A_2492 = memref.load %arg3[%get3A_2490, %get3A_2491] : memref<4x512xi32, #tpu.memory_space<smem>>
    %get3A_2493 = arith.constant 0 : index
    %get3A_2494 = arith.constant 0 : index
    %get3A_2495 = arith.constant 0 : index
    %get3A_2496 = vector.load %arg4[%get3A_2493, %get3A_2494, %get3A_2495] : memref<1x512x1xi32, #tpu.memory_space<vmem>>, vector<1x512x1xi32>
    %get3A_2497 = vector.shape_cast %get3A_2496 : vector<1x512x1xi32> to vector<512x1xi32>
    %eq3A_2498 = vector.broadcast %get3A_2492 : i32 to vector<512x1xi32>
    %eq3A_2499 = arith.cmpi eq, %get3A_2497, %eq3A_2498 : vector<512x1xi32>
    %sub3A_2500 = arith.constant 511 : i32
    %sub3A_2501 = arith.subi %sub3A_2500, %add3A_2489 : i32
    %rem3A_2502 = arith.constant 8 : i32
    %rem3A_2503 = arith.remsi %sub3A_2501, %rem3A_2502 : i32
    %mul3A_2504 = arith.constant 1040 : i32
    %mul3A_2505 = arith.muli %rem3A_2503, %mul3A_2504 : i32
    %sub3A_2506 = arith.subi %sub3A_2501, %rem3A_2503 : i32
    %add3A_2507 = arith.addi %mul3A_2505, %sub3A_2506 : i32
    %multiple_of3A_2508 = tpu.assume_multiple %add3A_2507, 8 : i32
    %get3A_2509 = arith.index_cast %multiple_of3A_2508 : i32 to index
    %get3A_2510 = arith.constant 0 : index
    %get3A_2511 = vector.load %arg6[%get3A_2509, %get3A_2510] : memref<8320x64xf32, #tpu.memory_space<vmem>>, vector<512x64xf32>
    %broadcast_in_dim3A_2512 = vector.shape_cast %eq3A_2499 : vector<512x1xi1> to vector<512x1xi1>
    %broadcast_in_dim3A_2513 = vector.broadcast %broadcast_in_dim3A_2512 : vector<512x1xi1> to vector<512x64xi1>
    %broadcast_in_dim3A_2514 = vector.shape_cast %get3A_5 : vector<1x64xf32> to vector<1x64xf32>
    %broadcast_in_dim3A_2515 = vector.broadcast %broadcast_in_dim3A_2514 : vector<1x64xf32> to vector<512x64xf32>
    %select_n3A_2516 = arith.select %broadcast_in_dim3A_2513, %get3A_2511, %broadcast_in_dim3A_2515 : vector<512x64xi1>, vector<512x64xf32>
    %swap3A_2517 = arith.constant 0 : index
    %swap3A_2518 = arith.constant 52 : index
    %swap3A_2519 = arith.constant 0 : index
    %swap3A_2520 = arith.constant 0 : index
    %swap3A_2521 = vector.load %arg5[%swap3A_2517, %swap3A_2518, %swap3A_2519, %swap3A_2520] : memref<1x64x512x64xf32, #tpu.memory_space<vmem>>, vector<1x1x512x64xf32>
    %swap3A_2522 = vector.shape_cast %swap3A_2521 : vector<1x1x512x64xf32> to vector<512x64xf32>
    %swap3A_2523 = vector.shape_cast %select_n3A_2516 : vector<512x64xf32> to vector<1x1x512x64xf32>
    tpu.vector_store %arg5[%swap3A_2517, %swap3A_2518, %swap3A_2519, %swap3A_2520], %swap3A_2523 {strides = array<i32>} : memref<1x64x512x64xf32, #tpu.memory_space<vmem>>, vector<1x1x512x64xf32>,
    %get3A_2524 = arith.constant 1026 : index
    %get3A_2525 = arith.constant 0 : index
    %get3A_2526 = vector.load %arg6[%get3A_2524, %get3A_2525] : memref<8320x64xf32, #tpu.memory_space<vmem>>, vector<1x64xf32>
    %swap3A_2527 = arith.constant 0 : index
    %swap3A_2528 = arith.constant 52 : index
    %swap3A_2529 = arith.constant 0 : index
    %swap3A_2530 = arith.constant 0 : index
    %swap3A_2531 = vector.load %arg5[%swap3A_2527, %swap3A_2528, %swap3A_2529, %swap3A_2530] : memref<1x64x512x64xf32, #tpu.memory_space<vmem>>, vector<1x1x1x64xf32>
    %swap3A_2532 = vector.shape_cast %swap3A_2531 : vector<1x1x1x64xf32> to vector<1x64xf32>
    %swap3A_2533 = vector.shape_cast %get3A_2526 : vector<1x64xf32> to vector<1x1x1x64xf32>
    tpu.vector_store %arg5[%swap3A_2527, %swap3A_2528, %swap3A_2529, %swap3A_2530], %swap3A_2533 {strides = array<i32>} : memref<1x64x512x64xf32, #tpu.memory_space<vmem>>, vector<1x1x1x64xf32>,
    %mul3A_2534 = arith.constant 64 : i32
    %mul3A_2535 = arith.muli %arg1, %mul3A_2534 : i32
    %add3A_2536 = arith.constant 53 : i32
    %add3A_2537 = arith.addi %mul3A_2535, %add3A_2536 : i32
    %get3A_2538 = arith.index_cast %arg0 : i32 to index
    %get3A_2539 = arith.index_cast %add3A_2537 : i32 to index
    %get3A_2540 = memref.load %arg3[%get3A_2538, %get3A_2539] : memref<4x512xi32, #tpu.memory_space<smem>>
    %get3A_2541 = arith.constant 0 : index
    %get3A_2542 = arith.constant 0 : index
    %get3A_2543 = arith.constant 0 : index
    %get3A_2544 = vector.load %arg4[%get3A_2541, %get3A_2542, %get3A_2543] : memref<1x512x1xi32, #tpu.memory_space<vmem>>, vector<1x512x1xi32>
    %get3A_2545 = vector.shape_cast %get3A_2544 : vector<1x512x1xi32> to vector<512x1xi32>
    %eq3A_2546 = vector.broadcast %get3A_2540 : i32 to vector<512x1xi32>
    %eq3A_2547 = arith.cmpi eq, %get3A_2545, %eq3A_2546 : vector<512x1xi32>
    %sub3A_2548 = arith.constant 511 : i32
    %sub3A_2549 = arith.subi %sub3A_2548, %add3A_2537 : i32
    %rem3A_2550 = arith.constant 8 : i32
    %rem3A_2551 = arith.remsi %sub3A_2549, %rem3A_2550 : i32
    %mul3A_2552 = arith.constant 1040 : i32
    %mul3A_2553 = arith.muli %rem3A_2551, %mul3A_2552 : i32
    %sub3A_2554 = arith.subi %sub3A_2549, %rem3A_2551 : i32
    %add3A_2555 = arith.addi %mul3A_2553, %sub3A_2554 : i32
    %multiple_of3A_2556 = tpu.assume_multiple %add3A_2555, 8 : i32
    %get3A_2557 = arith.index_cast %multiple_of3A_2556 : i32 to index
    %get3A_2558 = arith.constant 0 : index
    %get3A_2559 = vector.load %arg6[%get3A_2557, %get3A_2558] : memref<8320x64xf32, #tpu.memory_space<vmem>>, vector<512x64xf32>
    %broadcast_in_dim3A_2560 = vector.shape_cast %eq3A_2547 : vector<512x1xi1> to vector<512x1xi1>
    %broadcast_in_dim3A_2561 = vector.broadcast %broadcast_in_dim3A_2560 : vector<512x1xi1> to vector<512x64xi1>
    %broadcast_in_dim3A_2562 = vector.shape_cast %get3A_5 : vector<1x64xf32> to vector<1x64xf32>
    %broadcast_in_dim3A_2563 = vector.broadcast %broadcast_in_dim3A_2562 : vector<1x64xf32> to vector<512x64xf32>
    %select_n3A_2564 = arith.select %broadcast_in_dim3A_2561, %get3A_2559, %broadcast_in_dim3A_2563 : vector<512x64xi1>, vector<512x64xf32>
    %swap3A_2565 = arith.constant 0 : index
    %swap3A_2566 = arith.constant 53 : index
    %swap3A_2567 = arith.constant 0 : index
    %swap3A_2568 = arith.constant 0 : index
    %swap3A_2569 = vector.load %arg5[%swap3A_2565, %swap3A_2566, %swap3A_2567, %swap3A_2568] : memref<1x64x512x64xf32, #tpu.memory_space<vmem>>, vector<1x1x512x64xf32>
    %swap3A_2570 = vector.shape_cast %swap3A_2569 : vector<1x1x512x64xf32> to vector<512x64xf32>
    %swap3A_2571 = vector.shape_cast %select_n3A_2564 : vector<512x64xf32> to vector<1x1x512x64xf32>
    tpu.vector_store %arg5[%swap3A_2565, %swap3A_2566, %swap3A_2567, %swap3A_2568], %swap3A_2571 {strides = array<i32>} : memref<1x64x512x64xf32, #tpu.memory_space<vmem>>, vector<1x1x512x64xf32>,
    %get3A_2572 = arith.constant 1026 : index
    %get3A_2573 = arith.constant 0 : index
    %get3A_2574 = vector.load %arg6[%get3A_2572, %get3A_2573] : memref<8320x64xf32, #tpu.memory_space<vmem>>, vector<1x64xf32>
    %swap3A_2575 = arith.constant 0 : index
    %swap3A_2576 = arith.constant 53 : index
    %swap3A_2577 = arith.constant 0 : index
    %swap3A_2578 = arith.constant 0 : index
    %swap3A_2579 = vector.load %arg5[%swap3A_2575, %swap3A_2576, %swap3A_2577, %swap3A_2578] : memref<1x64x512x64xf32, #tpu.memory_space<vmem>>, vector<1x1x1x64xf32>
    %swap3A_2580 = vector.shape_cast %swap3A_2579 : vector<1x1x1x64xf32> to vector<1x64xf32>
    %swap3A_2581 = vector.shape_cast %get3A_2574 : vector<1x64xf32> to vector<1x1x1x64xf32>
    tpu.vector_store %arg5[%swap3A_2575, %swap3A_2576, %swap3A_2577, %swap3A_2578], %swap3A_2581 {strides = array<i32>} : memref<1x64x512x64xf32, #tpu.memory_space<vmem>>, vector<1x1x1x64xf32>,
    %mul3A_2582 = arith.constant 64 : i32
    %mul3A_2583 = arith.muli %arg1, %mul3A_2582 : i32
    %add3A_2584 = arith.constant 54 : i32
    %add3A_2585 = arith.addi %mul3A_2583, %add3A_2584 : i32
    %get3A_2586 = arith.index_cast %arg0 : i32 to index
    %get3A_2587 = arith.index_cast %add3A_2585 : i32 to index
    %get3A_2588 = memref.load %arg3[%get3A_2586, %get3A_2587] : memref<4x512xi32, #tpu.memory_space<smem>>
    %get3A_2589 = arith.constant 0 : index
    %get3A_2590 = arith.constant 0 : index
    %get3A_2591 = arith.constant 0 : index
    %get3A_2592 = vector.load %arg4[%get3A_2589, %get3A_2590, %get3A_2591] : memref<1x512x1xi32, #tpu.memory_space<vmem>>, vector<1x512x1xi32>
    %get3A_2593 = vector.shape_cast %get3A_2592 : vector<1x512x1xi32> to vector<512x1xi32>
    %eq3A_2594 = vector.broadcast %get3A_2588 : i32 to vector<512x1xi32>
    %eq3A_2595 = arith.cmpi eq, %get3A_2593, %eq3A_2594 : vector<512x1xi32>
    %sub3A_2596 = arith.constant 511 : i32
    %sub3A_2597 = arith.subi %sub3A_2596, %add3A_2585 : i32
    %rem3A_2598 = arith.constant 8 : i32
    %rem3A_2599 = arith.remsi %sub3A_2597, %rem3A_2598 : i32
    %mul3A_2600 = arith.constant 1040 : i32
    %mul3A_2601 = arith.muli %rem3A_2599, %mul3A_2600 : i32
    %sub3A_2602 = arith.subi %sub3A_2597, %rem3A_2599 : i32
    %add3A_2603 = arith.addi %mul3A_2601, %sub3A_2602 : i32
    %multiple_of3A_2604 = tpu.assume_multiple %add3A_2603, 8 : i32
    %get3A_2605 = arith.index_cast %multiple_of3A_2604 : i32 to index
    %get3A_2606 = arith.constant 0 : index
    %get3A_2607 = vector.load %arg6[%get3A_2605, %get3A_2606] : memref<8320x64xf32, #tpu.memory_space<vmem>>, vector<512x64xf32>
    %broadcast_in_dim3A_2608 = vector.shape_cast %eq3A_2595 : vector<512x1xi1> to vector<512x1xi1>
    %broadcast_in_dim3A_2609 = vector.broadcast %broadcast_in_dim3A_2608 : vector<512x1xi1> to vector<512x64xi1>
    %broadcast_in_dim3A_2610 = vector.shape_cast %get3A_5 : vector<1x64xf32> to vector<1x64xf32>
    %broadcast_in_dim3A_2611 = vector.broadcast %broadcast_in_dim3A_2610 : vector<1x64xf32> to vector<512x64xf32>
    %select_n3A_2612 = arith.select %broadcast_in_dim3A_2609, %get3A_2607, %broadcast_in_dim3A_2611 : vector<512x64xi1>, vector<512x64xf32>
    %swap3A_2613 = arith.constant 0 : index
    %swap3A_2614 = arith.constant 54 : index
    %swap3A_2615 = arith.constant 0 : index
    %swap3A_2616 = arith.constant 0 : index
    %swap3A_2617 = vector.load %arg5[%swap3A_2613, %swap3A_2614, %swap3A_2615, %swap3A_2616] : memref<1x64x512x64xf32, #tpu.memory_space<vmem>>, vector<1x1x512x64xf32>
    %swap3A_2618 = vector.shape_cast %swap3A_2617 : vector<1x1x512x64xf32> to vector<512x64xf32>
    %swap3A_2619 = vector.shape_cast %select_n3A_2612 : vector<512x64xf32> to vector<1x1x512x64xf32>
    tpu.vector_store %arg5[%swap3A_2613, %swap3A_2614, %swap3A_2615, %swap3A_2616], %swap3A_2619 {strides = array<i32>} : memref<1x64x512x64xf32, #tpu.memory_space<vmem>>, vector<1x1x512x64xf32>,
    %get3A_2620 = arith.constant 1026 : index
    %get3A_2621 = arith.constant 0 : index
    %get3A_2622 = vector.load %arg6[%get3A_2620, %get3A_2621] : memref<8320x64xf32, #tpu.memory_space<vmem>>, vector<1x64xf32>
    %swap3A_2623 = arith.constant 0 : index
    %swap3A_2624 = arith.constant 54 : index
    %swap3A_2625 = arith.constant 0 : index
    %swap3A_2626 = arith.constant 0 : index
    %swap3A_2627 = vector.load %arg5[%swap3A_2623, %swap3A_2624, %swap3A_2625, %swap3A_2626] : memref<1x64x512x64xf32, #tpu.memory_space<vmem>>, vector<1x1x1x64xf32>
    %swap3A_2628 = vector.shape_cast %swap3A_2627 : vector<1x1x1x64xf32> to vector<1x64xf32>
    %swap3A_2629 = vector.shape_cast %get3A_2622 : vector<1x64xf32> to vector<1x1x1x64xf32>
    tpu.vector_store %arg5[%swap3A_2623, %swap3A_2624, %swap3A_2625, %swap3A_2626], %swap3A_2629 {strides = array<i32>} : memref<1x64x512x64xf32, #tpu.memory_space<vmem>>, vector<1x1x1x64xf32>,
    %mul3A_2630 = arith.constant 64 : i32
    %mul3A_2631 = arith.muli %arg1, %mul3A_2630 : i32
    %add3A_2632 = arith.constant 55 : i32
    %add3A_2633 = arith.addi %mul3A_2631, %add3A_2632 : i32
    %get3A_2634 = arith.index_cast %arg0 : i32 to index
    %get3A_2635 = arith.index_cast %add3A_2633 : i32 to index
    %get3A_2636 = memref.load %arg3[%get3A_2634, %get3A_2635] : memref<4x512xi32, #tpu.memory_space<smem>>
    %get3A_2637 = arith.constant 0 : index
    %get3A_2638 = arith.constant 0 : index
    %get3A_2639 = arith.constant 0 : index
    %get3A_2640 = vector.load %arg4[%get3A_2637, %get3A_2638, %get3A_2639] : memref<1x512x1xi32, #tpu.memory_space<vmem>>, vector<1x512x1xi32>
    %get3A_2641 = vector.shape_cast %get3A_2640 : vector<1x512x1xi32> to vector<512x1xi32>
    %eq3A_2642 = vector.broadcast %get3A_2636 : i32 to vector<512x1xi32>
    %eq3A_2643 = arith.cmpi eq, %get3A_2641, %eq3A_2642 : vector<512x1xi32>
    %sub3A_2644 = arith.constant 511 : i32
    %sub3A_2645 = arith.subi %sub3A_2644, %add3A_2633 : i32
    %rem3A_2646 = arith.constant 8 : i32
    %rem3A_2647 = arith.remsi %sub3A_2645, %rem3A_2646 : i32
    %mul3A_2648 = arith.constant 1040 : i32
    %mul3A_2649 = arith.muli %rem3A_2647, %mul3A_2648 : i32
    %sub3A_2650 = arith.subi %sub3A_2645, %rem3A_2647 : i32
    %add3A_2651 = arith.addi %mul3A_2649, %sub3A_2650 : i32
    %multiple_of3A_2652 = tpu.assume_multiple %add3A_2651, 8 : i32
    %get3A_2653 = arith.index_cast %multiple_of3A_2652 : i32 to index
    %get3A_2654 = arith.constant 0 : index
    %get3A_2655 = vector.load %arg6[%get3A_2653, %get3A_2654] : memref<8320x64xf32, #tpu.memory_space<vmem>>, vector<512x64xf32>
    %broadcast_in_dim3A_2656 = vector.shape_cast %eq3A_2643 : vector<512x1xi1> to vector<512x1xi1>
    %broadcast_in_dim3A_2657 = vector.broadcast %broadcast_in_dim3A_2656 : vector<512x1xi1> to vector<512x64xi1>
    %broadcast_in_dim3A_2658 = vector.shape_cast %get3A_5 : vector<1x64xf32> to vector<1x64xf32>
    %broadcast_in_dim3A_2659 = vector.broadcast %broadcast_in_dim3A_2658 : vector<1x64xf32> to vector<512x64xf32>
    %select_n3A_2660 = arith.select %broadcast_in_dim3A_2657, %get3A_2655, %broadcast_in_dim3A_2659 : vector<512x64xi1>, vector<512x64xf32>
    %swap3A_2661 = arith.constant 0 : index
    %swap3A_2662 = arith.constant 55 : index
    %swap3A_2663 = arith.constant 0 : index
    %swap3A_2664 = arith.constant 0 : index
    %swap3A_2665 = vector.load %arg5[%swap3A_2661, %swap3A_2662, %swap3A_2663, %swap3A_2664] : memref<1x64x512x64xf32, #tpu.memory_space<vmem>>, vector<1x1x512x64xf32>
    %swap3A_2666 = vector.shape_cast %swap3A_2665 : vector<1x1x512x64xf32> to vector<512x64xf32>
    %swap3A_2667 = vector.shape_cast %select_n3A_2660 : vector<512x64xf32> to vector<1x1x512x64xf32>
    tpu.vector_store %arg5[%swap3A_2661, %swap3A_2662, %swap3A_2663, %swap3A_2664], %swap3A_2667 {strides = array<i32>} : memref<1x64x512x64xf32, #tpu.memory_space<vmem>>, vector<1x1x512x64xf32>,
    %get3A_2668 = arith.constant 1026 : index
    %get3A_2669 = arith.constant 0 : index
    %get3A_2670 = vector.load %arg6[%get3A_2668, %get3A_2669] : memref<8320x64xf32, #tpu.memory_space<vmem>>, vector<1x64xf32>
    %swap3A_2671 = arith.constant 0 : index
    %swap3A_2672 = arith.constant 55 : index
    %swap3A_2673 = arith.constant 0 : index
    %swap3A_2674 = arith.constant 0 : index
    %swap3A_2675 = vector.load %arg5[%swap3A_2671, %swap3A_2672, %swap3A_2673, %swap3A_2674] : memref<1x64x512x64xf32, #tpu.memory_space<vmem>>, vector<1x1x1x64xf32>
    %swap3A_2676 = vector.shape_cast %swap3A_2675 : vector<1x1x1x64xf32> to vector<1x64xf32>
    %swap3A_2677 = vector.shape_cast %get3A_2670 : vector<1x64xf32> to vector<1x1x1x64xf32>
    tpu.vector_store %arg5[%swap3A_2671, %swap3A_2672, %swap3A_2673, %swap3A_2674], %swap3A_2677 {strides = array<i32>} : memref<1x64x512x64xf32, #tpu.memory_space<vmem>>, vector<1x1x1x64xf32>,
    %mul3A_2678 = arith.constant 64 : i32
    %mul3A_2679 = arith.muli %arg1, %mul3A_2678 : i32
    %add3A_2680 = arith.constant 56 : i32
    %add3A_2681 = arith.addi %mul3A_2679, %add3A_2680 : i32
    %get3A_2682 = arith.index_cast %arg0 : i32 to index
    %get3A_2683 = arith.index_cast %add3A_2681 : i32 to index
    %get3A_2684 = memref.load %arg3[%get3A_2682, %get3A_2683] : memref<4x512xi32, #tpu.memory_space<smem>>
    %get3A_2685 = arith.constant 0 : index
    %get3A_2686 = arith.constant 0 : index
    %get3A_2687 = arith.constant 0 : index
    %get3A_2688 = vector.load %arg4[%get3A_2685, %get3A_2686, %get3A_2687] : memref<1x512x1xi32, #tpu.memory_space<vmem>>, vector<1x512x1xi32>
    %get3A_2689 = vector.shape_cast %get3A_2688 : vector<1x512x1xi32> to vector<512x1xi32>
    %eq3A_2690 = vector.broadcast %get3A_2684 : i32 to vector<512x1xi32>
    %eq3A_2691 = arith.cmpi eq, %get3A_2689, %eq3A_2690 : vector<512x1xi32>
    %sub3A_2692 = arith.constant 511 : i32
    %sub3A_2693 = arith.subi %sub3A_2692, %add3A_2681 : i32
    %rem3A_2694 = arith.constant 8 : i32
    %rem3A_2695 = arith.remsi %sub3A_2693, %rem3A_2694 : i32
    %mul3A_2696 = arith.constant 1040 : i32
    %mul3A_2697 = arith.muli %rem3A_2695, %mul3A_2696 : i32
    %sub3A_2698 = arith.subi %sub3A_2693, %rem3A_2695 : i32
    %add3A_2699 = arith.addi %mul3A_2697, %sub3A_2698 : i32
    %multiple_of3A_2700 = tpu.assume_multiple %add3A_2699, 8 : i32
    %get3A_2701 = arith.index_cast %multiple_of3A_2700 : i32 to index
    %get3A_2702 = arith.constant 0 : index
    %get3A_2703 = vector.load %arg6[%get3A_2701, %get3A_2702] : memref<8320x64xf32, #tpu.memory_space<vmem>>, vector<512x64xf32>
    %broadcast_in_dim3A_2704 = vector.shape_cast %eq3A_2691 : vector<512x1xi1> to vector<512x1xi1>
    %broadcast_in_dim3A_2705 = vector.broadcast %broadcast_in_dim3A_2704 : vector<512x1xi1> to vector<512x64xi1>
    %broadcast_in_dim3A_2706 = vector.shape_cast %get3A_5 : vector<1x64xf32> to vector<1x64xf32>
    %broadcast_in_dim3A_2707 = vector.broadcast %broadcast_in_dim3A_2706 : vector<1x64xf32> to vector<512x64xf32>
    %select_n3A_2708 = arith.select %broadcast_in_dim3A_2705, %get3A_2703, %broadcast_in_dim3A_2707 : vector<512x64xi1>, vector<512x64xf32>
    %swap3A_2709 = arith.constant 0 : index
    %swap3A_2710 = arith.constant 56 : index
    %swap3A_2711 = arith.constant 0 : index
    %swap3A_2712 = arith.constant 0 : index
    %swap3A_2713 = vector.load %arg5[%swap3A_2709, %swap3A_2710, %swap3A_2711, %swap3A_2712] : memref<1x64x512x64xf32, #tpu.memory_space<vmem>>, vector<1x1x512x64xf32>
    %swap3A_2714 = vector.shape_cast %swap3A_2713 : vector<1x1x512x64xf32> to vector<512x64xf32>
    %swap3A_2715 = vector.shape_cast %select_n3A_2708 : vector<512x64xf32> to vector<1x1x512x64xf32>
    tpu.vector_store %arg5[%swap3A_2709, %swap3A_2710, %swap3A_2711, %swap3A_2712], %swap3A_2715 {strides = array<i32>} : memref<1x64x512x64xf32, #tpu.memory_space<vmem>>, vector<1x1x512x64xf32>,
    %get3A_2716 = arith.constant 1026 : index
    %get3A_2717 = arith.constant 0 : index
    %get3A_2718 = vector.load %arg6[%get3A_2716, %get3A_2717] : memref<8320x64xf32, #tpu.memory_space<vmem>>, vector<1x64xf32>
    %swap3A_2719 = arith.constant 0 : index
    %swap3A_2720 = arith.constant 56 : index
    %swap3A_2721 = arith.constant 0 : index
    %swap3A_2722 = arith.constant 0 : index
    %swap3A_2723 = vector.load %arg5[%swap3A_2719, %swap3A_2720, %swap3A_2721, %swap3A_2722] : memref<1x64x512x64xf32, #tpu.memory_space<vmem>>, vector<1x1x1x64xf32>
    %swap3A_2724 = vector.shape_cast %swap3A_2723 : vector<1x1x1x64xf32> to vector<1x64xf32>
    %swap3A_2725 = vector.shape_cast %get3A_2718 : vector<1x64xf32> to vector<1x1x1x64xf32>
    tpu.vector_store %arg5[%swap3A_2719, %swap3A_2720, %swap3A_2721, %swap3A_2722], %swap3A_2725 {strides = array<i32>} : memref<1x64x512x64xf32, #tpu.memory_space<vmem>>, vector<1x1x1x64xf32>,
    %mul3A_2726 = arith.constant 64 : i32
    %mul3A_2727 = arith.muli %arg1, %mul3A_2726 : i32
    %add3A_2728 = arith.constant 57 : i32
    %add3A_2729 = arith.addi %mul3A_2727, %add3A_2728 : i32
    %get3A_2730 = arith.index_cast %arg0 : i32 to index
    %get3A_2731 = arith.index_cast %add3A_2729 : i32 to index
    %get3A_2732 = memref.load %arg3[%get3A_2730, %get3A_2731] : memref<4x512xi32, #tpu.memory_space<smem>>
    %get3A_2733 = arith.constant 0 : index
    %get3A_2734 = arith.constant 0 : index
    %get3A_2735 = arith.constant 0 : index
    %get3A_2736 = vector.load %arg4[%get3A_2733, %get3A_2734, %get3A_2735] : memref<1x512x1xi32, #tpu.memory_space<vmem>>, vector<1x512x1xi32>
    %get3A_2737 = vector.shape_cast %get3A_2736 : vector<1x512x1xi32> to vector<512x1xi32>
    %eq3A_2738 = vector.broadcast %get3A_2732 : i32 to vector<512x1xi32>
    %eq3A_2739 = arith.cmpi eq, %get3A_2737, %eq3A_2738 : vector<512x1xi32>
    %sub3A_2740 = arith.constant 511 : i32
    %sub3A_2741 = arith.subi %sub3A_2740, %add3A_2729 : i32
    %rem3A_2742 = arith.constant 8 : i32
    %rem3A_2743 = arith.remsi %sub3A_2741, %rem3A_2742 : i32
    %mul3A_2744 = arith.constant 1040 : i32
    %mul3A_2745 = arith.muli %rem3A_2743, %mul3A_2744 : i32
    %sub3A_2746 = arith.subi %sub3A_2741, %rem3A_2743 : i32
    %add3A_2747 = arith.addi %mul3A_2745, %sub3A_2746 : i32
    %multiple_of3A_2748 = tpu.assume_multiple %add3A_2747, 8 : i32
    %get3A_2749 = arith.index_cast %multiple_of3A_2748 : i32 to index
    %get3A_2750 = arith.constant 0 : index
    %get3A_2751 = vector.load %arg6[%get3A_2749, %get3A_2750] : memref<8320x64xf32, #tpu.memory_space<vmem>>, vector<512x64xf32>
    %broadcast_in_dim3A_2752 = vector.shape_cast %eq3A_2739 : vector<512x1xi1> to vector<512x1xi1>
    %broadcast_in_dim3A_2753 = vector.broadcast %broadcast_in_dim3A_2752 : vector<512x1xi1> to vector<512x64xi1>
    %broadcast_in_dim3A_2754 = vector.shape_cast %get3A_5 : vector<1x64xf32> to vector<1x64xf32>
    %broadcast_in_dim3A_2755 = vector.broadcast %broadcast_in_dim3A_2754 : vector<1x64xf32> to vector<512x64xf32>
    %select_n3A_2756 = arith.select %broadcast_in_dim3A_2753, %get3A_2751, %broadcast_in_dim3A_2755 : vector<512x64xi1>, vector<512x64xf32>
    %swap3A_2757 = arith.constant 0 : index
    %swap3A_2758 = arith.constant 57 : index
    %swap3A_2759 = arith.constant 0 : index
    %swap3A_2760 = arith.constant 0 : index
    %swap3A_2761 = vector.load %arg5[%swap3A_2757, %swap3A_2758, %swap3A_2759, %swap3A_2760] : memref<1x64x512x64xf32, #tpu.memory_space<vmem>>, vector<1x1x512x64xf32>
    %swap3A_2762 = vector.shape_cast %swap3A_2761 : vector<1x1x512x64xf32> to vector<512x64xf32>
    %swap3A_2763 = vector.shape_cast %select_n3A_2756 : vector<512x64xf32> to vector<1x1x512x64xf32>
    tpu.vector_store %arg5[%swap3A_2757, %swap3A_2758, %swap3A_2759, %swap3A_2760], %swap3A_2763 {strides = array<i32>} : memref<1x64x512x64xf32, #tpu.memory_space<vmem>>, vector<1x1x512x64xf32>,
    %get3A_2764 = arith.constant 1026 : index
    %get3A_2765 = arith.constant 0 : index
    %get3A_2766 = vector.load %arg6[%get3A_2764, %get3A_2765] : memref<8320x64xf32, #tpu.memory_space<vmem>>, vector<1x64xf32>
    %swap3A_2767 = arith.constant 0 : index
    %swap3A_2768 = arith.constant 57 : index
    %swap3A_2769 = arith.constant 0 : index
    %swap3A_2770 = arith.constant 0 : index
    %swap3A_2771 = vector.load %arg5[%swap3A_2767, %swap3A_2768, %swap3A_2769, %swap3A_2770] : memref<1x64x512x64xf32, #tpu.memory_space<vmem>>, vector<1x1x1x64xf32>
    %swap3A_2772 = vector.shape_cast %swap3A_2771 : vector<1x1x1x64xf32> to vector<1x64xf32>
    %swap3A_2773 = vector.shape_cast %get3A_2766 : vector<1x64xf32> to vector<1x1x1x64xf32>
    tpu.vector_store %arg5[%swap3A_2767, %swap3A_2768, %swap3A_2769, %swap3A_2770], %swap3A_2773 {strides = array<i32>} : memref<1x64x512x64xf32, #tpu.memory_space<vmem>>, vector<1x1x1x64xf32>,
    %mul3A_2774 = arith.constant 64 : i32
    %mul3A_2775 = arith.muli %arg1, %mul3A_2774 : i32
    %add3A_2776 = arith.constant 58 : i32
    %add3A_2777 = arith.addi %mul3A_2775, %add3A_2776 : i32
    %get3A_2778 = arith.index_cast %arg0 : i32 to index
    %get3A_2779 = arith.index_cast %add3A_2777 : i32 to index
    %get3A_2780 = memref.load %arg3[%get3A_2778, %get3A_2779] : memref<4x512xi32, #tpu.memory_space<smem>>
    %get3A_2781 = arith.constant 0 : index
    %get3A_2782 = arith.constant 0 : index
    %get3A_2783 = arith.constant 0 : index
    %get3A_2784 = vector.load %arg4[%get3A_2781, %get3A_2782, %get3A_2783] : memref<1x512x1xi32, #tpu.memory_space<vmem>>, vector<1x512x1xi32>
    %get3A_2785 = vector.shape_cast %get3A_2784 : vector<1x512x1xi32> to vector<512x1xi32>
    %eq3A_2786 = vector.broadcast %get3A_2780 : i32 to vector<512x1xi32>
    %eq3A_2787 = arith.cmpi eq, %get3A_2785, %eq3A_2786 : vector<512x1xi32>
    %sub3A_2788 = arith.constant 511 : i32
    %sub3A_2789 = arith.subi %sub3A_2788, %add3A_2777 : i32
    %rem3A_2790 = arith.constant 8 : i32
    %rem3A_2791 = arith.remsi %sub3A_2789, %rem3A_2790 : i32
    %mul3A_2792 = arith.constant 1040 : i32
    %mul3A_2793 = arith.muli %rem3A_2791, %mul3A_2792 : i32
    %sub3A_2794 = arith.subi %sub3A_2789, %rem3A_2791 : i32
    %add3A_2795 = arith.addi %mul3A_2793, %sub3A_2794 : i32
    %multiple_of3A_2796 = tpu.assume_multiple %add3A_2795, 8 : i32
    %get3A_2797 = arith.index_cast %multiple_of3A_2796 : i32 to index
    %get3A_2798 = arith.constant 0 : index
    %get3A_2799 = vector.load %arg6[%get3A_2797, %get3A_2798] : memref<8320x64xf32, #tpu.memory_space<vmem>>, vector<512x64xf32>
    %broadcast_in_dim3A_2800 = vector.shape_cast %eq3A_2787 : vector<512x1xi1> to vector<512x1xi1>
    %broadcast_in_dim3A_2801 = vector.broadcast %broadcast_in_dim3A_2800 : vector<512x1xi1> to vector<512x64xi1>
    %broadcast_in_dim3A_2802 = vector.shape_cast %get3A_5 : vector<1x64xf32> to vector<1x64xf32>
    %broadcast_in_dim3A_2803 = vector.broadcast %broadcast_in_dim3A_2802 : vector<1x64xf32> to vector<512x64xf32>
    %select_n3A_2804 = arith.select %broadcast_in_dim3A_2801, %get3A_2799, %broadcast_in_dim3A_2803 : vector<512x64xi1>, vector<512x64xf32>
    %swap3A_2805 = arith.constant 0 : index
    %swap3A_2806 = arith.constant 58 : index
    %swap3A_2807 = arith.constant 0 : index
    %swap3A_2808 = arith.constant 0 : index
    %swap3A_2809 = vector.load %arg5[%swap3A_2805, %swap3A_2806, %swap3A_2807, %swap3A_2808] : memref<1x64x512x64xf32, #tpu.memory_space<vmem>>, vector<1x1x512x64xf32>
    %swap3A_2810 = vector.shape_cast %swap3A_2809 : vector<1x1x512x64xf32> to vector<512x64xf32>
    %swap3A_2811 = vector.shape_cast %select_n3A_2804 : vector<512x64xf32> to vector<1x1x512x64xf32>
    tpu.vector_store %arg5[%swap3A_2805, %swap3A_2806, %swap3A_2807, %swap3A_2808], %swap3A_2811 {strides = array<i32>} : memref<1x64x512x64xf32, #tpu.memory_space<vmem>>, vector<1x1x512x64xf32>,
    %get3A_2812 = arith.constant 1026 : index
    %get3A_2813 = arith.constant 0 : index
    %get3A_2814 = vector.load %arg6[%get3A_2812, %get3A_2813] : memref<8320x64xf32, #tpu.memory_space<vmem>>, vector<1x64xf32>
    %swap3A_2815 = arith.constant 0 : index
    %swap3A_2816 = arith.constant 58 : index
    %swap3A_2817 = arith.constant 0 : index
    %swap3A_2818 = arith.constant 0 : index
    %swap3A_2819 = vector.load %arg5[%swap3A_2815, %swap3A_2816, %swap3A_2817, %swap3A_2818] : memref<1x64x512x64xf32, #tpu.memory_space<vmem>>, vector<1x1x1x64xf32>
    %swap3A_2820 = vector.shape_cast %swap3A_2819 : vector<1x1x1x64xf32> to vector<1x64xf32>
    %swap3A_2821 = vector.shape_cast %get3A_2814 : vector<1x64xf32> to vector<1x1x1x64xf32>
    tpu.vector_store %arg5[%swap3A_2815, %swap3A_2816, %swap3A_2817, %swap3A_2818], %swap3A_2821 {strides = array<i32>} : memref<1x64x512x64xf32, #tpu.memory_space<vmem>>, vector<1x1x1x64xf32>,
    %mul3A_2822 = arith.constant 64 : i32
    %mul3A_2823 = arith.muli %arg1, %mul3A_2822 : i32
    %add3A_2824 = arith.constant 59 : i32
    %add3A_2825 = arith.addi %mul3A_2823, %add3A_2824 : i32
    %get3A_2826 = arith.index_cast %arg0 : i32 to index
    %get3A_2827 = arith.index_cast %add3A_2825 : i32 to index
    %get3A_2828 = memref.load %arg3[%get3A_2826, %get3A_2827] : memref<4x512xi32, #tpu.memory_space<smem>>
    %get3A_2829 = arith.constant 0 : index
    %get3A_2830 = arith.constant 0 : index
    %get3A_2831 = arith.constant 0 : index
    %get3A_2832 = vector.load %arg4[%get3A_2829, %get3A_2830, %get3A_2831] : memref<1x512x1xi32, #tpu.memory_space<vmem>>, vector<1x512x1xi32>
    %get3A_2833 = vector.shape_cast %get3A_2832 : vector<1x512x1xi32> to vector<512x1xi32>
    %eq3A_2834 = vector.broadcast %get3A_2828 : i32 to vector<512x1xi32>
    %eq3A_2835 = arith.cmpi eq, %get3A_2833, %eq3A_2834 : vector<512x1xi32>
    %sub3A_2836 = arith.constant 511 : i32
    %sub3A_2837 = arith.subi %sub3A_2836, %add3A_2825 : i32
    %rem3A_2838 = arith.constant 8 : i32
    %rem3A_2839 = arith.remsi %sub3A_2837, %rem3A_2838 : i32
    %mul3A_2840 = arith.constant 1040 : i32
    %mul3A_2841 = arith.muli %rem3A_2839, %mul3A_2840 : i32
    %sub3A_2842 = arith.subi %sub3A_2837, %rem3A_2839 : i32
    %add3A_2843 = arith.addi %mul3A_2841, %sub3A_2842 : i32
    %multiple_of3A_2844 = tpu.assume_multiple %add3A_2843, 8 : i32
    %get3A_2845 = arith.index_cast %multiple_of3A_2844 : i32 to index
    %get3A_2846 = arith.constant 0 : index
    %get3A_2847 = vector.load %arg6[%get3A_2845, %get3A_2846] : memref<8320x64xf32, #tpu.memory_space<vmem>>, vector<512x64xf32>
    %broadcast_in_dim3A_2848 = vector.shape_cast %eq3A_2835 : vector<512x1xi1> to vector<512x1xi1>
    %broadcast_in_dim3A_2849 = vector.broadcast %broadcast_in_dim3A_2848 : vector<512x1xi1> to vector<512x64xi1>
    %broadcast_in_dim3A_2850 = vector.shape_cast %get3A_5 : vector<1x64xf32> to vector<1x64xf32>
    %broadcast_in_dim3A_2851 = vector.broadcast %broadcast_in_dim3A_2850 : vector<1x64xf32> to vector<512x64xf32>
    %select_n3A_2852 = arith.select %broadcast_in_dim3A_2849, %get3A_2847, %broadcast_in_dim3A_2851 : vector<512x64xi1>, vector<512x64xf32>
    %swap3A_2853 = arith.constant 0 : index
    %swap3A_2854 = arith.constant 59 : index
    %swap3A_2855 = arith.constant 0 : index
    %swap3A_2856 = arith.constant 0 : index
    %swap3A_2857 = vector.load %arg5[%swap3A_2853, %swap3A_2854, %swap3A_2855, %swap3A_2856] : memref<1x64x512x64xf32, #tpu.memory_space<vmem>>, vector<1x1x512x64xf32>
    %swap3A_2858 = vector.shape_cast %swap3A_2857 : vector<1x1x512x64xf32> to vector<512x64xf32>
    %swap3A_2859 = vector.shape_cast %select_n3A_2852 : vector<512x64xf32> to vector<1x1x512x64xf32>
    tpu.vector_store %arg5[%swap3A_2853, %swap3A_2854, %swap3A_2855, %swap3A_2856], %swap3A_2859 {strides = array<i32>} : memref<1x64x512x64xf32, #tpu.memory_space<vmem>>, vector<1x1x512x64xf32>,
    %get3A_2860 = arith.constant 1026 : index
    %get3A_2861 = arith.constant 0 : index
    %get3A_2862 = vector.load %arg6[%get3A_2860, %get3A_2861] : memref<8320x64xf32, #tpu.memory_space<vmem>>, vector<1x64xf32>
    %swap3A_2863 = arith.constant 0 : index
    %swap3A_2864 = arith.constant 59 : index
    %swap3A_2865 = arith.constant 0 : index
    %swap3A_2866 = arith.constant 0 : index
    %swap3A_2867 = vector.load %arg5[%swap3A_2863, %swap3A_2864, %swap3A_2865, %swap3A_2866] : memref<1x64x512x64xf32, #tpu.memory_space<vmem>>, vector<1x1x1x64xf32>
    %swap3A_2868 = vector.shape_cast %swap3A_2867 : vector<1x1x1x64xf32> to vector<1x64xf32>
    %swap3A_2869 = vector.shape_cast %get3A_2862 : vector<1x64xf32> to vector<1x1x1x64xf32>
    tpu.vector_store %arg5[%swap3A_2863, %swap3A_2864, %swap3A_2865, %swap3A_2866], %swap3A_2869 {strides = array<i32>} : memref<1x64x512x64xf32, #tpu.memory_space<vmem>>, vector<1x1x1x64xf32>,
    %mul3A_2870 = arith.constant 64 : i32
    %mul3A_2871 = arith.muli %arg1, %mul3A_2870 : i32
    %add3A_2872 = arith.constant 60 : i32
    %add3A_2873 = arith.addi %mul3A_2871, %add3A_2872 : i32
    %get3A_2874 = arith.index_cast %arg0 : i32 to index
    %get3A_2875 = arith.index_cast %add3A_2873 : i32 to index
    %get3A_2876 = memref.load %arg3[%get3A_2874, %get3A_2875] : memref<4x512xi32, #tpu.memory_space<smem>>
    %get3A_2877 = arith.constant 0 : index
    %get3A_2878 = arith.constant 0 : index
    %get3A_2879 = arith.constant 0 : index
    %get3A_2880 = vector.load %arg4[%get3A_2877, %get3A_2878, %get3A_2879] : memref<1x512x1xi32, #tpu.memory_space<vmem>>, vector<1x512x1xi32>
    %get3A_2881 = vector.shape_cast %get3A_2880 : vector<1x512x1xi32> to vector<512x1xi32>
    %eq3A_2882 = vector.broadcast %get3A_2876 : i32 to vector<512x1xi32>
    %eq3A_2883 = arith.cmpi eq, %get3A_2881, %eq3A_2882 : vector<512x1xi32>
    %sub3A_2884 = arith.constant 511 : i32
    %sub3A_2885 = arith.subi %sub3A_2884, %add3A_2873 : i32
    %rem3A_2886 = arith.constant 8 : i32
    %rem3A_2887 = arith.remsi %sub3A_2885, %rem3A_2886 : i32
    %mul3A_2888 = arith.constant 1040 : i32
    %mul3A_2889 = arith.muli %rem3A_2887, %mul3A_2888 : i32
    %sub3A_2890 = arith.subi %sub3A_2885, %rem3A_2887 : i32
    %add3A_2891 = arith.addi %mul3A_2889, %sub3A_2890 : i32
    %multiple_of3A_2892 = tpu.assume_multiple %add3A_2891, 8 : i32
    %get3A_2893 = arith.index_cast %multiple_of3A_2892 : i32 to index
    %get3A_2894 = arith.constant 0 : index
    %get3A_2895 = vector.load %arg6[%get3A_2893, %get3A_2894] : memref<8320x64xf32, #tpu.memory_space<vmem>>, vector<512x64xf32>
    %broadcast_in_dim3A_2896 = vector.shape_cast %eq3A_2883 : vector<512x1xi1> to vector<512x1xi1>
    %broadcast_in_dim3A_2897 = vector.broadcast %broadcast_in_dim3A_2896 : vector<512x1xi1> to vector<512x64xi1>
    %broadcast_in_dim3A_2898 = vector.shape_cast %get3A_5 : vector<1x64xf32> to vector<1x64xf32>
    %broadcast_in_dim3A_2899 = vector.broadcast %broadcast_in_dim3A_2898 : vector<1x64xf32> to vector<512x64xf32>
    %select_n3A_2900 = arith.select %broadcast_in_dim3A_2897, %get3A_2895, %broadcast_in_dim3A_2899 : vector<512x64xi1>, vector<512x64xf32>
    %swap3A_2901 = arith.constant 0 : index
    %swap3A_2902 = arith.constant 60 : index
    %swap3A_2903 = arith.constant 0 : index
    %swap3A_2904 = arith.constant 0 : index
    %swap3A_2905 = vector.load %arg5[%swap3A_2901, %swap3A_2902, %swap3A_2903, %swap3A_2904] : memref<1x64x512x64xf32, #tpu.memory_space<vmem>>, vector<1x1x512x64xf32>
    %swap3A_2906 = vector.shape_cast %swap3A_2905 : vector<1x1x512x64xf32> to vector<512x64xf32>
    %swap3A_2907 = vector.shape_cast %select_n3A_2900 : vector<512x64xf32> to vector<1x1x512x64xf32>
    tpu.vector_store %arg5[%swap3A_2901, %swap3A_2902, %swap3A_2903, %swap3A_2904], %swap3A_2907 {strides = array<i32>} : memref<1x64x512x64xf32, #tpu.memory_space<vmem>>, vector<1x1x512x64xf32>,
    %get3A_2908 = arith.constant 1026 : index
    %get3A_2909 = arith.constant 0 : index
    %get3A_2910 = vector.load %arg6[%get3A_2908, %get3A_2909] : memref<8320x64xf32, #tpu.memory_space<vmem>>, vector<1x64xf32>
    %swap3A_2911 = arith.constant 0 : index
    %swap3A_2912 = arith.constant 60 : index
    %swap3A_2913 = arith.constant 0 : index
    %swap3A_2914 = arith.constant 0 : index
    %swap3A_2915 = vector.load %arg5[%swap3A_2911, %swap3A_2912, %swap3A_2913, %swap3A_2914] : memref<1x64x512x64xf32, #tpu.memory_space<vmem>>, vector<1x1x1x64xf32>
    %swap3A_2916 = vector.shape_cast %swap3A_2915 : vector<1x1x1x64xf32> to vector<1x64xf32>
    %swap3A_2917 = vector.shape_cast %get3A_2910 : vector<1x64xf32> to vector<1x1x1x64xf32>
    tpu.vector_store %arg5[%swap3A_2911, %swap3A_2912, %swap3A_2913, %swap3A_2914], %swap3A_2917 {strides = array<i32>} : memref<1x64x512x64xf32, #tpu.memory_space<vmem>>, vector<1x1x1x64xf32>,
    %mul3A_2918 = arith.constant 64 : i32
    %mul3A_2919 = arith.muli %arg1, %mul3A_2918 : i32
    %add3A_2920 = arith.constant 61 : i32
    %add3A_2921 = arith.addi %mul3A_2919, %add3A_2920 : i32
    %get3A_2922 = arith.index_cast %arg0 : i32 to index
    %get3A_2923 = arith.index_cast %add3A_2921 : i32 to index
    %get3A_2924 = memref.load %arg3[%get3A_2922, %get3A_2923] : memref<4x512xi32, #tpu.memory_space<smem>>
    %get3A_2925 = arith.constant 0 : index
    %get3A_2926 = arith.constant 0 : index
    %get3A_2927 = arith.constant 0 : index
    %get3A_2928 = vector.load %arg4[%get3A_2925, %get3A_2926, %get3A_2927] : memref<1x512x1xi32, #tpu.memory_space<vmem>>, vector<1x512x1xi32>
    %get3A_2929 = vector.shape_cast %get3A_2928 : vector<1x512x1xi32> to vector<512x1xi32>
    %eq3A_2930 = vector.broadcast %get3A_2924 : i32 to vector<512x1xi32>
    %eq3A_2931 = arith.cmpi eq, %get3A_2929, %eq3A_2930 : vector<512x1xi32>
    %sub3A_2932 = arith.constant 511 : i32
    %sub3A_2933 = arith.subi %sub3A_2932, %add3A_2921 : i32
    %rem3A_2934 = arith.constant 8 : i32
    %rem3A_2935 = arith.remsi %sub3A_2933, %rem3A_2934 : i32
    %mul3A_2936 = arith.constant 1040 : i32
    %mul3A_2937 = arith.muli %rem3A_2935, %mul3A_2936 : i32
    %sub3A_2938 = arith.subi %sub3A_2933, %rem3A_2935 : i32
    %add3A_2939 = arith.addi %mul3A_2937, %sub3A_2938 : i32
    %multiple_of3A_2940 = tpu.assume_multiple %add3A_2939, 8 : i32
    %get3A_2941 = arith.index_cast %multiple_of3A_2940 : i32 to index
    %get3A_2942 = arith.constant 0 : index
    %get3A_2943 = vector.load %arg6[%get3A_2941, %get3A_2942] : memref<8320x64xf32, #tpu.memory_space<vmem>>, vector<512x64xf32>
    %broadcast_in_dim3A_2944 = vector.shape_cast %eq3A_2931 : vector<512x1xi1> to vector<512x1xi1>
    %broadcast_in_dim3A_2945 = vector.broadcast %broadcast_in_dim3A_2944 : vector<512x1xi1> to vector<512x64xi1>
    %broadcast_in_dim3A_2946 = vector.shape_cast %get3A_5 : vector<1x64xf32> to vector<1x64xf32>
    %broadcast_in_dim3A_2947 = vector.broadcast %broadcast_in_dim3A_2946 : vector<1x64xf32> to vector<512x64xf32>
    %select_n3A_2948 = arith.select %broadcast_in_dim3A_2945, %get3A_2943, %broadcast_in_dim3A_2947 : vector<512x64xi1>, vector<512x64xf32>
    %swap3A_2949 = arith.constant 0 : index
    %swap3A_2950 = arith.constant 61 : index
    %swap3A_2951 = arith.constant 0 : index
    %swap3A_2952 = arith.constant 0 : index
    %swap3A_2953 = vector.load %arg5[%swap3A_2949, %swap3A_2950, %swap3A_2951, %swap3A_2952] : memref<1x64x512x64xf32, #tpu.memory_space<vmem>>, vector<1x1x512x64xf32>
    %swap3A_2954 = vector.shape_cast %swap3A_2953 : vector<1x1x512x64xf32> to vector<512x64xf32>
    %swap3A_2955 = vector.shape_cast %select_n3A_2948 : vector<512x64xf32> to vector<1x1x512x64xf32>
    tpu.vector_store %arg5[%swap3A_2949, %swap3A_2950, %swap3A_2951, %swap3A_2952], %swap3A_2955 {strides = array<i32>} : memref<1x64x512x64xf32, #tpu.memory_space<vmem>>, vector<1x1x512x64xf32>,
    %get3A_2956 = arith.constant 1026 : index
    %get3A_2957 = arith.constant 0 : index
    %get3A_2958 = vector.load %arg6[%get3A_2956, %get3A_2957] : memref<8320x64xf32, #tpu.memory_space<vmem>>, vector<1x64xf32>
    %swap3A_2959 = arith.constant 0 : index
    %swap3A_2960 = arith.constant 61 : index
    %swap3A_2961 = arith.constant 0 : index
    %swap3A_2962 = arith.constant 0 : index
    %swap3A_2963 = vector.load %arg5[%swap3A_2959, %swap3A_2960, %swap3A_2961, %swap3A_2962] : memref<1x64x512x64xf32, #tpu.memory_space<vmem>>, vector<1x1x1x64xf32>
    %swap3A_2964 = vector.shape_cast %swap3A_2963 : vector<1x1x1x64xf32> to vector<1x64xf32>
    %swap3A_2965 = vector.shape_cast %get3A_2958 : vector<1x64xf32> to vector<1x1x1x64xf32>
    tpu.vector_store %arg5[%swap3A_2959, %swap3A_2960, %swap3A_2961, %swap3A_2962], %swap3A_2965 {strides = array<i32>} : memref<1x64x512x64xf32, #tpu.memory_space<vmem>>, vector<1x1x1x64xf32>,
    %mul3A_2966 = arith.constant 64 : i32
    %mul3A_2967 = arith.muli %arg1, %mul3A_2966 : i32
    %add3A_2968 = arith.constant 62 : i32
    %add3A_2969 = arith.addi %mul3A_2967, %add3A_2968 : i32
    %get3A_2970 = arith.index_cast %arg0 : i32 to index
    %get3A_2971 = arith.index_cast %add3A_2969 : i32 to index
    %get3A_2972 = memref.load %arg3[%get3A_2970, %get3A_2971] : memref<4x512xi32, #tpu.memory_space<smem>>
    %get3A_2973 = arith.constant 0 : index
    %get3A_2974 = arith.constant 0 : index
    %get3A_2975 = arith.constant 0 : index
    %get3A_2976 = vector.load %arg4[%get3A_2973, %get3A_2974, %get3A_2975] : memref<1x512x1xi32, #tpu.memory_space<vmem>>, vector<1x512x1xi32>
    %get3A_2977 = vector.shape_cast %get3A_2976 : vector<1x512x1xi32> to vector<512x1xi32>
    %eq3A_2978 = vector.broadcast %get3A_2972 : i32 to vector<512x1xi32>
    %eq3A_2979 = arith.cmpi eq, %get3A_2977, %eq3A_2978 : vector<512x1xi32>
    %sub3A_2980 = arith.constant 511 : i32
    %sub3A_2981 = arith.subi %sub3A_2980, %add3A_2969 : i32
    %rem3A_2982 = arith.constant 8 : i32
    %rem3A_2983 = arith.remsi %sub3A_2981, %rem3A_2982 : i32
    %mul3A_2984 = arith.constant 1040 : i32
    %mul3A_2985 = arith.muli %rem3A_2983, %mul3A_2984 : i32
    %sub3A_2986 = arith.subi %sub3A_2981, %rem3A_2983 : i32
    %add3A_2987 = arith.addi %mul3A_2985, %sub3A_2986 : i32
    %multiple_of3A_2988 = tpu.assume_multiple %add3A_2987, 8 : i32
    %get3A_2989 = arith.index_cast %multiple_of3A_2988 : i32 to index
    %get3A_2990 = arith.constant 0 : index
    %get3A_2991 = vector.load %arg6[%get3A_2989, %get3A_2990] : memref<8320x64xf32, #tpu.memory_space<vmem>>, vector<512x64xf32>
    %broadcast_in_dim3A_2992 = vector.shape_cast %eq3A_2979 : vector<512x1xi1> to vector<512x1xi1>
    %broadcast_in_dim3A_2993 = vector.broadcast %broadcast_in_dim3A_2992 : vector<512x1xi1> to vector<512x64xi1>
    %broadcast_in_dim3A_2994 = vector.shape_cast %get3A_5 : vector<1x64xf32> to vector<1x64xf32>
    %broadcast_in_dim3A_2995 = vector.broadcast %broadcast_in_dim3A_2994 : vector<1x64xf32> to vector<512x64xf32>
    %select_n3A_2996 = arith.select %broadcast_in_dim3A_2993, %get3A_2991, %broadcast_in_dim3A_2995 : vector<512x64xi1>, vector<512x64xf32>
    %swap3A_2997 = arith.constant 0 : index
    %swap3A_2998 = arith.constant 62 : index
    %swap3A_2999 = arith.constant 0 : index
    %swap3A_3000 = arith.constant 0 : index
    %swap3A_3001 = vector.load %arg5[%swap3A_2997, %swap3A_2998, %swap3A_2999, %swap3A_3000] : memref<1x64x512x64xf32, #tpu.memory_space<vmem>>, vector<1x1x512x64xf32>
    %swap3A_3002 = vector.shape_cast %swap3A_3001 : vector<1x1x512x64xf32> to vector<512x64xf32>
    %swap3A_3003 = vector.shape_cast %select_n3A_2996 : vector<512x64xf32> to vector<1x1x512x64xf32>
    tpu.vector_store %arg5[%swap3A_2997, %swap3A_2998, %swap3A_2999, %swap3A_3000], %swap3A_3003 {strides = array<i32>} : memref<1x64x512x64xf32, #tpu.memory_space<vmem>>, vector<1x1x512x64xf32>,
    %get3A_3004 = arith.constant 1026 : index
    %get3A_3005 = arith.constant 0 : index
    %get3A_3006 = vector.load %arg6[%get3A_3004, %get3A_3005] : memref<8320x64xf32, #tpu.memory_space<vmem>>, vector<1x64xf32>
    %swap3A_3007 = arith.constant 0 : index
    %swap3A_3008 = arith.constant 62 : index
    %swap3A_3009 = arith.constant 0 : index
    %swap3A_3010 = arith.constant 0 : index
    %swap3A_3011 = vector.load %arg5[%swap3A_3007, %swap3A_3008, %swap3A_3009, %swap3A_3010] : memref<1x64x512x64xf32, #tpu.memory_space<vmem>>, vector<1x1x1x64xf32>
    %swap3A_3012 = vector.shape_cast %swap3A_3011 : vector<1x1x1x64xf32> to vector<1x64xf32>
    %swap3A_3013 = vector.shape_cast %get3A_3006 : vector<1x64xf32> to vector<1x1x1x64xf32>
    tpu.vector_store %arg5[%swap3A_3007, %swap3A_3008, %swap3A_3009, %swap3A_3010], %swap3A_3013 {strides = array<i32>} : memref<1x64x512x64xf32, #tpu.memory_space<vmem>>, vector<1x1x1x64xf32>,
    %mul3A_3014 = arith.constant 64 : i32
    %mul3A_3015 = arith.muli %arg1, %mul3A_3014 : i32
    %add3A_3016 = arith.constant 63 : i32
    %add3A_3017 = arith.addi %mul3A_3015, %add3A_3016 : i32
    %get3A_3018 = arith.index_cast %arg0 : i32 to index
    %get3A_3019 = arith.index_cast %add3A_3017 : i32 to index
    %get3A_3020 = memref.load %arg3[%get3A_3018, %get3A_3019] : memref<4x512xi32, #tpu.memory_space<smem>>
    %get3A_3021 = arith.constant 0 : index
    %get3A_3022 = arith.constant 0 : index
    %get3A_3023 = arith.constant 0 : index
    %get3A_3024 = vector.load %arg4[%get3A_3021, %get3A_3022, %get3A_3023] : memref<1x512x1xi32, #tpu.memory_space<vmem>>, vector<1x512x1xi32>
    %get3A_3025 = vector.shape_cast %get3A_3024 : vector<1x512x1xi32> to vector<512x1xi32>
    %eq3A_3026 = vector.broadcast %get3A_3020 : i32 to vector<512x1xi32>
    %eq3A_3027 = arith.cmpi eq, %get3A_3025, %eq3A_3026 : vector<512x1xi32>
    %sub3A_3028 = arith.constant 511 : i32
    %sub3A_3029 = arith.subi %sub3A_3028, %add3A_3017 : i32
    %rem3A_3030 = arith.constant 8 : i32
    %rem3A_3031 = arith.remsi %sub3A_3029, %rem3A_3030 : i32
    %mul3A_3032 = arith.constant 1040 : i32
    %mul3A_3033 = arith.muli %rem3A_3031, %mul3A_3032 : i32
    %sub3A_3034 = arith.subi %sub3A_3029, %rem3A_3031 : i32
    %add3A_3035 = arith.addi %mul3A_3033, %sub3A_3034 : i32
    %multiple_of3A_3036 = tpu.assume_multiple %add3A_3035, 8 : i32
    %get3A_3037 = arith.index_cast %multiple_of3A_3036 : i32 to index
    %get3A_3038 = arith.constant 0 : index
    %get3A_3039 = vector.load %arg6[%get3A_3037, %get3A_3038] : memref<8320x64xf32, #tpu.memory_space<vmem>>, vector<512x64xf32>
    %broadcast_in_dim3A_3040 = vector.shape_cast %eq3A_3027 : vector<512x1xi1> to vector<512x1xi1>
    %broadcast_in_dim3A_3041 = vector.broadcast %broadcast_in_dim3A_3040 : vector<512x1xi1> to vector<512x64xi1>
    %broadcast_in_dim3A_3042 = vector.shape_cast %get3A_5 : vector<1x64xf32> to vector<1x64xf32>
    %broadcast_in_dim3A_3043 = vector.broadcast %broadcast_in_dim3A_3042 : vector<1x64xf32> to vector<512x64xf32>
    %select_n3A_3044 = arith.select %broadcast_in_dim3A_3041, %get3A_3039, %broadcast_in_dim3A_3043 : vector<512x64xi1>, vector<512x64xf32>
    %swap3A_3045 = arith.constant 0 : index
    %swap3A_3046 = arith.constant 63 : index
    %swap3A_3047 = arith.constant 0 : index
    %swap3A_3048 = arith.constant 0 : index
    %swap3A_3049 = vector.load %arg5[%swap3A_3045, %swap3A_3046, %swap3A_3047, %swap3A_3048] : memref<1x64x512x64xf32, #tpu.memory_space<vmem>>, vector<1x1x512x64xf32>
    %swap3A_3050 = vector.shape_cast %swap3A_3049 : vector<1x1x512x64xf32> to vector<512x64xf32>
    %swap3A_3051 = vector.shape_cast %select_n3A_3044 : vector<512x64xf32> to vector<1x1x512x64xf32>
    tpu.vector_store %arg5[%swap3A_3045, %swap3A_3046, %swap3A_3047, %swap3A_3048], %swap3A_3051 {strides = array<i32>} : memref<1x64x512x64xf32, #tpu.memory_space<vmem>>, vector<1x1x512x64xf32>,
    %get3A_3052 = arith.constant 1026 : index
    %get3A_3053 = arith.constant 0 : index
    %get3A_3054 = vector.load %arg6[%get3A_3052, %get3A_3053] : memref<8320x64xf32, #tpu.memory_space<vmem>>, vector<1x64xf32>
    %swap3A_3055 = arith.constant 0 : index
    %swap3A_3056 = arith.constant 63 : index
    %swap3A_3057 = arith.constant 0 : index
    %swap3A_3058 = arith.constant 0 : index
    %swap3A_3059 = vector.load %arg5[%swap3A_3055, %swap3A_3056, %swap3A_3057, %swap3A_3058] : memref<1x64x512x64xf32, #tpu.memory_space<vmem>>, vector<1x1x1x64xf32>
    %swap3A_3060 = vector.shape_cast %swap3A_3059 : vector<1x1x1x64xf32> to vector<1x64xf32>
    %swap3A_3061 = vector.shape_cast %get3A_3054 : vector<1x64xf32> to vector<1x1x1x64xf32>
    tpu.vector_store %arg5[%swap3A_3055, %swap3A_3056, %swap3A_3057, %swap3A_3058], %swap3A_3061 {strides = array<i32>} : memref<1x64x512x64xf32, #tpu.memory_space<vmem>>, vector<1x1x1x64xf32>,
    return
  }
  func.func @transform_0(%arg0: i32, %arg1: i32) -> (i32, i32) {
    %c0_i32 = arith.constant 0 : i32
    %c0_i32_0 = arith.constant 0 : i32
    %c0_i32_1 = arith.constant 0 : i32
    return %c0_i32, %c0_i32_0 : i32, i32
  }
  func.func @transform_1(%arg0: i32, %arg1: i32) -> (i32, i32) {
    %c0_i32 = arith.constant 0 : i32
    %c0_i32_0 = arith.constant 0 : i32
    %c0_i32_1 = arith.constant 0 : i32
    return %c0_i32, %c0_i32_0 : i32, i32
  }
  func.func @transform_2(%arg0: i32, %arg1: i32) -> (i32, i32, i32) {
    %c0_i32 = arith.constant 0 : i32
    %c0_i32_0 = arith.constant 0 : i32
    %c0_i32_1 = arith.constant 0 : i32
    return %arg0, %c0_i32, %c0_i32_0 : i32, i32, i32
  }
  func.func @transform_3(%arg0: i32, %arg1: i32) -> (i32, i32, i32, i32) {
    %c0_i32 = arith.constant 0 : i32
    %c0_i32_0 = arith.constant 0 : i32
    %c0_i32_1 = arith.constant 0 : i32
    return %arg0, %arg1, %c0_i32, %c0_i32_0 : i32, i32, i32, i32
  }
}

module attributes {stable_mosaic.version = 14 : i64} {
  func.func @_embd1_body(%arg0: i32, %arg1: memref<1x512x64xf32, #tpu.memory_space<vmem>>, %arg2: memref<1x512x1xi32, #tpu.memory_space<vmem>>, %arg3: memref<2x64xf32, #tpu.memory_space<vmem>>, %arg4: memref<1x512x64xf32, #tpu.memory_space<vmem>>) attributes {dimension_semantics = [#tpu.dimension_semantics<arbitrary>], iteration_bounds = array<i64: 4>, scalar_prefetch = 0 : i64, scratch_operands = 0 : i64, tpu.core_type = #tpu.core_type<tc>, window_params = [{transform_indices = @transform_0, window_bounds = array<i64: 1, 512, 64>}, {transform_indices = @transform_1, window_bounds = array<i64: 1, 512, 1>}, {pipeline_mode = #tpu.pipeline_mode<synchronous>, transform_indices = @transform_2, window_bounds = array<i64: 2, 64>}, {transform_indices = @transform_3, window_bounds = array<i64: 1, 512, 64>}]} {
    %get3A = arith.constant 0 : index
    %get3A_0 = arith.constant 0 : index
    %get3A_1 = arith.constant 0 : index
    %get3A_2 = vector.load %arg2[%get3A, %get3A_0, %get3A_1] : memref<1x512x1xi32, #tpu.memory_space<vmem>>, vector<1x512x1xi32>
    %get3A_3 = vector.shape_cast %get3A_2 : vector<1x512x1xi32> to vector<512x1xi32>
    %eq3A = arith.constant 0 : i32
    %eq3A_4 = vector.broadcast %eq3A : i32 to vector<512x1xi32>
    %eq3A_5 = arith.cmpi eq, %get3A_3, %eq3A_4 : vector<512x1xi32>
    %get3A_6 = arith.constant 0 : index
    %get3A_7 = arith.constant 0 : index
    %get3A_8 = vector.load %arg3[%get3A_6, %get3A_7] : memref<2x64xf32, #tpu.memory_space<vmem>>, vector<1x64xf32>
    %get3A_9 = arith.constant 1 : index
    %get3A_10 = arith.constant 0 : index
    %get3A_11 = vector.load %arg3[%get3A_9, %get3A_10] : memref<2x64xf32, #tpu.memory_space<vmem>>, vector<1x64xf32>
    %broadcast_in_dim3A = vector.shape_cast %eq3A_5 : vector<512x1xi1> to vector<512x1xi1>
    %broadcast_in_dim3A_12 = vector.broadcast %broadcast_in_dim3A : vector<512x1xi1> to vector<512x64xi1>
    %broadcast_in_dim3A_13 = vector.shape_cast %get3A_8 : vector<1x64xf32> to vector<1x64xf32>
    %broadcast_in_dim3A_14 = vector.broadcast %broadcast_in_dim3A_13 : vector<1x64xf32> to vector<512x64xf32>
    %broadcast_in_dim3A_15 = vector.shape_cast %get3A_11 : vector<1x64xf32> to vector<1x64xf32>
    %broadcast_in_dim3A_16 = vector.broadcast %broadcast_in_dim3A_15 : vector<1x64xf32> to vector<512x64xf32>
    %select_n3A = arith.select %broadcast_in_dim3A_12, %broadcast_in_dim3A_14, %broadcast_in_dim3A_16 : vector<512x64xi1>, vector<512x64xf32>
    %get3A_17 = arith.constant 0 : index
    %get3A_18 = arith.constant 0 : index
    %get3A_19 = arith.constant 0 : index
    %get3A_20 = vector.load %arg1[%get3A_17, %get3A_18, %get3A_19] : memref<1x512x64xf32, #tpu.memory_space<vmem>>, vector<1x512x64xf32>
    %get3A_21 = vector.shape_cast %get3A_20 : vector<1x512x64xf32> to vector<512x64xf32>
    %add3A = arith.addf %get3A_21, %select_n3A : vector<512x64xf32>
    %reduce_sum3A = arith.constant dense<0.000000e+00> : vector<512xf32>
    %reduce_sum3A_22 = vector.multi_reduction <add>, %add3A, %reduce_sum3A [1] : vector<512x64xf32> to vector<512xf32>
    %broadcast_in_dim3A_23 = vector.shape_cast %reduce_sum3A_22 : vector<512xf32> to vector<512x1xf32>
    %div3A = arith.constant 6.400000e+01 : f32
    %div3A_24 = vector.broadcast %div3A : f32 to vector<512x1xf32>
    %div3A_25 = arith.divf %broadcast_in_dim3A_23, %div3A_24 : vector<512x1xf32>
    %sub3A = vector.broadcast %div3A_25 : vector<512x1xf32> to vector<512x64xf32>
    %sub3A_26 = arith.subf %add3A, %sub3A : vector<512x64xf32>
    %integer_pow3A = arith.mulf %sub3A_26, %sub3A_26 : vector<512x64xf32>
    %reduce_sum3A_27 = arith.constant dense<0.000000e+00> : vector<512xf32>
    %reduce_sum3A_28 = vector.multi_reduction <add>, %integer_pow3A, %reduce_sum3A_27 [1] : vector<512x64xf32> to vector<512xf32>
    %broadcast_in_dim3A_29 = vector.shape_cast %reduce_sum3A_28 : vector<512xf32> to vector<512x1xf32>
    %div3A_30 = arith.constant 6.400000e+01 : f32
    %div3A_31 = vector.broadcast %div3A_30 : f32 to vector<512x1xf32>
    %div3A_32 = arith.divf %broadcast_in_dim3A_29, %div3A_31 : vector<512x1xf32>
    %sub3A_33 = vector.broadcast %div3A_25 : vector<512x1xf32> to vector<512x64xf32>
    %sub3A_34 = arith.subf %add3A, %sub3A_33 : vector<512x64xf32>
    %add3A_35 = arith.constant 9.99999996E-13 : f32
    %add3A_36 = vector.broadcast %add3A_35 : f32 to vector<512x1xf32>
    %add3A_37 = arith.addf %div3A_32, %add3A_36 : vector<512x1xf32>
    %sqrt3A = math.sqrt %add3A_37 : vector<512x1xf32>
    %div3A_38 = vector.broadcast %sqrt3A : vector<512x1xf32> to vector<512x64xf32>
    %div3A_39 = arith.divf %sub3A_34, %div3A_38 : vector<512x64xf32>
    %swap3A = arith.constant 0 : index
    %swap3A_40 = arith.constant 0 : index
    %swap3A_41 = arith.constant 0 : index
    %swap3A_42 = vector.load %arg4[%swap3A, %swap3A_40, %swap3A_41] : memref<1x512x64xf32, #tpu.memory_space<vmem>>, vector<1x512x64xf32>
    %swap3A_43 = vector.shape_cast %swap3A_42 : vector<1x512x64xf32> to vector<512x64xf32>
    %swap3A_44 = vector.shape_cast %div3A_39 : vector<512x64xf32> to vector<1x512x64xf32>
    tpu.vector_store %arg4[%swap3A, %swap3A_40, %swap3A_41], %swap3A_44 {strides = array<i32>} : memref<1x512x64xf32, #tpu.memory_space<vmem>>, vector<1x512x64xf32>,
    return
  }
  func.func @transform_0(%arg0: i32) -> (i32, i32, i32) {
    %c0_i32 = arith.constant 0 : i32
    %c0_i32_0 = arith.constant 0 : i32
    %c0_i32_1 = arith.constant 0 : i32
    return %arg0, %c0_i32, %c0_i32_0 : i32, i32, i32
  }
  func.func @transform_1(%arg0: i32) -> (i32, i32, i32) {
    %c0_i32 = arith.constant 0 : i32
    %c0_i32_0 = arith.constant 0 : i32
    %c0_i32_1 = arith.constant 0 : i32
    return %arg0, %c0_i32, %c0_i32_0 : i32, i32, i32
  }
  func.func @transform_2(%arg0: i32) -> (i32, i32) {
    %c0_i32 = arith.constant 0 : i32
    %c0_i32_0 = arith.constant 0 : i32
    %c0_i32_1 = arith.constant 0 : i32
    return %c0_i32, %c0_i32_0 : i32, i32
  }
  func.func @transform_3(%arg0: i32) -> (i32, i32, i32) {
    %c0_i32 = arith.constant 0 : i32
    %c0_i32_0 = arith.constant 0 : i32
    %c0_i32_1 = arith.constant 0 : i32
    return %arg0, %c0_i32, %c0_i32_0 : i32, i32, i32
  }
}

</mosaic_0001>

<sc_bundles>
// kernel: kernel.5.cloned.1.call-start
scs
__scs_entry_jumppad:
0x0: {  	(pc) =	sbr.rel $0x88, $3  }
0x1: {  	(tag) =	ssettag $0x0;
	lr =	simm.s32 $0x1  }
0x2: {  	[smem:$0x3F9C] =	sst lr;
	_ =	strace $0xD0000000  }
0x3: {  	_ = 	snop  }
0x4: {  	_ = 	snop  }
0x5: {  	_ = 	snop  }
0x6: {  	_ = 	snop  }
0x7: {  	_ = 	snop  }
__scs_overlays_trampoline_lowered:
0x8: {  	[smem:$0x3FAB] =	sst s0  }
0x9: {  	[smem:$0x3FAC] =	sst s1  }
0xa: {  	[smem:$0x3FAD] =	sst s2  }
0xb: {  	[smem:$0x3FAE] =	sst s3  }
0xc: {  	[smem:$0x3FAF] =	sst s4  }
0xd: {  	[smem:$0x3FB0] =	sst s5  }
0xe: {  	[smem:$0x3FB1] =	sst s6  }
0xf: {  	[smem:$0x3FB2] =	sst s7  }
0x10: {  	[smem:$0x3FB3] =	sst s8  }
0x11: {  	[smem:$0x3FB4] =	sst s9;
	s0 =	simm.s32 @!p0 $0x0  }
0x12: {  	s1 =	sld [smem:$0x3F9A];
	s0 =	simm.s32 @p0 $0x1  }
0x13: {  	[smem:$0x3FB5] =	sst s0;
	s0 =	simm.s32 @!p1 $0x0  }
0x14: {  	s2 =	sld [smem:$0x3F99];
	s0 =	simm.s32 @p1 $0x1  }
0x15: {  	[smem:$0x3FB6] =	sst s0;
	s0 =	simm.s32 @!p2 $0x0  }
0x16: {  	s3 =	sld [smem:$0x3FDB];
	s0 =	simm.s32 @p2 $0x1  }
0x17: {  	s4 =	simm.s32 $0x1BF5;
	[smem:$0x3FB8] =	sst s0  }
0x18: {  	s0 =	sld [smem:$0x3F9B];
	_ =	swait.ge [sflag:s4], $0x0  }
0x19: {  	s7 =	sld [smem:$0x3F9C]  }
0x1a: {  	s8 =	sadd.s32 $0xFFFFE003, lr  }
0x1b: {  	s9 =	sadd.s32 $0xFFFFFEF7, lr;
	s5 =	simm.s32 $0xFFFFFFFF;
	p2 =	slt.u32 s8, $0xFFFFF086  }
0x1c: {  	p1 =	slt.u32 s9, $0xF7A;
	s5 =	simm.s32 @!p2 $0x0  }
0x1d: {  	s5 =	simm.s32 @p1 $0x1;
	p0 =	seq.s32 s7, s2  }
0x1e: {  	s7 =	smul.u32 @!p0 $0xF7A, s2;
	p2 =	seq.s32 @!p0 s5, $0x0  }
0x1f: {  	s9 =	smul.u32 $0xF7A, s1;
	s8 =	simm.s32 @!p0 $0x1BF5;
	p2 =	por !p2, p0  }
0x20: {  	[sflag:s8] =	ssyncset.s32 @!p0 $0xFFFFF086;
	s6 =	sadd.s32 @!p0 s3, s7;
	s7 =	simm.s32 @!p0 $0x108  }
0x21: {  	s3 =	sadd.s32 s3, s9;
	s6 =	sadd.s32 @!p0 $0x88, s6;
	s7 =	simm.s32 @p2 $0x1082  }
0x22: {  	[simem:s7], [sflag:s8] =	dma.local @!p0 [hbm:s6], $0xF7A  }
0x23: {  	s9 =	sor.u32 $0xD0000000, s2;
	s6 =	simm.s32 $0x108;
	_ =	swait.ge @!p0 [sflag:s8], $0x0  }
0x24: {  	s3 =	sadd.s32 $0x88, s3;
	s6 =	simm.s32 @!p1 $0x1082;
	[sflag:s4] =	ssyncset.s32 $0xFFFFF086  }
0x25: {  	[simem:s6], [sflag:s4] =	dma.local [hbm:s3], $0xF7A  }
0x26: {  	[smem:$0x3F9C] =	sst s1;
	(tag) =	ssettag s2;
	_ =	strace s9  }
0x27: {  	s1 =	sld [smem:$0x3FAC]  }
0x28: {  	s2 =	sld [smem:$0x3FAD]  }
0x29: {  	s4 =	sld [smem:$0x3FAF]  }
0x2a: {  	p0 =	seq.s32 s5, $0x0;
	s5 =	sld [smem:$0x3FB0]  }
0x2b: {  	s6 =	sld [smem:$0x3FB1]  }
0x2c: {  	s7 =	sld [smem:$0x3FB2]  }
0x2d: {  	s3 =	simm.s32 $0x108;
	s8 =	sld [smem:$0x3FB3]  }
0x2e: {  	s3 =	simm.s32 @!p0 $0x1082;
	s9 =	sld [smem:$0x3FB4]  }
0x2f: {  	lr =	sadd.s32 s0, s3;
	s0 =	sld [smem:$0x3FAB]  }
0x30: {  	s3 =	sld [smem:$0x3FAE]  }
0x31: {  	[smem:$0x3FB7] =	sst s10  }
0x32: {  	s10 =	sld [smem:$0x3FB5];
	_ =	sdelay $0x3  }
0x33: {  	p0 =	seq.s32 s10, $0x1;
	s10 =	sld [smem:$0x3FB7];
	_ =	sdelay $0x3  }
0x34: {  	[smem:$0x3FB7] =	sst s10  }
0x35: {  	s10 =	sld [smem:$0x3FB6];
	_ =	sdelay $0x3  }
0x36: {  	p1 =	seq.s32 s10, $0x1;
	s10 =	sld [smem:$0x3FB7];
	_ =	sdelay $0x3  }
0x37: {  	[smem:$0x3FB7] =	sst s10  }
0x38: {  	s10 =	sld [smem:$0x3FB8]  }
0x39: {  	_ = 	snop;
	(pc) =	sbr.ind lr, $3  }
0x3a: {  	_ = 	snop  }
0x3b: {  	_ = 	snop  }
0x3c: {  	p2 =	seq.s32 s10, $0x1;
	s10 =	sld [smem:$0x3FB7]  }
0x3d: {  	_ =	shalt  }
0x3e: {  	_ =	shalt  }
0x3f: {  	_ =	shalt  }
0x40: {  	_ =	shalt  }
0x41: {  	_ =	shalt  }
0x42: {  	_ =	shalt  }
0x43: {  	_ =	shalt  }
0x44: {  	_ =	shalt  }
0x45: {  	_ =	shalt  }
0x46: {  	_ =	shalt  }
0x47: {  	_ =	shalt  }
0x48: {  	_ =	shalt  }
0x49: {  	_ =	shalt  }
0x4a: {  	_ =	shalt  }
0x4b: {  	_ =	shalt  }
0x4c: {  	_ =	shalt  }
0x4d: {  	_ =	shalt  }
0x4e: {  	_ =	shalt  }
0x4f: {  	_ =	shalt  }
0x50: {  	_ =	shalt  }
0x51: {  	_ =	shalt  }
0x52: {  	_ =	shalt  }
0x53: {  	_ =	shalt  }
0x54: {  	_ =	shalt  }
0x55: {  	_ =	shalt  }
0x56: {  	_ =	shalt  }
0x57: {  	_ =	shalt  }
0x58: {  	_ =	shalt  }
0x59: {  	_ =	shalt  }
0x5a: {  	_ =	shalt  }
0x5b: {  	_ =	shalt  }
0x5c: {  	_ =	shalt  }
0x5d: {  	_ =	shalt  }
0x5e: {  	_ =	shalt  }
0x5f: {  	_ =	shalt  }
0x60: {  	_ =	shalt  }
0x61: {  	_ =	shalt  }
0x62: {  	_ =	shalt  }
0x63: {  	_ =	shalt  }
0x64: {  	_ =	shalt  }
0x65: {  	_ =	shalt  }
0x66: {  	_ =	shalt  }
0x67: {  	_ =	shalt  }
0x68: {  	_ =	shalt  }
0x69: {  	_ =	shalt  }
0x6a: {  	_ =	shalt  }
0x6b: {  	_ =	shalt  }
0x6c: {  	_ =	shalt  }
0x6d: {  	_ =	shalt  }
0x6e: {  	_ =	shalt  }
0x6f: {  	_ =	shalt  }
0x70: {  	_ =	shalt  }
0x71: {  	_ =	shalt  }
0x72: {  	_ =	shalt  }
0x73: {  	_ =	shalt  }
0x74: {  	_ =	shalt  }
0x75: {  	_ =	shalt  }
0x76: {  	_ =	shalt  }
0x77: {  	_ =	shalt  }
0x78: {  	_ =	shalt  }
0x79: {  	_ =	shalt  }
0x7a: {  	_ =	shalt  }
0x7b: {  	_ =	shalt  }
0x7c: {  	_ =	shalt  }
0x7d: {  	_ =	shalt  }
0x7e: {  	_ =	shalt  }
0x7f: {  	_ =	shalt  }
0x80: {  	_ =	shalt  }
0x81: {  	_ =	shalt  }
0x82: {  	_ =	shalt  }
0x83: {  	_ =	shalt  }
0x84: {  	_ =	shalt  }
0x85: {  	_ =	shalt  }
0x86: {  	_ =	shalt  }
0x87: {  	_ =	shalt  }
.Lfunc_end0:
.L_simem_size_0:
called_computation_lowered:
.L_overlay_start_0:
0x88: {  	s2 =	sld [smem:$0x3FD9]  }
0x89: {  	s3 =	sld [smem:$0x3FFE];
	_ =	sdelay $0x1  }
0x8a: {  	s1 =	srdreg.scid  }
0x8b: {  	s0 =	sand.u32 $0x1, s1  }
0x8c: {  	s14 =	sshll.u32 s0, $0xA;
	s2 =	sadd.s32 s3, s2  }
0x8d: {  	s2 =	sadd.s32 s2, s14  }
0x8e: {  	[smem:$0x3FC3] =	sst s2  }
0x8f: {  	_ = 	snop  }
0x90: {  	s2 =	sld [smem:$0x3FD0];
	_ =	sdelay $0x2  }
0x91: {  	s15 =	simm.s32 $0xA;
	s4 =	simm.s32 $0x10  }
0x92: {  	[smem:s4], [sflag:s15] =	dma.local [hbm:s2], $0x1  }
0x93: {  	_ =	swait.eq [sflag:s15], $0x1  }
0x94: {  	[sflag:s15] =	ssyncset.done $0x0  }
0x95: {  	[sflag:s15] =	ssyncadd.s32 $0xFFFFFFFF  }
0x96: {  	s16 =	sld [smem:$0x10];
	(tm) =	ssettm $0x1  }
0x97: {  	s17 =	sld [smem:$0x3FFB];
	_ =	sdelay $0x3  }
0x98: {  	_ =	strace s17  }
0x99: {  	s3 =	sld [smem:$0x3FFC];
	_ =	sdelay $0x3  }
0x9a: {  	_ =	strace s3  }
0x9b: {  	s3 =	sld [smem:$0x3FFD];
	_ =	sdelay $0x3  }
0x9c: {  	_ =	strace s3  }
0x9d: {  	_ =	strace $0x8FFFFFFF  }
0x9e: {  	s18 =	sld [smem:$0x3FDB];
	_ =	sdelay $0x1  }
0x9f: {  	s19 =	simm.s32 $_scs_section_size  }
0xa0: {  	s5 =	simm.s32 $_size__tile_overlayer_lowered;
	s6 =	simm.s32 $_tile_overlayer_lowered  }
0xa1: {  	s22 =	simm.s32 $0x1BFF;
	s21 =	sshll.u32 s6, $0x1;
	s3 =	sadd.s32 s19, s18  }
0xa2: {  	s7 =	simm.s32 $0x0;
	s20 =	sshll.u32 s5, $0x1;
	s5 =	sadd.s32 s21, s3  }
0xa3: {  	[timem:s7], [sflag:s22] =	dma.local [hbm:s5], s20  }
0xa4: {  	_ =	swait.ge [sflag:s22], s20  }
0xa5: {  	s4 =	ssub.s32 $0x0, s20;
	[sflag:s22] =	ssyncset.done $0x0  }
0xa6: {  	[sflag:s22] =	ssyncadd.s32 s4;
	_ =	sdelay $0x1  }
0xa7: {  	s23 =	simm.s32 $0x1B8B  }
0xa8: {  	_ =	swait.ge [sflag:s23], $0x1  }
0xa9: {  	[sflag:s23] =	ssyncset.done $0x0  }
0xaa: {  	s25 =	simm.s32 $0x1B8E;
	s24 =	sld [smem:$0x3FFE];
	[sflag:s23] =	ssyncadd.s32 $0xFFFFFFFF  }
0xab: {  	s26 =	simm.s32 $execute0_lowered;
	[smem:$0x3FD2] =	sst s25  }
0xac: {  	s5 =	sshll.u32 s26, $0x1;
	_ =	strace $0x80000046;
	[dreg:$0x1] =	wrdreg $0xFFFFFFFF  }
0xad: {  	s28 =	simm.s32 $_size_execute0_lowered;
	s3 =	sadd.s32 s3, s5;
	[dreg:$0x0] =	wrdreg $0x0  }
0xae: {  	s5 =	sshll.u32 s28, $0x1;
	[dreg:$0x2] =	wrdreg s3  }
0xaf: {  	[dreg:$0x3] =	wrdreg s5  }
0xb0: {  	[dreg:$0x4] =	wrdreg $0xC0  }
0xb1: {  	_ =	task [dreg:s7], $0x5FFFF  }
0xb2: {  	[dreg:$0x1] =	wrdreg $0xFFFFFFFF  }
0xb3: {  	[dreg:$0x0] =	wrdreg $0x60  }
0xb4: {  	[dreg:$0x2] =	wrdreg s24  }
0xb5: {  	[dreg:$0x3] =	wrdreg s16  }
0xb6: {  	[dreg:$0x4] =	wrdreg $0x9  }
0xb7: {  	_ =	task.clear_ibuf [dreg:s7], $0x5FFFF;
	_ =	strace $0x90000046  }
0xb8: {  	s29 =	simm.s32 $0x9;
	_ =	strace $0x80000048  }
0xb9: {  	_ =	swait.ge [sflag:s29], $0x1  }
0xba: {  	[sflag:s29] =	ssyncadd.s32 $0xFFFFFFFF  }
0xbb: {  	_ =	strace $0x90000048  }
0xbc: {  	_ =	sfence  }
0xbd: {  	s30 =	sld [smem:$0x0];
	_ =	sdelay $0x2  }
0xbe: {  	s31 =	sshll.u32 s1, $0xD;
	s1 =	sshrl.u32 s1, $0x2  }
0xbf: {  	s3 =	sand.u32 $0x4000, s31;
	s1 =	sadd.s32 s1, s30  }
0xc0: {  	s0 =	sor.u32 s3, s0;
	s1 =	sshll.u32 s1, $0x11  }
0xc1: {  	s0 =	sor.u32 s1, s0  }
0xc2: {  	s0 =	sadd.s32 $0x8F2B, s0  }
0xc3: {  	[sflag:s0] =	ssyncadd.remote.s32 $0x1  }
0xc4: {  	_ =	sfence.sel $0xFFFF  }
0xc5: {  	[dreg:$0x0] =	wrdreg $0xFFFFFFFF;
	(pc) =	sbr.abs _section_cstart, $3  }
0xc6: {  	[dreg:$0x1] =	wrdreg $0xFFFFFFFF  }
0xc7: {  	_ =	task.clear_ibuf [dreg:s7], $0x2FFFF;
	_ =	strace $0x9FFFFFFF  }
0xc8: {  	(tm) =	ssettm $0x7FFFFFFF  }
0xc9: {  	_ =	shalt  }
tec
execute0_lowered:
.L_overlay_start_1:
0x0: {  	(tag) =	ssettag $0x1  }
0x1: {  	s1 =	srdreg.scid  }
0x2: {  	s0 =	stileid.u32;
	s6 =	sand.u32 $0x1, s1  }
0x3: {  	s5 =	rddreg [dreg:$0x0];
	s30 =	sshll.u32 s0, $0x7;
	s2 =	sshll.u32 s6, $0x6  }
0x4: {  	s8 =	rddreg [dreg:$0x1];
	s9 =	sor.u32 s2, s30  }
0x5: {  	s1 =	rddreg [dreg:$0x2];
	s2 =	simm.s32 $0x0;
	s3 =	sshrl.u32 s9, $0x3  }
0x6: {  	s10 =	ssub.s32 $0x2, s6;
	[smem:$0x7FF] =	sst s2;
	s3 =	sadd.s32 s3, s5  }
0x7: {  	_ =	strace $0x80000047;
	s4 =	sadd.s32 $0xC00, s3;
	s3 =	simm.s32 $0x2  }
0x8: {  	[tilespmem:s2], [sflag:$0x2] =	stream.linear.gather [hbm4b:s4+s2], $0x40, $0x38;
	[tilespmem:$0x1040] =	vst v63  }
0x9: {  	s7 =	simm.s32 $0x1;
	s11 =	sshrl.u32 s10, $0x1;
	_ =	swait.ge [sflag:s3], $0x40  }
0xa: {  	s6 =	simm.s32 $0x40;
	s10 =	ssub.s32 s10, s11;
	[sflag:s3] =	ssyncset.done $0x0  }
0xb: {  	s5 =	sadd.s32 $0xE00, s5;
	s31 =	smax.u32 s10, $0x1;
	[sflag:s3] =	ssyncadd.s32 $0xFFFFFFC0  }
0xc: {  	[tilespmem:s6], [sflag:$0x1] =	stream.indirect.gather [hbm4b:s5+s6], $0x40, s2, s6, $0xb8;
	[tilespmem:$0x1040] =	vst v63  }
0xd: {  	p0 =	sne.s32 s31, $0x1;
	_ =	swait.ge [sflag:s7], $0x1000  }
.Ltmp0:
0xe: {  	s9 =	sshll.u32 s9, $0x3;
	[sflag:s7] =	ssyncset.done $0x0;
	(pc) =	sbr.rel @!p0 .LBB2_2-.Ltmp0, $4  }
0xf: {  	s8 =	sadd.s32 s8, s9;
	[sflag:s7] =	ssyncadd.s32 $0xFFFFF000  }
0x10: {  	[hbm4b:s8+s2] =	stream.linear.scatter [tilespmem:s6], [sflag:$0x2], $0x1000, $0x38;
	[tilespmem:$0x1040] =	vst v63  }
0x11: {  	_ =	swait.ge [sflag:s3], $0x1000  }
0x12: {  	s9 =	sadd.s32 $0xFFFFFFFF, s31;
	[sflag:s3] =	ssyncset.done $0x0  }
.LBB2_1:
0x13: {  	p0 =	sne.s32 s9, $0x1;
	s9 =	sadd.s32 $0xFFFFFFFF, s9;
	[sflag:s3] =	ssyncadd.s32 $0xFFFFF000  }
0x14: {  	[tilespmem:s2], [sflag:$0x2] =	stream.linear.gather [hbm4b:s4+s2], $0x40, $0x38;
	[tilespmem:$0x1040] =	vst v63  }
0x15: {  	_ =	swait.ge [sflag:s3], $0x40  }
0x16: {  	[sflag:s3] =	ssyncset.done $0x0  }
0x17: {  	[sflag:s3] =	ssyncadd.s32 $0xFFFFFFC0  }
0x18: {  	[tilespmem:s6], [sflag:$0x1] =	stream.indirect.gather [hbm4b:s5+s6], $0x40, s2, s6, $0xb8;
	[tilespmem:$0x1040] =	vst v63  }
0x19: {  	_ =	swait.ge [sflag:s7], $0x1000  }
.Ltmp1:
0x1a: {  	[sflag:s7] =	ssyncset.done $0x0;
	(pc) =	sbr.rel @p0 .LBB2_1-.Ltmp1, $4  }
0x1b: {  	[sflag:s7] =	ssyncadd.s32 $0xFFFFF000  }
0x1c: {  	[hbm4b:s8+s2] =	stream.linear.scatter [tilespmem:s6], [sflag:$0x2], $0x1000, $0x38;
	[tilespmem:$0x1040] =	vst v63  }
0x1d: {  	_ =	swait.ge [sflag:s3], $0x1000  }
0x1e: {  	[sflag:s3] =	ssyncset.done $0x0  }
.LBB2_2:
0x1f: {  	[sflag:s3] =	ssyncadd.s32 $0xFFFFF000  }
0x20: {  	_ =	sfence.sel $0x180000  }
0x21: {  	[bflag:$0x0] =	sbarrier.arrive $0xFFFF  }
0x22: {  	p0 =	sne.s32 s0, $0x0;
	_ =	strace $0x90000047  }
0x23: {  	s0 =	sadd.s32 @!p0 $0x100000, s1;
	[bflag:$0x2] =	sbarrier.arrive $0xFFFF  }
0x24: {  	[sflag:s0] =	ssyncadd.tile.s32 @!p0 $0x1;
	_ =	shalt  }
.Lfunc_end2:
_tile_overlayer_lowered:
.L_overlay_start_2:
0x25: {  	(tag) =	ssettag $0x2  }
0x26: {  	s0 =	rddreg [dreg:$0x0];
	s2 =	stileid.u32  }
0x27: {  	s1 =	rddreg [dreg:$0x1];
	p0 =	sne.s32 s2, $0x0  }
0x28: {  	s3 =	rddreg [dreg:$0x2];
	[bflag:$0x3] =	sbarrier.arrive $0xFFFF;
	s2 =	simm.s32 @!p0 $0x1C02  }
0x29: {  	[timem:s3], [sflag:s2] =	dma.local @!p0 [hbm:s0], s1  }
0x2a: {  	s0 =	simm.s32 @!p0 $0x2  }
0x2b: {  	_ =	swait.ge @!p0 [sflag:s0], s1  }
0x2c: {  	s1 =	ssub.s32 @!p0 $0x0, s1;
	[sflag:s0] =	ssyncset.done @!p0 $0x0  }
0x2d: {  	[sflag:s0] =	ssyncadd.s32 @!p0 s1  }
0x2e: {  	[bflag:$0x3] =	sbarrier.arrive $0xFFFF  }
0x2f: {  	_ =	shalt  }

</sc_bundles>
